<compile_context>
chip_gen: v7x
topology: tpu7x:2x2x1
jax: 0.10.2.dev20260603
libtpu: 0.0.44.dev20260713+nightly
codegen_flags: <defaults>
</compile_context>

<pallas_src>
import functools

import jax
import jax.numpy as jnp
from jax import lax
from jax.experimental import pallas as pl
from jax.experimental.pallas import tpu as pltpu
from jax.experimental.pallas import tpu_sc as plsc

NC = 2
NS = 16
NW = NC * NS
L = 16

B = 8
C = 19
H = 512
W = 512
TH = 8
TW = 128

H_TC = 256
WPI = NW // B
HROWS = (H - H_TC) // WPI
P = TH * TW
NWB = W // TW
NHB = HROWS // TH
NCHUNK = NHB * NWB
NBUF = 4

TC_BH = 256


def _sc_body(pred_hbm, y_hbm, out_hbm, xbuf, ybuf, accv, sem0, sem1, sem2, sem3):
    cid = lax.axis_index("c")
    sid = lax.axis_index("s")
    wid = sid * NC + cid
    b = wid // WPI
    h0 = H_TC + (wid % WPI) * HROWS
    sems = [sem0, sem1, sem2, sem3]

    def start(chunk, slot):
        h = h0 + (chunk // NWB) * TH
        wc = (chunk % NWB) * TW
        pltpu.async_copy(
            pred_hbm.at[b, :, pl.ds(h, TH), pl.ds(wc, TW)],
            xbuf.at[slot],
            sems[slot],
        )
        pltpu.async_copy(
            y_hbm.at[b, pl.ds(h, TH), pl.ds(wc, TW)], ybuf.at[slot], sems[slot]
        )

    def wait(slot):
        pltpu.make_async_copy(
            pred_hbm.at[0, :, pl.ds(0, TH), pl.ds(0, TW)],
            xbuf.at[slot],
            sems[slot],
        ).wait()
        pltpu.make_async_copy(
            y_hbm.at[0, pl.ds(0, TH), pl.ds(0, TW)], ybuf.at[slot], sems[slot]
        ).wait()

    iotav = lax.iota(jnp.int32, L)

    def compute(slot, acc):
        def jbody(j, acc):
            r = j // TH
            o16 = (j % TH) * L
            ys = ybuf[slot, r, pl.ds(o16, L)]
            lane = iotav + o16
            rvec = jnp.full((L,), 0, jnp.int32) + r
            xs = [xbuf[slot, c, r, pl.ds(o16, L)] for c in range(C)]
            s = jnp.exp(xs[0])
            for c in range(1, C):
                s = s + jnp.exp(xs[c])
            g = plsc.load_gather(xbuf.at[slot], [ys, rvec, lane])
            return acc + jnp.exp(g) / s

        return lax.fori_loop(0, P // L, jbody, acc)

    for slot in range(NBUF):
        start(slot, slot)

    def outer(t, acc):
        for slot in range(NBUF):
            chunk = t * NBUF + slot
            wait(slot)
            acc = compute(slot, acc)
            nxt = chunk + NBUF

            @pl.when(nxt < NCHUNK)
            def _():
                start(nxt, slot)
        return acc

    acc = lax.fori_loop(0, NCHUNK // NBUF, outer, jnp.zeros((L,), jnp.float32))
    accv[...] = acc
    pltpu.sync_copy(accv, out_hbm.at[wid])


def _nce_sc(pred, y2):
    mesh = plsc.VectorSubcoreMesh(
        core_axis_name="c", subcore_axis_name="s", num_cores=NC, num_subcores=NS
    )
    k = functools.partial(
        pl.kernel,
        out_type=jax.ShapeDtypeStruct((NW, L), jnp.float32),
        mesh=mesh,
        scratch_types=[
            pltpu.VMEM((NBUF, C, TH, TW), jnp.float32),
            pltpu.VMEM((NBUF, TH, TW), jnp.int32),
            pltpu.VMEM((L,), jnp.float32),
            pltpu.SemaphoreType.DMA,
            pltpu.SemaphoreType.DMA,
            pltpu.SemaphoreType.DMA,
            pltpu.SemaphoreType.DMA,
        ],
        compiler_params=pltpu.CompilerParams(
            use_tc_tiling_on_sc=True, needs_layout_passes=False
        ),
    )(_sc_body)
    return k(pred, y2)


def _tc_block(pred_ref, y_ref, out_ref):
    i = pl.program_id(0)
    j = pl.program_id(1)

    x = pred_ref[0]
    y = y_ref[0]
    c, bh, w = x.shape

    m = jnp.max(x, axis=0)
    e = jnp.exp(x - m[None])
    s = jnp.sum(e, axis=0)
    cls = jax.lax.broadcasted_iota(jnp.int32, (c, bh, w), 0)
    sel = jnp.sum(jnp.where(cls == y[None], e, 0.0), axis=0)
    partial = jnp.sum(sel / s)

    @pl.when(jnp.logical_and(i == 0, j == 0))
    def _():
        out_ref[0, 0] = 0.0

    out_ref[0, 0] += partial


def _nce_tc(pred, y2):
    grid = (B, H_TC // TC_BH)
    out = pl.pallas_call(
        _tc_block,
        grid=grid,
        in_specs=[
            pl.BlockSpec((1, C, TC_BH, W), lambda i, j: (i, 0, j, 0)),
            pl.BlockSpec((1, TC_BH, W), lambda i, j: (i, j, 0)),
        ],
        out_specs=pl.BlockSpec(
            (1, 1), lambda i, j: (0, 0), memory_space=pltpu.SMEM
        ),
        out_shape=jax.ShapeDtypeStruct((1, 1), jnp.float32),
    )(pred, y2)
    return out[0, 0]


def kernel(pred, y_true):
    b, c, h, w = pred.shape
    y2 = y_true.astype(jnp.int32)
    sc_part = _nce_sc(pred, y2)
    tc_part = _nce_tc(pred, y2)
    return (jnp.sum(sc_part) + tc_part) / jnp.float32(b * h * w)

# --- scband reference (transcript-rebuilt; emitter-appended) ---
"""Pipeline reference for scband-nceloss-28724741275881 (READ-ONLY COPY).

The authoritative reference and input builder live on the scoring server;
editing this copy changes nothing except your own understanding.
"""

import jax, jax.numpy as jnp
import numpy as np

SCALE = 1.0

def setup_inputs(seed: int = 0) -> dict:
    key = jax.random.key(seed)
    k1, k2 = jax.random.split(key)
    pred = jax.random.normal(k1, (8, 19, 512, 512), dtype=jnp.float32)
    y_true = jax.random.randint(k2, (8, 512, 512), 0, 19, dtype=jnp.int64)
    return {"pred": pred, "y_true": y_true}

def reference(pred, y_true):
    # replicate: if (y_true == 255).sum() > 0: y_true[y_true == 255] = y_true.min()
    yt = jnp.where(y_true == 255, jnp.min(y_true), y_true)
    p = jax.nn.softmax(pred, axis=1)
    num_classes = pred.shape[1]
    # make_one_hot: scatter 1s along class dim -> [B, C, H, W]
    label_one_hot = jax.nn.one_hot(yt, num_classes, axis=1, dtype=p.dtype)
    # backlabel is None -> backlabel = 1.0 (unused scalar in original since loss formula ignores it)
    loss = (-1.0 * jnp.sum(label_one_hot * p, axis=1)) / (-jnp.sum(p, axis=1))
    return SCALE * jnp.mean(loss)

if __name__ == "__main__":
    import jax
    _d = setup_inputs()
    print(jax.jit(kernel)(*tuple(_d.values())))

</pallas_src>

<mosaic_0001>
#map = affine_map<(d0, d1) -> (0, 0, 0, 0)>
#map1 = affine_map<(d0, d1) -> (0, 0, 0)>
#map2 = affine_map<(d0, d1) -> (0, 0)>
module attributes {stable_mosaic.version = 14 : i64} {
  func.func @_sc_body(%arg0: i32, %arg1: i32, %arg2: memref<8x19x512x512xf32, #tpu.memory_space<hbm>>, %arg3: memref<8x512x512xi32, #tpu.memory_space<hbm>>, %arg4: memref<32x16xf32, #tpu.memory_space<hbm>>, %arg5: memref<4x19x8x128xf32, #tpu.memory_space<vmem>>, %arg6: memref<4x8x128xi32, #tpu.memory_space<vmem>>, %arg7: memref<16xf32, #tpu.memory_space<vmem>>, %arg8: memref<!tpu.dma_semaphore, #tpu.memory_space<semaphore_mem>>, %arg9: memref<!tpu.dma_semaphore, #tpu.memory_space<semaphore_mem>>, %arg10: memref<!tpu.dma_semaphore, #tpu.memory_space<semaphore_mem>>, %arg11: memref<!tpu.dma_semaphore, #tpu.memory_space<semaphore_mem>>) attributes {dimension_semantics = [#tpu.dimension_semantics<core_parallel>, #tpu.dimension_semantics<subcore_parallel>], iteration_bounds = array<i64: 2, 16>, scalar_prefetch = 0 : i64, scratch_operands = 7 : i64, tpu.core_type = #tpu.core_type<sc_vector_subcore>, window_params = [{transform_indices = #map}, {transform_indices = #map1}, {transform_indices = #map2}]} {
    %mul3A = arith.constant 2 : i32
    %mul3A_0 = arith.muli %arg1, %mul3A : i32
    %add3A = arith.addi %mul3A_0, %arg0 : i32
    %jit3A = arith.constant 4 : i32
    %div3A = arith.divsi %add3A, %jit3A : i32
    %sign3A = arith.constant 0 : i32
    %sign3A_1 = arith.cmpi sgt, %add3A, %sign3A : i32
    %sign3A_2 = arith.extui %sign3A_1 : i1 to i32
    %sign3A_3 = arith.constant 0 : i32
    %sign3A_4 = arith.cmpi slt, %add3A, %sign3A_3 : i32
    %sign3A_5 = arith.extui %sign3A_4 : i1 to i32
    %sign3A_6 = arith.subi %sign3A_2, %sign3A_5 : i32
    %sign3A_7 = arith.constant 0 : i32
    %sign3A_8 = arith.cmpi sgt, %jit3A, %sign3A_7 : i32
    %sign3A_9 = arith.extui %sign3A_8 : i1 to i32
    %sign3A_10 = arith.constant 0 : i32
    %sign3A_11 = arith.cmpi slt, %jit3A, %sign3A_10 : i32
    %sign3A_12 = arith.extui %sign3A_11 : i1 to i32
    %sign3A_13 = arith.subi %sign3A_9, %sign3A_12 : i32
    %ne3A = arith.cmpi ne, %sign3A_6, %sign3A_13 : i32
    %rem3A = arith.remsi %add3A, %jit3A : i32
    %ne3A_14 = arith.constant 0 : i32
    %ne3A_15 = arith.cmpi ne, %rem3A, %ne3A_14 : i32
    %and3A = arith.andi %ne3A, %ne3A_15 : i1
    %sub3A = arith.constant 1 : i32
    %sub3A_16 = arith.subi %div3A, %sub3A : i32
    %select_n3A = arith.select %and3A, %sub3A_16, %div3A : i32
    %jit3A_17 = arith.constant 4 : i32
    %eq3A = arith.constant 0 : i32
    %eq3A_18 = arith.cmpi eq, %jit3A_17, %eq3A : i32
    %jit3A_19 = arith.constant 1 : i32
    %select_n3A_20 = arith.select %eq3A_18, %jit3A_19, %jit3A_17 : i32
    %rem3A_21 = arith.remsi %add3A, %select_n3A_20 : i32
    %ne3A_22 = arith.constant 0 : i32
    %ne3A_23 = arith.cmpi ne, %rem3A_21, %ne3A_22 : i32
    %lt3A = arith.constant 0 : i32
    %lt3A_24 = arith.cmpi slt, %rem3A_21, %lt3A : i32
    %lt3A_25 = arith.constant 0 : i32
    %lt3A_26 = arith.cmpi slt, %select_n3A_20, %lt3A_25 : i32
    %ne3A_27 = arith.xori %lt3A_24, %lt3A_26 : i1
    %and3A_28 = arith.andi %ne3A_27, %ne3A_23 : i1
    %add3A_29 = arith.addi %rem3A_21, %select_n3A_20 : i32
    %select_n3A_30 = arith.select %and3A_28, %add3A_29, %rem3A_21 : i32
    %mul3A_31 = arith.constant 64 : i32
    %mul3A_32 = arith.muli %select_n3A_30, %mul3A_31 : i32
    %add3A_33 = arith.constant 256 : i32
    %add3A_34 = arith.addi %add3A_33, %mul3A_32 : i32
    %iota3A = tpu.iota {dimensions = array<i32: 0>} : vector<16xi32>
    %add3A_35 = arith.constant 0 : i32
    %add3A_36 = arith.addi %add3A_34, %add3A_35 : i32
    %dma_start3A = arith.constant 0 : i32
    %dma_start3A_37 = arith.constant 0 : i32
    %dma_start3A_38 = arith.constant 0 : i32
    %dma_start3A_39 = arith.constant 0 : i32
    %dma_start3A_40 = tpu.memref_slice %arg5[%dma_start3A, %dma_start3A_37, %dma_start3A_38, %dma_start3A_39] : memref<4x19x8x128xf32, #tpu.memory_space<vmem>> -> memref<1x19x8x128xf32, #tpu.memory_space<vmem>>
    %dma_start3A_41 = tpu.memref_squeeze %dma_start3A_40 : memref<1x19x8x128xf32, #tpu.memory_space<vmem>> -> memref<19x8x128xf32, #tpu.memory_space<vmem>>
    %dma_start3A_42 = arith.constant 0 : i32
    %dma_start3A_43 = arith.constant 0 : i32
    %dma_start3A_44 = tpu.memref_slice %arg2[%select_n3A, %dma_start3A_42, %add3A_36, %dma_start3A_43] : memref<8x19x512x512xf32, #tpu.memory_space<hbm>> -> memref<1x19x8x128xf32, #tpu.memory_space<hbm>>
    %dma_start3A_45 = tpu.memref_squeeze %dma_start3A_44 : memref<1x19x8x128xf32, #tpu.memory_space<hbm>> -> memref<19x8x128xf32, #tpu.memory_space<hbm>>
    %dma_start3A_46 = arith.constant 0 : i32
    %dma_start3A_47 = arith.constant 0 : i32
    %dma_start3A_48 = arith.constant 0 : i32
    %dma_start3A_49 = tpu.memref_slice %arg5[%dma_start3A, %dma_start3A_46, %dma_start3A_47, %dma_start3A_48] : memref<4x19x8x128xf32, #tpu.memory_space<vmem>> -> memref<1x19x8x128xf32, #tpu.memory_space<vmem>>
    %dma_start3A_50 = tpu.memref_squeeze %dma_start3A_49 : memref<1x19x8x128xf32, #tpu.memory_space<vmem>> -> memref<19x8x128xf32, #tpu.memory_space<vmem>>
    %dma_start3A_51 = arith.constant 0 : i32
    %dma_start3A_52 = arith.constant 0 : i32
    %dma_start3A_53 = tpu.memref_slice %arg2[%select_n3A, %dma_start3A_51, %add3A_36, %dma_start3A_52] : memref<8x19x512x512xf32, #tpu.memory_space<hbm>> -> memref<1x19x8x128xf32, #tpu.memory_space<hbm>>
    %dma_start3A_54 = tpu.memref_squeeze %dma_start3A_53 : memref<1x19x8x128xf32, #tpu.memory_space<hbm>> -> memref<19x8x128xf32, #tpu.memory_space<hbm>>
    tpu.enqueue_dma source(%dma_start3A_54 : memref<19x8x128xf32, #tpu.memory_space<hbm>>) target(%dma_start3A_50 : memref<19x8x128xf32, #tpu.memory_space<vmem>>) target_semaphore(%arg8 : memref<!tpu.dma_semaphore, #tpu.memory_space<semaphore_mem>>)
    %dma_start3A_55 = arith.constant 0 : i32
    %dma_start3A_56 = arith.constant 0 : i32
    %dma_start3A_57 = arith.constant 0 : i32
    %dma_start3A_58 = tpu.memref_slice %arg6[%dma_start3A_55, %dma_start3A_56, %dma_start3A_57] : memref<4x8x128xi32, #tpu.memory_space<vmem>> -> memref<1x8x128xi32, #tpu.memory_space<vmem>>
    %dma_start3A_59 = tpu.memref_squeeze %dma_start3A_58 : memref<1x8x128xi32, #tpu.memory_space<vmem>> -> memref<8x128xi32, #tpu.memory_space<vmem>>
    %dma_start3A_60 = arith.constant 0 : i32
    %dma_start3A_61 = tpu.memref_slice %arg3[%select_n3A, %add3A_36, %dma_start3A_60] : memref<8x512x512xi32, #tpu.memory_space<hbm>> -> memref<1x8x128xi32, #tpu.memory_space<hbm>>
    %dma_start3A_62 = tpu.memref_squeeze %dma_start3A_61 : memref<1x8x128xi32, #tpu.memory_space<hbm>> -> memref<8x128xi32, #tpu.memory_space<hbm>>
    %dma_start3A_63 = arith.constant 0 : i32
    %dma_start3A_64 = arith.constant 0 : i32
    %dma_start3A_65 = tpu.memref_slice %arg6[%dma_start3A_55, %dma_start3A_63, %dma_start3A_64] : memref<4x8x128xi32, #tpu.memory_space<vmem>> -> memref<1x8x128xi32, #tpu.memory_space<vmem>>
    %dma_start3A_66 = tpu.memref_squeeze %dma_start3A_65 : memref<1x8x128xi32, #tpu.memory_space<vmem>> -> memref<8x128xi32, #tpu.memory_space<vmem>>
    %dma_start3A_67 = arith.constant 0 : i32
    %dma_start3A_68 = tpu.memref_slice %arg3[%select_n3A, %add3A_36, %dma_start3A_67] : memref<8x512x512xi32, #tpu.memory_space<hbm>> -> memref<1x8x128xi32, #tpu.memory_space<hbm>>
    %dma_start3A_69 = tpu.memref_squeeze %dma_start3A_68 : memref<1x8x128xi32, #tpu.memory_space<hbm>> -> memref<8x128xi32, #tpu.memory_space<hbm>>
    tpu.enqueue_dma source(%dma_start3A_69 : memref<8x128xi32, #tpu.memory_space<hbm>>) target(%dma_start3A_66 : memref<8x128xi32, #tpu.memory_space<vmem>>) target_semaphore(%arg8 : memref<!tpu.dma_semaphore, #tpu.memory_space<semaphore_mem>>)
    %add3A_70 = arith.constant 0 : i32
    %add3A_71 = arith.addi %add3A_34, %add3A_70 : i32
    %dma_start3A_72 = arith.constant 1 : i32
    %dma_start3A_73 = arith.constant 0 : i32
    %dma_start3A_74 = arith.constant 0 : i32
    %dma_start3A_75 = arith.constant 0 : i32
    %dma_start3A_76 = tpu.memref_slice %arg5[%dma_start3A_72, %dma_start3A_73, %dma_start3A_74, %dma_start3A_75] : memref<4x19x8x128xf32, #tpu.memory_space<vmem>> -> memref<1x19x8x128xf32, #tpu.memory_space<vmem>>
    %dma_start3A_77 = tpu.memref_squeeze %dma_start3A_76 : memref<1x19x8x128xf32, #tpu.memory_space<vmem>> -> memref<19x8x128xf32, #tpu.memory_space<vmem>>
    %dma_start3A_78 = arith.constant 0 : i32
    %dma_start3A_79 = arith.constant 128 : i32
    %dma_start3A_80 = tpu.memref_slice %arg2[%select_n3A, %dma_start3A_78, %add3A_71, %dma_start3A_79] : memref<8x19x512x512xf32, #tpu.memory_space<hbm>> -> memref<1x19x8x128xf32, #tpu.memory_space<hbm>>
    %dma_start3A_81 = tpu.memref_squeeze %dma_start3A_80 : memref<1x19x8x128xf32, #tpu.memory_space<hbm>> -> memref<19x8x128xf32, #tpu.memory_space<hbm>>
    %dma_start3A_82 = arith.constant 0 : i32
    %dma_start3A_83 = arith.constant 0 : i32
    %dma_start3A_84 = arith.constant 0 : i32
    %dma_start3A_85 = tpu.memref_slice %arg5[%dma_start3A_72, %dma_start3A_82, %dma_start3A_83, %dma_start3A_84] : memref<4x19x8x128xf32, #tpu.memory_space<vmem>> -> memref<1x19x8x128xf32, #tpu.memory_space<vmem>>
    %dma_start3A_86 = tpu.memref_squeeze %dma_start3A_85 : memref<1x19x8x128xf32, #tpu.memory_space<vmem>> -> memref<19x8x128xf32, #tpu.memory_space<vmem>>
    %dma_start3A_87 = arith.constant 0 : i32
    %dma_start3A_88 = arith.constant 128 : i32
    %dma_start3A_89 = tpu.memref_slice %arg2[%select_n3A, %dma_start3A_87, %add3A_71, %dma_start3A_88] : memref<8x19x512x512xf32, #tpu.memory_space<hbm>> -> memref<1x19x8x128xf32, #tpu.memory_space<hbm>>
    %dma_start3A_90 = tpu.memref_squeeze %dma_start3A_89 : memref<1x19x8x128xf32, #tpu.memory_space<hbm>> -> memref<19x8x128xf32, #tpu.memory_space<hbm>>
    tpu.enqueue_dma source(%dma_start3A_90 : memref<19x8x128xf32, #tpu.memory_space<hbm>>) target(%dma_start3A_86 : memref<19x8x128xf32, #tpu.memory_space<vmem>>) target_semaphore(%arg9 : memref<!tpu.dma_semaphore, #tpu.memory_space<semaphore_mem>>)
    %dma_start3A_91 = arith.constant 1 : i32
    %dma_start3A_92 = arith.constant 0 : i32
    %dma_start3A_93 = arith.constant 0 : i32
    %dma_start3A_94 = tpu.memref_slice %arg6[%dma_start3A_91, %dma_start3A_92, %dma_start3A_93] : memref<4x8x128xi32, #tpu.memory_space<vmem>> -> memref<1x8x128xi32, #tpu.memory_space<vmem>>
    %dma_start3A_95 = tpu.memref_squeeze %dma_start3A_94 : memref<1x8x128xi32, #tpu.memory_space<vmem>> -> memref<8x128xi32, #tpu.memory_space<vmem>>
    %dma_start3A_96 = arith.constant 128 : i32
    %dma_start3A_97 = tpu.memref_slice %arg3[%select_n3A, %add3A_71, %dma_start3A_96] : memref<8x512x512xi32, #tpu.memory_space<hbm>> -> memref<1x8x128xi32, #tpu.memory_space<hbm>>
    %dma_start3A_98 = tpu.memref_squeeze %dma_start3A_97 : memref<1x8x128xi32, #tpu.memory_space<hbm>> -> memref<8x128xi32, #tpu.memory_space<hbm>>
    %dma_start3A_99 = arith.constant 0 : i32
    %dma_start3A_100 = arith.constant 0 : i32
    %dma_start3A_101 = tpu.memref_slice %arg6[%dma_start3A_91, %dma_start3A_99, %dma_start3A_100] : memref<4x8x128xi32, #tpu.memory_space<vmem>> -> memref<1x8x128xi32, #tpu.memory_space<vmem>>
    %dma_start3A_102 = tpu.memref_squeeze %dma_start3A_101 : memref<1x8x128xi32, #tpu.memory_space<vmem>> -> memref<8x128xi32, #tpu.memory_space<vmem>>
    %dma_start3A_103 = arith.constant 128 : i32
    %dma_start3A_104 = tpu.memref_slice %arg3[%select_n3A, %add3A_71, %dma_start3A_103] : memref<8x512x512xi32, #tpu.memory_space<hbm>> -> memref<1x8x128xi32, #tpu.memory_space<hbm>>
    %dma_start3A_105 = tpu.memref_squeeze %dma_start3A_104 : memref<1x8x128xi32, #tpu.memory_space<hbm>> -> memref<8x128xi32, #tpu.memory_space<hbm>>
    tpu.enqueue_dma source(%dma_start3A_105 : memref<8x128xi32, #tpu.memory_space<hbm>>) target(%dma_start3A_102 : memref<8x128xi32, #tpu.memory_space<vmem>>) target_semaphore(%arg9 : memref<!tpu.dma_semaphore, #tpu.memory_space<semaphore_mem>>)
    %add3A_106 = arith.constant 0 : i32
    %add3A_107 = arith.addi %add3A_34, %add3A_106 : i32
    %dma_start3A_108 = arith.constant 2 : i32
    %dma_start3A_109 = arith.constant 0 : i32
    %dma_start3A_110 = arith.constant 0 : i32
    %dma_start3A_111 = arith.constant 0 : i32
    %dma_start3A_112 = tpu.memref_slice %arg5[%dma_start3A_108, %dma_start3A_109, %dma_start3A_110, %dma_start3A_111] : memref<4x19x8x128xf32, #tpu.memory_space<vmem>> -> memref<1x19x8x128xf32, #tpu.memory_space<vmem>>
    %dma_start3A_113 = tpu.memref_squeeze %dma_start3A_112 : memref<1x19x8x128xf32, #tpu.memory_space<vmem>> -> memref<19x8x128xf32, #tpu.memory_space<vmem>>
    %dma_start3A_114 = arith.constant 0 : i32
    %dma_start3A_115 = arith.constant 256 : i32
    %dma_start3A_116 = tpu.memref_slice %arg2[%select_n3A, %dma_start3A_114, %add3A_107, %dma_start3A_115] : memref<8x19x512x512xf32, #tpu.memory_space<hbm>> -> memref<1x19x8x128xf32, #tpu.memory_space<hbm>>
    %dma_start3A_117 = tpu.memref_squeeze %dma_start3A_116 : memref<1x19x8x128xf32, #tpu.memory_space<hbm>> -> memref<19x8x128xf32, #tpu.memory_space<hbm>>
    %dma_start3A_118 = arith.constant 0 : i32
    %dma_start3A_119 = arith.constant 0 : i32
    %dma_start3A_120 = arith.constant 0 : i32
    %dma_start3A_121 = tpu.memref_slice %arg5[%dma_start3A_108, %dma_start3A_118, %dma_start3A_119, %dma_start3A_120] : memref<4x19x8x128xf32, #tpu.memory_space<vmem>> -> memref<1x19x8x128xf32, #tpu.memory_space<vmem>>
    %dma_start3A_122 = tpu.memref_squeeze %dma_start3A_121 : memref<1x19x8x128xf32, #tpu.memory_space<vmem>> -> memref<19x8x128xf32, #tpu.memory_space<vmem>>
    %dma_start3A_123 = arith.constant 0 : i32
    %dma_start3A_124 = arith.constant 256 : i32
    %dma_start3A_125 = tpu.memref_slice %arg2[%select_n3A, %dma_start3A_123, %add3A_107, %dma_start3A_124] : memref<8x19x512x512xf32, #tpu.memory_space<hbm>> -> memref<1x19x8x128xf32, #tpu.memory_space<hbm>>
    %dma_start3A_126 = tpu.memref_squeeze %dma_start3A_125 : memref<1x19x8x128xf32, #tpu.memory_space<hbm>> -> memref<19x8x128xf32, #tpu.memory_space<hbm>>
    tpu.enqueue_dma source(%dma_start3A_126 : memref<19x8x128xf32, #tpu.memory_space<hbm>>) target(%dma_start3A_122 : memref<19x8x128xf32, #tpu.memory_space<vmem>>) target_semaphore(%arg10 : memref<!tpu.dma_semaphore, #tpu.memory_space<semaphore_mem>>)
    %dma_start3A_127 = arith.constant 2 : i32
    %dma_start3A_128 = arith.constant 0 : i32
    %dma_start3A_129 = arith.constant 0 : i32
    %dma_start3A_130 = tpu.memref_slice %arg6[%dma_start3A_127, %dma_start3A_128, %dma_start3A_129] : memref<4x8x128xi32, #tpu.memory_space<vmem>> -> memref<1x8x128xi32, #tpu.memory_space<vmem>>
    %dma_start3A_131 = tpu.memref_squeeze %dma_start3A_130 : memref<1x8x128xi32, #tpu.memory_space<vmem>> -> memref<8x128xi32, #tpu.memory_space<vmem>>
    %dma_start3A_132 = arith.constant 256 : i32
    %dma_start3A_133 = tpu.memref_slice %arg3[%select_n3A, %add3A_107, %dma_start3A_132] : memref<8x512x512xi32, #tpu.memory_space<hbm>> -> memref<1x8x128xi32, #tpu.memory_space<hbm>>
    %dma_start3A_134 = tpu.memref_squeeze %dma_start3A_133 : memref<1x8x128xi32, #tpu.memory_space<hbm>> -> memref<8x128xi32, #tpu.memory_space<hbm>>
    %dma_start3A_135 = arith.constant 0 : i32
    %dma_start3A_136 = arith.constant 0 : i32
    %dma_start3A_137 = tpu.memref_slice %arg6[%dma_start3A_127, %dma_start3A_135, %dma_start3A_136] : memref<4x8x128xi32, #tpu.memory_space<vmem>> -> memref<1x8x128xi32, #tpu.memory_space<vmem>>
    %dma_start3A_138 = tpu.memref_squeeze %dma_start3A_137 : memref<1x8x128xi32, #tpu.memory_space<vmem>> -> memref<8x128xi32, #tpu.memory_space<vmem>>
    %dma_start3A_139 = arith.constant 256 : i32
    %dma_start3A_140 = tpu.memref_slice %arg3[%select_n3A, %add3A_107, %dma_start3A_139] : memref<8x512x512xi32, #tpu.memory_space<hbm>> -> memref<1x8x128xi32, #tpu.memory_space<hbm>>
    %dma_start3A_141 = tpu.memref_squeeze %dma_start3A_140 : memref<1x8x128xi32, #tpu.memory_space<hbm>> -> memref<8x128xi32, #tpu.memory_space<hbm>>
    tpu.enqueue_dma source(%dma_start3A_141 : memref<8x128xi32, #tpu.memory_space<hbm>>) target(%dma_start3A_138 : memref<8x128xi32, #tpu.memory_space<vmem>>) target_semaphore(%arg10 : memref<!tpu.dma_semaphore, #tpu.memory_space<semaphore_mem>>)
    %add3A_142 = arith.constant 0 : i32
    %add3A_143 = arith.addi %add3A_34, %add3A_142 : i32
    %dma_start3A_144 = arith.constant 3 : i32
    %dma_start3A_145 = arith.constant 0 : i32
    %dma_start3A_146 = arith.constant 0 : i32
    %dma_start3A_147 = arith.constant 0 : i32
    %dma_start3A_148 = tpu.memref_slice %arg5[%dma_start3A_144, %dma_start3A_145, %dma_start3A_146, %dma_start3A_147] : memref<4x19x8x128xf32, #tpu.memory_space<vmem>> -> memref<1x19x8x128xf32, #tpu.memory_space<vmem>>
    %dma_start3A_149 = tpu.memref_squeeze %dma_start3A_148 : memref<1x19x8x128xf32, #tpu.memory_space<vmem>> -> memref<19x8x128xf32, #tpu.memory_space<vmem>>
    %dma_start3A_150 = arith.constant 0 : i32
    %dma_start3A_151 = arith.constant 384 : i32
    %dma_start3A_152 = tpu.memref_slice %arg2[%select_n3A, %dma_start3A_150, %add3A_143, %dma_start3A_151] : memref<8x19x512x512xf32, #tpu.memory_space<hbm>> -> memref<1x19x8x128xf32, #tpu.memory_space<hbm>>
    %dma_start3A_153 = tpu.memref_squeeze %dma_start3A_152 : memref<1x19x8x128xf32, #tpu.memory_space<hbm>> -> memref<19x8x128xf32, #tpu.memory_space<hbm>>
    %dma_start3A_154 = arith.constant 0 : i32
    %dma_start3A_155 = arith.constant 0 : i32
    %dma_start3A_156 = arith.constant 0 : i32
    %dma_start3A_157 = tpu.memref_slice %arg5[%dma_start3A_144, %dma_start3A_154, %dma_start3A_155, %dma_start3A_156] : memref<4x19x8x128xf32, #tpu.memory_space<vmem>> -> memref<1x19x8x128xf32, #tpu.memory_space<vmem>>
    %dma_start3A_158 = tpu.memref_squeeze %dma_start3A_157 : memref<1x19x8x128xf32, #tpu.memory_space<vmem>> -> memref<19x8x128xf32, #tpu.memory_space<vmem>>
    %dma_start3A_159 = arith.constant 0 : i32
    %dma_start3A_160 = arith.constant 384 : i32
    %dma_start3A_161 = tpu.memref_slice %arg2[%select_n3A, %dma_start3A_159, %add3A_143, %dma_start3A_160] : memref<8x19x512x512xf32, #tpu.memory_space<hbm>> -> memref<1x19x8x128xf32, #tpu.memory_space<hbm>>
    %dma_start3A_162 = tpu.memref_squeeze %dma_start3A_161 : memref<1x19x8x128xf32, #tpu.memory_space<hbm>> -> memref<19x8x128xf32, #tpu.memory_space<hbm>>
    tpu.enqueue_dma source(%dma_start3A_162 : memref<19x8x128xf32, #tpu.memory_space<hbm>>) target(%dma_start3A_158 : memref<19x8x128xf32, #tpu.memory_space<vmem>>) target_semaphore(%arg11 : memref<!tpu.dma_semaphore, #tpu.memory_space<semaphore_mem>>)
    %dma_start3A_163 = arith.constant 3 : i32
    %dma_start3A_164 = arith.constant 0 : i32
    %dma_start3A_165 = arith.constant 0 : i32
    %dma_start3A_166 = tpu.memref_slice %arg6[%dma_start3A_163, %dma_start3A_164, %dma_start3A_165] : memref<4x8x128xi32, #tpu.memory_space<vmem>> -> memref<1x8x128xi32, #tpu.memory_space<vmem>>
    %dma_start3A_167 = tpu.memref_squeeze %dma_start3A_166 : memref<1x8x128xi32, #tpu.memory_space<vmem>> -> memref<8x128xi32, #tpu.memory_space<vmem>>
    %dma_start3A_168 = arith.constant 384 : i32
    %dma_start3A_169 = tpu.memref_slice %arg3[%select_n3A, %add3A_143, %dma_start3A_168] : memref<8x512x512xi32, #tpu.memory_space<hbm>> -> memref<1x8x128xi32, #tpu.memory_space<hbm>>
    %dma_start3A_170 = tpu.memref_squeeze %dma_start3A_169 : memref<1x8x128xi32, #tpu.memory_space<hbm>> -> memref<8x128xi32, #tpu.memory_space<hbm>>
    %dma_start3A_171 = arith.constant 0 : i32
    %dma_start3A_172 = arith.constant 0 : i32
    %dma_start3A_173 = tpu.memref_slice %arg6[%dma_start3A_163, %dma_start3A_171, %dma_start3A_172] : memref<4x8x128xi32, #tpu.memory_space<vmem>> -> memref<1x8x128xi32, #tpu.memory_space<vmem>>
    %dma_start3A_174 = tpu.memref_squeeze %dma_start3A_173 : memref<1x8x128xi32, #tpu.memory_space<vmem>> -> memref<8x128xi32, #tpu.memory_space<vmem>>
    %dma_start3A_175 = arith.constant 384 : i32
    %dma_start3A_176 = tpu.memref_slice %arg3[%select_n3A, %add3A_143, %dma_start3A_175] : memref<8x512x512xi32, #tpu.memory_space<hbm>> -> memref<1x8x128xi32, #tpu.memory_space<hbm>>
    %dma_start3A_177 = tpu.memref_squeeze %dma_start3A_176 : memref<1x8x128xi32, #tpu.memory_space<hbm>> -> memref<8x128xi32, #tpu.memory_space<hbm>>
    tpu.enqueue_dma source(%dma_start3A_177 : memref<8x128xi32, #tpu.memory_space<hbm>>) target(%dma_start3A_174 : memref<8x128xi32, #tpu.memory_space<vmem>>) target_semaphore(%arg11 : memref<!tpu.dma_semaphore, #tpu.memory_space<semaphore_mem>>)
    %broadcast_in_dim3A = arith.constant 0.000000e+00 : f32
    %broadcast_in_dim3A_178 = vector.broadcast %broadcast_in_dim3A : f32 to vector<16xf32>
    %scan3A = arith.constant 0 : i32
    %scan3A_179 = arith.constant 8 : i32
    %scan3A_180 = arith.addi %scan3A, %scan3A_179 : i32
    %scan3A_181 = arith.constant 1 : i32
    %scan3A_182 = scf.for %scan3A_185 = %scan3A to %scan3A_180 step %scan3A_181 iter_args(%scan3A_186 = %broadcast_in_dim3A_178) -> (vector<16xf32>)  : i32 {
      %mul3A_187 = arith.constant 4 : i32
      %mul3A_188 = arith.muli %scan3A_185, %mul3A_187 : i32
      %add3A_189 = arith.constant 0 : i32
      %add3A_190 = arith.addi %mul3A_188, %add3A_189 : i32
      %dma_wait3A = arith.constant 0 : i32
      %dma_wait3A_191 = arith.constant 0 : i32
      %dma_wait3A_192 = arith.constant 0 : i32
      %dma_wait3A_193 = arith.constant 0 : i32
      %dma_wait3A_194 = arith.constant 0 : i32
      %dma_wait3A_195 = tpu.memref_slice %arg5[%dma_wait3A_191, %dma_wait3A_192, %dma_wait3A_193, %dma_wait3A_194] : memref<4x19x8x128xf32, #tpu.memory_space<vmem>> -> memref<1x19x8x128xf32, #tpu.memory_space<vmem>>
      %dma_wait3A_196 = tpu.memref_squeeze %dma_wait3A_195 : memref<1x19x8x128xf32, #tpu.memory_space<vmem>> -> memref<19x8x128xf32, #tpu.memory_space<vmem>>
      %dma_wait3A_197 = arith.constant 0 : i32
      %dma_wait3A_198 = arith.constant 0 : i32
      %dma_wait3A_199 = arith.constant 0 : i32
      %dma_wait3A_200 = tpu.memref_slice %arg2[%dma_wait3A, %dma_wait3A_197, %dma_wait3A_198, %dma_wait3A_199] : memref<8x19x512x512xf32, #tpu.memory_space<hbm>> -> memref<1x19x8x128xf32, #tpu.memory_space<hbm>>
      %dma_wait3A_201 = tpu.memref_squeeze %dma_wait3A_200 : memref<1x19x8x128xf32, #tpu.memory_space<hbm>> -> memref<19x8x128xf32, #tpu.memory_space<hbm>>
      %dma_wait3A_202 = arith.constant 0 : i32
      %dma_wait3A_203 = arith.constant 0 : i32
      %dma_wait3A_204 = arith.constant 0 : i32
      %dma_wait3A_205 = tpu.memref_slice %arg5[%dma_wait3A_191, %dma_wait3A_202, %dma_wait3A_203, %dma_wait3A_204] : memref<4x19x8x128xf32, #tpu.memory_space<vmem>> -> memref<1x19x8x128xf32, #tpu.memory_space<vmem>>
      %dma_wait3A_206 = tpu.memref_squeeze %dma_wait3A_205 : memref<1x19x8x128xf32, #tpu.memory_space<vmem>> -> memref<19x8x128xf32, #tpu.memory_space<vmem>>
      %dma_wait3A_207 = arith.constant 0 : i32
      %dma_wait3A_208 = arith.constant 0 : i32
      %dma_wait3A_209 = arith.constant 0 : i32
      %dma_wait3A_210 = tpu.memref_slice %arg2[%dma_wait3A, %dma_wait3A_207, %dma_wait3A_208, %dma_wait3A_209] : memref<8x19x512x512xf32, #tpu.memory_space<hbm>> -> memref<1x19x8x128xf32, #tpu.memory_space<hbm>>
      %dma_wait3A_211 = tpu.memref_squeeze %dma_wait3A_210 : memref<1x19x8x128xf32, #tpu.memory_space<hbm>> -> memref<19x8x128xf32, #tpu.memory_space<hbm>>
      tpu.wait_dma2 semaphore(%arg8 : memref<!tpu.dma_semaphore, #tpu.memory_space<semaphore_mem>>) src(%dma_wait3A_211 : memref<19x8x128xf32, #tpu.memory_space<hbm>>) dst(%dma_wait3A_206 : memref<19x8x128xf32, #tpu.memory_space<vmem>>)
      %dma_wait3A_212 = arith.constant 0 : i32
      %dma_wait3A_213 = arith.constant 0 : i32
      %dma_wait3A_214 = arith.constant 0 : i32
      %dma_wait3A_215 = arith.constant 0 : i32
      %dma_wait3A_216 = tpu.memref_slice %arg6[%dma_wait3A_213, %dma_wait3A_214, %dma_wait3A_215] : memref<4x8x128xi32, #tpu.memory_space<vmem>> -> memref<1x8x128xi32, #tpu.memory_space<vmem>>
      %dma_wait3A_217 = tpu.memref_squeeze %dma_wait3A_216 : memref<1x8x128xi32, #tpu.memory_space<vmem>> -> memref<8x128xi32, #tpu.memory_space<vmem>>
      %dma_wait3A_218 = arith.constant 0 : i32
      %dma_wait3A_219 = arith.constant 0 : i32
      %dma_wait3A_220 = tpu.memref_slice %arg3[%dma_wait3A_212, %dma_wait3A_218, %dma_wait3A_219] : memref<8x512x512xi32, #tpu.memory_space<hbm>> -> memref<1x8x128xi32, #tpu.memory_space<hbm>>
      %dma_wait3A_221 = tpu.memref_squeeze %dma_wait3A_220 : memref<1x8x128xi32, #tpu.memory_space<hbm>> -> memref<8x128xi32, #tpu.memory_space<hbm>>
      %dma_wait3A_222 = arith.constant 0 : i32
      %dma_wait3A_223 = arith.constant 0 : i32
      %dma_wait3A_224 = tpu.memref_slice %arg6[%dma_wait3A_213, %dma_wait3A_222, %dma_wait3A_223] : memref<4x8x128xi32, #tpu.memory_space<vmem>> -> memref<1x8x128xi32, #tpu.memory_space<vmem>>
      %dma_wait3A_225 = tpu.memref_squeeze %dma_wait3A_224 : memref<1x8x128xi32, #tpu.memory_space<vmem>> -> memref<8x128xi32, #tpu.memory_space<vmem>>
      %dma_wait3A_226 = arith.constant 0 : i32
      %dma_wait3A_227 = arith.constant 0 : i32
      %dma_wait3A_228 = tpu.memref_slice %arg3[%dma_wait3A_212, %dma_wait3A_226, %dma_wait3A_227] : memref<8x512x512xi32, #tpu.memory_space<hbm>> -> memref<1x8x128xi32, #tpu.memory_space<hbm>>
      %dma_wait3A_229 = tpu.memref_squeeze %dma_wait3A_228 : memref<1x8x128xi32, #tpu.memory_space<hbm>> -> memref<8x128xi32, #tpu.memory_space<hbm>>
      tpu.wait_dma2 semaphore(%arg8 : memref<!tpu.dma_semaphore, #tpu.memory_space<semaphore_mem>>) src(%dma_wait3A_229 : memref<8x128xi32, #tpu.memory_space<hbm>>) dst(%dma_wait3A_225 : memref<8x128xi32, #tpu.memory_space<vmem>>)
      %scan3A_230 = arith.constant 0 : i32
      %scan3A_231 = arith.constant 64 : i32
      %scan3A_232 = arith.addi %scan3A_230, %scan3A_231 : i32
      %scan3A_233 = arith.constant 1 : i32
      %scan3A_234 = scf.for %scan3A_412 = %scan3A_230 to %scan3A_232 step %scan3A_233 iter_args(%scan3A_413 = %scan3A_186) -> (vector<16xf32>)  : i32 {
        %jit3A_414 = arith.constant 8 : i32
        %div3A_415 = arith.divsi %scan3A_412, %jit3A_414 : i32
        %sign3A_416 = arith.constant 0 : i32
        %sign3A_417 = arith.cmpi sgt, %scan3A_412, %sign3A_416 : i32
        %sign3A_418 = arith.extui %sign3A_417 : i1 to i32
        %sign3A_419 = arith.constant 0 : i32
        %sign3A_420 = arith.cmpi slt, %scan3A_412, %sign3A_419 : i32
        %sign3A_421 = arith.extui %sign3A_420 : i1 to i32
        %sign3A_422 = arith.subi %sign3A_418, %sign3A_421 : i32
        %sign3A_423 = arith.constant 0 : i32
        %sign3A_424 = arith.cmpi sgt, %jit3A_414, %sign3A_423 : i32
        %sign3A_425 = arith.extui %sign3A_424 : i1 to i32
        %sign3A_426 = arith.constant 0 : i32
        %sign3A_427 = arith.cmpi slt, %jit3A_414, %sign3A_426 : i32
        %sign3A_428 = arith.extui %sign3A_427 : i1 to i32
        %sign3A_429 = arith.subi %sign3A_425, %sign3A_428 : i32
        %ne3A_430 = arith.cmpi ne, %sign3A_422, %sign3A_429 : i32
        %rem3A_431 = arith.remsi %scan3A_412, %jit3A_414 : i32
        %ne3A_432 = arith.constant 0 : i32
        %ne3A_433 = arith.cmpi ne, %rem3A_431, %ne3A_432 : i32
        %and3A_434 = arith.andi %ne3A_430, %ne3A_433 : i1
        %sub3A_435 = arith.constant 1 : i32
        %sub3A_436 = arith.subi %div3A_415, %sub3A_435 : i32
        %select_n3A_437 = arith.select %and3A_434, %sub3A_436, %div3A_415 : i32
        %jit3A_438 = arith.constant 8 : i32
        %eq3A_439 = arith.constant 0 : i32
        %eq3A_440 = arith.cmpi eq, %jit3A_438, %eq3A_439 : i32
        %jit3A_441 = arith.constant 1 : i32
        %select_n3A_442 = arith.select %eq3A_440, %jit3A_441, %jit3A_438 : i32
        %rem3A_443 = arith.remsi %scan3A_412, %select_n3A_442 : i32
        %ne3A_444 = arith.constant 0 : i32
        %ne3A_445 = arith.cmpi ne, %rem3A_443, %ne3A_444 : i32
        %lt3A_446 = arith.constant 0 : i32
        %lt3A_447 = arith.cmpi slt, %rem3A_443, %lt3A_446 : i32
        %lt3A_448 = arith.constant 0 : i32
        %lt3A_449 = arith.cmpi slt, %select_n3A_442, %lt3A_448 : i32
        %ne3A_450 = arith.xori %lt3A_447, %lt3A_449 : i1
        %and3A_451 = arith.andi %ne3A_450, %ne3A_445 : i1
        %add3A_452 = arith.addi %rem3A_443, %select_n3A_442 : i32
        %select_n3A_453 = arith.select %and3A_451, %add3A_452, %rem3A_443 : i32
        %mul3A_454 = arith.constant 16 : i32
        %mul3A_455 = arith.muli %select_n3A_453, %mul3A_454 : i32
        %get3A = arith.constant 0 : i32
        %get3A_456 = arith.index_cast %get3A : i32 to index
        %get3A_457 = arith.index_cast %select_n3A_437 : i32 to index
        %get3A_458 = arith.index_cast %mul3A_455 : i32 to index
        %get3A_459 = tpu.vector_load %arg6[%get3A_456, %get3A_457, %get3A_458] {strides = array<i32>} : memref<4x8x128xi32, #tpu.memory_space<vmem>>, vector<16xi32>,
        %add3A_460 = vector.broadcast %mul3A_455 : i32 to vector<16xi32>
        %add3A_461 = arith.addi %iota3A, %add3A_460 : vector<16xi32>
        %broadcast_in_dim3A_462 = arith.constant 0 : i32
        %broadcast_in_dim3A_463 = vector.broadcast %broadcast_in_dim3A_462 : i32 to vector<16xi32>
        %add3A_464 = vector.broadcast %select_n3A_437 : i32 to vector<16xi32>
        %add3A_465 = arith.addi %broadcast_in_dim3A_463, %add3A_464 : vector<16xi32>
        %get3A_466 = arith.constant 0 : i32
        %get3A_467 = arith.constant 0 : i32
        %get3A_468 = arith.index_cast %get3A_466 : i32 to index
        %get3A_469 = arith.index_cast %get3A_467 : i32 to index
        %get3A_470 = arith.index_cast %select_n3A_437 : i32 to index
        %get3A_471 = arith.index_cast %mul3A_455 : i32 to index
        %get3A_472 = tpu.vector_load %arg5[%get3A_468, %get3A_469, %get3A_470, %get3A_471] {strides = array<i32>} : memref<4x19x8x128xf32, #tpu.memory_space<vmem>>, vector<16xf32>,
        %get3A_473 = arith.constant 0 : i32
        %get3A_474 = arith.constant 1 : i32
        %get3A_475 = arith.index_cast %get3A_473 : i32 to index
        %get3A_476 = arith.index_cast %get3A_474 : i32 to index
        %get3A_477 = arith.index_cast %select_n3A_437 : i32 to index
        %get3A_478 = arith.index_cast %mul3A_455 : i32 to index
        %get3A_479 = tpu.vector_load %arg5[%get3A_475, %get3A_476, %get3A_477, %get3A_478] {strides = array<i32>} : memref<4x19x8x128xf32, #tpu.memory_space<vmem>>, vector<16xf32>,
        %get3A_480 = arith.constant 0 : i32
        %get3A_481 = arith.constant 2 : i32
        %get3A_482 = arith.index_cast %get3A_480 : i32 to index
        %get3A_483 = arith.index_cast %get3A_481 : i32 to index
        %get3A_484 = arith.index_cast %select_n3A_437 : i32 to index
        %get3A_485 = arith.index_cast %mul3A_455 : i32 to index
        %get3A_486 = tpu.vector_load %arg5[%get3A_482, %get3A_483, %get3A_484, %get3A_485] {strides = array<i32>} : memref<4x19x8x128xf32, #tpu.memory_space<vmem>>, vector<16xf32>,
        %get3A_487 = arith.constant 0 : i32
        %get3A_488 = arith.constant 3 : i32
        %get3A_489 = arith.index_cast %get3A_487 : i32 to index
        %get3A_490 = arith.index_cast %get3A_488 : i32 to index
        %get3A_491 = arith.index_cast %select_n3A_437 : i32 to index
        %get3A_492 = arith.index_cast %mul3A_455 : i32 to index
        %get3A_493 = tpu.vector_load %arg5[%get3A_489, %get3A_490, %get3A_491, %get3A_492] {strides = array<i32>} : memref<4x19x8x128xf32, #tpu.memory_space<vmem>>, vector<16xf32>,
        %get3A_494 = arith.constant 0 : i32
        %get3A_495 = arith.constant 4 : i32
        %get3A_496 = arith.index_cast %get3A_494 : i32 to index
        %get3A_497 = arith.index_cast %get3A_495 : i32 to index
        %get3A_498 = arith.index_cast %select_n3A_437 : i32 to index
        %get3A_499 = arith.index_cast %mul3A_455 : i32 to index
        %get3A_500 = tpu.vector_load %arg5[%get3A_496, %get3A_497, %get3A_498, %get3A_499] {strides = array<i32>} : memref<4x19x8x128xf32, #tpu.memory_space<vmem>>, vector<16xf32>,
        %get3A_501 = arith.constant 0 : i32
        %get3A_502 = arith.constant 5 : i32
        %get3A_503 = arith.index_cast %get3A_501 : i32 to index
        %get3A_504 = arith.index_cast %get3A_502 : i32 to index
        %get3A_505 = arith.index_cast %select_n3A_437 : i32 to index
        %get3A_506 = arith.index_cast %mul3A_455 : i32 to index
        %get3A_507 = tpu.vector_load %arg5[%get3A_503, %get3A_504, %get3A_505, %get3A_506] {strides = array<i32>} : memref<4x19x8x128xf32, #tpu.memory_space<vmem>>, vector<16xf32>,
        %get3A_508 = arith.constant 0 : i32
        %get3A_509 = arith.constant 6 : i32
        %get3A_510 = arith.index_cast %get3A_508 : i32 to index
        %get3A_511 = arith.index_cast %get3A_509 : i32 to index
        %get3A_512 = arith.index_cast %select_n3A_437 : i32 to index
        %get3A_513 = arith.index_cast %mul3A_455 : i32 to index
        %get3A_514 = tpu.vector_load %arg5[%get3A_510, %get3A_511, %get3A_512, %get3A_513] {strides = array<i32>} : memref<4x19x8x128xf32, #tpu.memory_space<vmem>>, vector<16xf32>,
        %get3A_515 = arith.constant 0 : i32
        %get3A_516 = arith.constant 7 : i32
        %get3A_517 = arith.index_cast %get3A_515 : i32 to index
        %get3A_518 = arith.index_cast %get3A_516 : i32 to index
        %get3A_519 = arith.index_cast %select_n3A_437 : i32 to index
        %get3A_520 = arith.index_cast %mul3A_455 : i32 to index
        %get3A_521 = tpu.vector_load %arg5[%get3A_517, %get3A_518, %get3A_519, %get3A_520] {strides = array<i32>} : memref<4x19x8x128xf32, #tpu.memory_space<vmem>>, vector<16xf32>,
        %get3A_522 = arith.constant 0 : i32
        %get3A_523 = arith.constant 8 : i32
        %get3A_524 = arith.index_cast %get3A_522 : i32 to index
        %get3A_525 = arith.index_cast %get3A_523 : i32 to index
        %get3A_526 = arith.index_cast %select_n3A_437 : i32 to index
        %get3A_527 = arith.index_cast %mul3A_455 : i32 to index
        %get3A_528 = tpu.vector_load %arg5[%get3A_524, %get3A_525, %get3A_526, %get3A_527] {strides = array<i32>} : memref<4x19x8x128xf32, #tpu.memory_space<vmem>>, vector<16xf32>,
        %get3A_529 = arith.constant 0 : i32
        %get3A_530 = arith.constant 9 : i32
        %get3A_531 = arith.index_cast %get3A_529 : i32 to index
        %get3A_532 = arith.index_cast %get3A_530 : i32 to index
        %get3A_533 = arith.index_cast %select_n3A_437 : i32 to index
        %get3A_534 = arith.index_cast %mul3A_455 : i32 to index
        %get3A_535 = tpu.vector_load %arg5[%get3A_531, %get3A_532, %get3A_533, %get3A_534] {strides = array<i32>} : memref<4x19x8x128xf32, #tpu.memory_space<vmem>>, vector<16xf32>,
        %get3A_536 = arith.constant 0 : i32
        %get3A_537 = arith.constant 10 : i32
        %get3A_538 = arith.index_cast %get3A_536 : i32 to index
        %get3A_539 = arith.index_cast %get3A_537 : i32 to index
        %get3A_540 = arith.index_cast %select_n3A_437 : i32 to index
        %get3A_541 = arith.index_cast %mul3A_455 : i32 to index
        %get3A_542 = tpu.vector_load %arg5[%get3A_538, %get3A_539, %get3A_540, %get3A_541] {strides = array<i32>} : memref<4x19x8x128xf32, #tpu.memory_space<vmem>>, vector<16xf32>,
        %get3A_543 = arith.constant 0 : i32
        %get3A_544 = arith.constant 11 : i32
        %get3A_545 = arith.index_cast %get3A_543 : i32 to index
        %get3A_546 = arith.index_cast %get3A_544 : i32 to index
        %get3A_547 = arith.index_cast %select_n3A_437 : i32 to index
        %get3A_548 = arith.index_cast %mul3A_455 : i32 to index
        %get3A_549 = tpu.vector_load %arg5[%get3A_545, %get3A_546, %get3A_547, %get3A_548] {strides = array<i32>} : memref<4x19x8x128xf32, #tpu.memory_space<vmem>>, vector<16xf32>,
        %get3A_550 = arith.constant 0 : i32
        %get3A_551 = arith.constant 12 : i32
        %get3A_552 = arith.index_cast %get3A_550 : i32 to index
        %get3A_553 = arith.index_cast %get3A_551 : i32 to index
        %get3A_554 = arith.index_cast %select_n3A_437 : i32 to index
        %get3A_555 = arith.index_cast %mul3A_455 : i32 to index
        %get3A_556 = tpu.vector_load %arg5[%get3A_552, %get3A_553, %get3A_554, %get3A_555] {strides = array<i32>} : memref<4x19x8x128xf32, #tpu.memory_space<vmem>>, vector<16xf32>,
        %get3A_557 = arith.constant 0 : i32
        %get3A_558 = arith.constant 13 : i32
        %get3A_559 = arith.index_cast %get3A_557 : i32 to index
        %get3A_560 = arith.index_cast %get3A_558 : i32 to index
        %get3A_561 = arith.index_cast %select_n3A_437 : i32 to index
        %get3A_562 = arith.index_cast %mul3A_455 : i32 to index
        %get3A_563 = tpu.vector_load %arg5[%get3A_559, %get3A_560, %get3A_561, %get3A_562] {strides = array<i32>} : memref<4x19x8x128xf32, #tpu.memory_space<vmem>>, vector<16xf32>,
        %get3A_564 = arith.constant 0 : i32
        %get3A_565 = arith.constant 14 : i32
        %get3A_566 = arith.index_cast %get3A_564 : i32 to index
        %get3A_567 = arith.index_cast %get3A_565 : i32 to index
        %get3A_568 = arith.index_cast %select_n3A_437 : i32 to index
        %get3A_569 = arith.index_cast %mul3A_455 : i32 to index
        %get3A_570 = tpu.vector_load %arg5[%get3A_566, %get3A_567, %get3A_568, %get3A_569] {strides = array<i32>} : memref<4x19x8x128xf32, #tpu.memory_space<vmem>>, vector<16xf32>,
        %get3A_571 = arith.constant 0 : i32
        %get3A_572 = arith.constant 15 : i32
        %get3A_573 = arith.index_cast %get3A_571 : i32 to index
        %get3A_574 = arith.index_cast %get3A_572 : i32 to index
        %get3A_575 = arith.index_cast %select_n3A_437 : i32 to index
        %get3A_576 = arith.index_cast %mul3A_455 : i32 to index
        %get3A_577 = tpu.vector_load %arg5[%get3A_573, %get3A_574, %get3A_575, %get3A_576] {strides = array<i32>} : memref<4x19x8x128xf32, #tpu.memory_space<vmem>>, vector<16xf32>,
        %get3A_578 = arith.constant 0 : i32
        %get3A_579 = arith.constant 16 : i32
        %get3A_580 = arith.index_cast %get3A_578 : i32 to index
        %get3A_581 = arith.index_cast %get3A_579 : i32 to index
        %get3A_582 = arith.index_cast %select_n3A_437 : i32 to index
        %get3A_583 = arith.index_cast %mul3A_455 : i32 to index
        %get3A_584 = tpu.vector_load %arg5[%get3A_580, %get3A_581, %get3A_582, %get3A_583] {strides = array<i32>} : memref<4x19x8x128xf32, #tpu.memory_space<vmem>>, vector<16xf32>,
        %get3A_585 = arith.constant 0 : i32
        %get3A_586 = arith.constant 17 : i32
        %get3A_587 = arith.index_cast %get3A_585 : i32 to index
        %get3A_588 = arith.index_cast %get3A_586 : i32 to index
        %get3A_589 = arith.index_cast %select_n3A_437 : i32 to index
        %get3A_590 = arith.index_cast %mul3A_455 : i32 to index
        %get3A_591 = tpu.vector_load %arg5[%get3A_587, %get3A_588, %get3A_589, %get3A_590] {strides = array<i32>} : memref<4x19x8x128xf32, #tpu.memory_space<vmem>>, vector<16xf32>,
        %get3A_592 = arith.constant 0 : i32
        %get3A_593 = arith.constant 18 : i32
        %get3A_594 = arith.index_cast %get3A_592 : i32 to index
        %get3A_595 = arith.index_cast %get3A_593 : i32 to index
        %get3A_596 = arith.index_cast %select_n3A_437 : i32 to index
        %get3A_597 = arith.index_cast %mul3A_455 : i32 to index
        %get3A_598 = tpu.vector_load %arg5[%get3A_594, %get3A_595, %get3A_596, %get3A_597] {strides = array<i32>} : memref<4x19x8x128xf32, #tpu.memory_space<vmem>>, vector<16xf32>,
        %exp3A = math.exp %get3A_472 : vector<16xf32>
        %exp3A_599 = math.exp %get3A_479 : vector<16xf32>
        %add3A_600 = arith.addf %exp3A, %exp3A_599 : vector<16xf32>
        %exp3A_601 = math.exp %get3A_486 : vector<16xf32>
        %add3A_602 = arith.addf %add3A_600, %exp3A_601 : vector<16xf32>
        %exp3A_603 = math.exp %get3A_493 : vector<16xf32>
        %add3A_604 = arith.addf %add3A_602, %exp3A_603 : vector<16xf32>
        %exp3A_605 = math.exp %get3A_500 : vector<16xf32>
        %add3A_606 = arith.addf %add3A_604, %exp3A_605 : vector<16xf32>
        %exp3A_607 = math.exp %get3A_507 : vector<16xf32>
        %add3A_608 = arith.addf %add3A_606, %exp3A_607 : vector<16xf32>
        %exp3A_609 = math.exp %get3A_514 : vector<16xf32>
        %add3A_610 = arith.addf %add3A_608, %exp3A_609 : vector<16xf32>
        %exp3A_611 = math.exp %get3A_521 : vector<16xf32>
        %add3A_612 = arith.addf %add3A_610, %exp3A_611 : vector<16xf32>
        %exp3A_613 = math.exp %get3A_528 : vector<16xf32>
        %add3A_614 = arith.addf %add3A_612, %exp3A_613 : vector<16xf32>
        %exp3A_615 = math.exp %get3A_535 : vector<16xf32>
        %add3A_616 = arith.addf %add3A_614, %exp3A_615 : vector<16xf32>
        %exp3A_617 = math.exp %get3A_542 : vector<16xf32>
        %add3A_618 = arith.addf %add3A_616, %exp3A_617 : vector<16xf32>
        %exp3A_619 = math.exp %get3A_549 : vector<16xf32>
        %add3A_620 = arith.addf %add3A_618, %exp3A_619 : vector<16xf32>
        %exp3A_621 = math.exp %get3A_556 : vector<16xf32>
        %add3A_622 = arith.addf %add3A_620, %exp3A_621 : vector<16xf32>
        %exp3A_623 = math.exp %get3A_563 : vector<16xf32>
        %add3A_624 = arith.addf %add3A_622, %exp3A_623 : vector<16xf32>
        %exp3A_625 = math.exp %get3A_570 : vector<16xf32>
        %add3A_626 = arith.addf %add3A_624, %exp3A_625 : vector<16xf32>
        %exp3A_627 = math.exp %get3A_577 : vector<16xf32>
        %add3A_628 = arith.addf %add3A_626, %exp3A_627 : vector<16xf32>
        %exp3A_629 = math.exp %get3A_584 : vector<16xf32>
        %add3A_630 = arith.addf %add3A_628, %exp3A_629 : vector<16xf32>
        %exp3A_631 = math.exp %get3A_591 : vector<16xf32>
        %add3A_632 = arith.addf %add3A_630, %exp3A_631 : vector<16xf32>
        %exp3A_633 = math.exp %get3A_598 : vector<16xf32>
        %add3A_634 = arith.addf %add3A_632, %exp3A_633 : vector<16xf32>
        %gather3A = arith.constant 0 : i32
        %gather3A_635 = arith.constant 0 : i32
        %gather3A_636 = arith.constant 0 : i32
        %gather3A_637 = arith.constant 0 : i32
        %gather3A_638 = tpu.memref_slice %arg5[%gather3A, %gather3A_635, %gather3A_636, %gather3A_637] : memref<4x19x8x128xf32, #tpu.memory_space<vmem>> -> memref<1x19x8x128xf32, #tpu.memory_space<vmem>>
        %gather3A_639 = tpu.memref_squeeze %gather3A_638 : memref<1x19x8x128xf32, #tpu.memory_space<vmem>> -> memref<19x8x128xf32, #tpu.memory_space<vmem>>
        %gather3A_640 = tpu.vector_load_idx %gather3A_639[%get3A_459, %add3A_465, %add3A_461] : memref<19x8x128xf32, #tpu.memory_space<vmem>>[vector<16xi32>, vector<16xi32>, vector<16xi32>], vector<16xf32>,
        %exp3A_641 = math.exp %gather3A_640 : vector<16xf32>
        %div3A_642 = arith.divf %exp3A_641, %add3A_634 : vector<16xf32>
        %add3A_643 = arith.addf %scan3A_413, %div3A_642 : vector<16xf32>
        scf.yield %add3A_643 : vector<16xf32>
      }
      %scan3A_235 = arith.constant 64 : i32
      %add3A_236 = arith.constant 4 : i32
      %add3A_237 = arith.addi %add3A_190, %add3A_236 : i32
      %lt3A_238 = arith.constant 32 : i32
      %lt3A_239 = arith.cmpi slt, %add3A_237, %lt3A_238 : i32
      %convert_element_type3A = arith.extui %lt3A_239 : i1 to i32
      %cond3A = arith.constant 0 : i32
      %cond3A_240 = arith.cmpi ne, %convert_element_type3A, %cond3A : i32
      scf.if %cond3A_240 {
        %jit3A_412 = arith.constant 4 : i32
        %div3A_413 = arith.divsi %add3A_237, %jit3A_412 : i32
        %sign3A_414 = arith.constant 0 : i32
        %sign3A_415 = arith.cmpi sgt, %add3A_237, %sign3A_414 : i32
        %sign3A_416 = arith.extui %sign3A_415 : i1 to i32
        %sign3A_417 = arith.constant 0 : i32
        %sign3A_418 = arith.cmpi slt, %add3A_237, %sign3A_417 : i32
        %sign3A_419 = arith.extui %sign3A_418 : i1 to i32
        %sign3A_420 = arith.subi %sign3A_416, %sign3A_419 : i32
        %sign3A_421 = arith.constant 0 : i32
        %sign3A_422 = arith.cmpi sgt, %jit3A_412, %sign3A_421 : i32
        %sign3A_423 = arith.extui %sign3A_422 : i1 to i32
        %sign3A_424 = arith.constant 0 : i32
        %sign3A_425 = arith.cmpi slt, %jit3A_412, %sign3A_424 : i32
        %sign3A_426 = arith.extui %sign3A_425 : i1 to i32
        %sign3A_427 = arith.subi %sign3A_423, %sign3A_426 : i32
        %ne3A_428 = arith.cmpi ne, %sign3A_420, %sign3A_427 : i32
        %rem3A_429 = arith.remsi %add3A_237, %jit3A_412 : i32
        %ne3A_430 = arith.constant 0 : i32
        %ne3A_431 = arith.cmpi ne, %rem3A_429, %ne3A_430 : i32
        %and3A_432 = arith.andi %ne3A_428, %ne3A_431 : i1
        %sub3A_433 = arith.constant 1 : i32
        %sub3A_434 = arith.subi %div3A_413, %sub3A_433 : i32
        %select_n3A_435 = arith.select %and3A_432, %sub3A_434, %div3A_413 : i32
        %mul3A_436 = arith.constant 8 : i32
        %mul3A_437 = arith.muli %select_n3A_435, %mul3A_436 : i32
        %add3A_438 = arith.addi %add3A_34, %mul3A_437 : i32
        %jit3A_439 = arith.constant 4 : i32
        %eq3A_440 = arith.constant 0 : i32
        %eq3A_441 = arith.cmpi eq, %jit3A_439, %eq3A_440 : i32
        %jit3A_442 = arith.constant 1 : i32
        %select_n3A_443 = arith.select %eq3A_441, %jit3A_442, %jit3A_439 : i32
        %rem3A_444 = arith.remsi %add3A_237, %select_n3A_443 : i32
        %ne3A_445 = arith.constant 0 : i32
        %ne3A_446 = arith.cmpi ne, %rem3A_444, %ne3A_445 : i32
        %lt3A_447 = arith.constant 0 : i32
        %lt3A_448 = arith.cmpi slt, %rem3A_444, %lt3A_447 : i32
        %lt3A_449 = arith.constant 0 : i32
        %lt3A_450 = arith.cmpi slt, %select_n3A_443, %lt3A_449 : i32
        %ne3A_451 = arith.xori %lt3A_448, %lt3A_450 : i1
        %and3A_452 = arith.andi %ne3A_451, %ne3A_446 : i1
        %add3A_453 = arith.addi %rem3A_444, %select_n3A_443 : i32
        %select_n3A_454 = arith.select %and3A_452, %add3A_453, %rem3A_444 : i32
        %mul3A_455 = arith.constant 128 : i32
        %mul3A_456 = arith.muli %select_n3A_454, %mul3A_455 : i32
        %dma_start3A_457 = arith.constant 0 : i32
        %dma_start3A_458 = arith.constant 0 : i32
        %dma_start3A_459 = arith.constant 0 : i32
        %dma_start3A_460 = arith.constant 0 : i32
        %dma_start3A_461 = tpu.memref_slice %arg5[%dma_start3A_457, %dma_start3A_458, %dma_start3A_459, %dma_start3A_460] : memref<4x19x8x128xf32, #tpu.memory_space<vmem>> -> memref<1x19x8x128xf32, #tpu.memory_space<vmem>>
        %dma_start3A_462 = tpu.memref_squeeze %dma_start3A_461 : memref<1x19x8x128xf32, #tpu.memory_space<vmem>> -> memref<19x8x128xf32, #tpu.memory_space<vmem>>
        %dma_start3A_463 = arith.constant 0 : i32
        %dma_start3A_464 = tpu.memref_slice %arg2[%select_n3A, %dma_start3A_463, %add3A_438, %mul3A_456] : memref<8x19x512x512xf32, #tpu.memory_space<hbm>> -> memref<1x19x8x128xf32, #tpu.memory_space<hbm>>
        %dma_start3A_465 = tpu.memref_squeeze %dma_start3A_464 : memref<1x19x8x128xf32, #tpu.memory_space<hbm>> -> memref<19x8x128xf32, #tpu.memory_space<hbm>>
        %dma_start3A_466 = arith.constant 0 : i32
        %dma_start3A_467 = arith.constant 0 : i32
        %dma_start3A_468 = arith.constant 0 : i32
        %dma_start3A_469 = tpu.memref_slice %arg5[%dma_start3A_457, %dma_start3A_466, %dma_start3A_467, %dma_start3A_468] : memref<4x19x8x128xf32, #tpu.memory_space<vmem>> -> memref<1x19x8x128xf32, #tpu.memory_space<vmem>>
        %dma_start3A_470 = tpu.memref_squeeze %dma_start3A_469 : memref<1x19x8x128xf32, #tpu.memory_space<vmem>> -> memref<19x8x128xf32, #tpu.memory_space<vmem>>
        %dma_start3A_471 = arith.constant 0 : i32
        %dma_start3A_472 = tpu.memref_slice %arg2[%select_n3A, %dma_start3A_471, %add3A_438, %mul3A_456] : memref<8x19x512x512xf32, #tpu.memory_space<hbm>> -> memref<1x19x8x128xf32, #tpu.memory_space<hbm>>
        %dma_start3A_473 = tpu.memref_squeeze %dma_start3A_472 : memref<1x19x8x128xf32, #tpu.memory_space<hbm>> -> memref<19x8x128xf32, #tpu.memory_space<hbm>>
        tpu.enqueue_dma source(%dma_start3A_473 : memref<19x8x128xf32, #tpu.memory_space<hbm>>) target(%dma_start3A_470 : memref<19x8x128xf32, #tpu.memory_space<vmem>>) target_semaphore(%arg8 : memref<!tpu.dma_semaphore, #tpu.memory_space<semaphore_mem>>)
        %dma_start3A_474 = arith.constant 0 : i32
        %dma_start3A_475 = arith.constant 0 : i32
        %dma_start3A_476 = arith.constant 0 : i32
        %dma_start3A_477 = tpu.memref_slice %arg6[%dma_start3A_474, %dma_start3A_475, %dma_start3A_476] : memref<4x8x128xi32, #tpu.memory_space<vmem>> -> memref<1x8x128xi32, #tpu.memory_space<vmem>>
        %dma_start3A_478 = tpu.memref_squeeze %dma_start3A_477 : memref<1x8x128xi32, #tpu.memory_space<vmem>> -> memref<8x128xi32, #tpu.memory_space<vmem>>
        %dma_start3A_479 = tpu.memref_slice %arg3[%select_n3A, %add3A_438, %mul3A_456] : memref<8x512x512xi32, #tpu.memory_space<hbm>> -> memref<1x8x128xi32, #tpu.memory_space<hbm>>
        %dma_start3A_480 = tpu.memref_squeeze %dma_start3A_479 : memref<1x8x128xi32, #tpu.memory_space<hbm>> -> memref<8x128xi32, #tpu.memory_space<hbm>>
        %dma_start3A_481 = arith.constant 0 : i32
        %dma_start3A_482 = arith.constant 0 : i32
        %dma_start3A_483 = tpu.memref_slice %arg6[%dma_start3A_474, %dma_start3A_481, %dma_start3A_482] : memref<4x8x128xi32, #tpu.memory_space<vmem>> -> memref<1x8x128xi32, #tpu.memory_space<vmem>>
        %dma_start3A_484 = tpu.memref_squeeze %dma_start3A_483 : memref<1x8x128xi32, #tpu.memory_space<vmem>> -> memref<8x128xi32, #tpu.memory_space<vmem>>
        %dma_start3A_485 = tpu.memref_slice %arg3[%select_n3A, %add3A_438, %mul3A_456] : memref<8x512x512xi32, #tpu.memory_space<hbm>> -> memref<1x8x128xi32, #tpu.memory_space<hbm>>
        %dma_start3A_486 = tpu.memref_squeeze %dma_start3A_485 : memref<1x8x128xi32, #tpu.memory_space<hbm>> -> memref<8x128xi32, #tpu.memory_space<hbm>>
        tpu.enqueue_dma source(%dma_start3A_486 : memref<8x128xi32, #tpu.memory_space<hbm>>) target(%dma_start3A_484 : memref<8x128xi32, #tpu.memory_space<vmem>>) target_semaphore(%arg8 : memref<!tpu.dma_semaphore, #tpu.memory_space<semaphore_mem>>)
      } else {
      }
      %mul3A_241 = arith.constant 4 : i32
      %mul3A_242 = arith.muli %scan3A_185, %mul3A_241 : i32
      %add3A_243 = arith.constant 1 : i32
      %add3A_244 = arith.addi %mul3A_242, %add3A_243 : i32
      %dma_wait3A_245 = arith.constant 0 : i32
      %dma_wait3A_246 = arith.constant 1 : i32
      %dma_wait3A_247 = arith.constant 0 : i32
      %dma_wait3A_248 = arith.constant 0 : i32
      %dma_wait3A_249 = arith.constant 0 : i32
      %dma_wait3A_250 = tpu.memref_slice %arg5[%dma_wait3A_246, %dma_wait3A_247, %dma_wait3A_248, %dma_wait3A_249] : memref<4x19x8x128xf32, #tpu.memory_space<vmem>> -> memref<1x19x8x128xf32, #tpu.memory_space<vmem>>
      %dma_wait3A_251 = tpu.memref_squeeze %dma_wait3A_250 : memref<1x19x8x128xf32, #tpu.memory_space<vmem>> -> memref<19x8x128xf32, #tpu.memory_space<vmem>>
      %dma_wait3A_252 = arith.constant 0 : i32
      %dma_wait3A_253 = arith.constant 0 : i32
      %dma_wait3A_254 = arith.constant 0 : i32
      %dma_wait3A_255 = tpu.memref_slice %arg2[%dma_wait3A_245, %dma_wait3A_252, %dma_wait3A_253, %dma_wait3A_254] : memref<8x19x512x512xf32, #tpu.memory_space<hbm>> -> memref<1x19x8x128xf32, #tpu.memory_space<hbm>>
      %dma_wait3A_256 = tpu.memref_squeeze %dma_wait3A_255 : memref<1x19x8x128xf32, #tpu.memory_space<hbm>> -> memref<19x8x128xf32, #tpu.memory_space<hbm>>
      %dma_wait3A_257 = arith.constant 0 : i32
      %dma_wait3A_258 = arith.constant 0 : i32
      %dma_wait3A_259 = arith.constant 0 : i32
      %dma_wait3A_260 = tpu.memref_slice %arg5[%dma_wait3A_246, %dma_wait3A_257, %dma_wait3A_258, %dma_wait3A_259] : memref<4x19x8x128xf32, #tpu.memory_space<vmem>> -> memref<1x19x8x128xf32, #tpu.memory_space<vmem>>
      %dma_wait3A_261 = tpu.memref_squeeze %dma_wait3A_260 : memref<1x19x8x128xf32, #tpu.memory_space<vmem>> -> memref<19x8x128xf32, #tpu.memory_space<vmem>>
      %dma_wait3A_262 = arith.constant 0 : i32
      %dma_wait3A_263 = arith.constant 0 : i32
      %dma_wait3A_264 = arith.constant 0 : i32
      %dma_wait3A_265 = tpu.memref_slice %arg2[%dma_wait3A_245, %dma_wait3A_262, %dma_wait3A_263, %dma_wait3A_264] : memref<8x19x512x512xf32, #tpu.memory_space<hbm>> -> memref<1x19x8x128xf32, #tpu.memory_space<hbm>>
      %dma_wait3A_266 = tpu.memref_squeeze %dma_wait3A_265 : memref<1x19x8x128xf32, #tpu.memory_space<hbm>> -> memref<19x8x128xf32, #tpu.memory_space<hbm>>
      tpu.wait_dma2 semaphore(%arg9 : memref<!tpu.dma_semaphore, #tpu.memory_space<semaphore_mem>>) src(%dma_wait3A_266 : memref<19x8x128xf32, #tpu.memory_space<hbm>>) dst(%dma_wait3A_261 : memref<19x8x128xf32, #tpu.memory_space<vmem>>)
      %dma_wait3A_267 = arith.constant 0 : i32
      %dma_wait3A_268 = arith.constant 1 : i32
      %dma_wait3A_269 = arith.constant 0 : i32
      %dma_wait3A_270 = arith.constant 0 : i32
      %dma_wait3A_271 = tpu.memref_slice %arg6[%dma_wait3A_268, %dma_wait3A_269, %dma_wait3A_270] : memref<4x8x128xi32, #tpu.memory_space<vmem>> -> memref<1x8x128xi32, #tpu.memory_space<vmem>>
      %dma_wait3A_272 = tpu.memref_squeeze %dma_wait3A_271 : memref<1x8x128xi32, #tpu.memory_space<vmem>> -> memref<8x128xi32, #tpu.memory_space<vmem>>
      %dma_wait3A_273 = arith.constant 0 : i32
      %dma_wait3A_274 = arith.constant 0 : i32
      %dma_wait3A_275 = tpu.memref_slice %arg3[%dma_wait3A_267, %dma_wait3A_273, %dma_wait3A_274] : memref<8x512x512xi32, #tpu.memory_space<hbm>> -> memref<1x8x128xi32, #tpu.memory_space<hbm>>
      %dma_wait3A_276 = tpu.memref_squeeze %dma_wait3A_275 : memref<1x8x128xi32, #tpu.memory_space<hbm>> -> memref<8x128xi32, #tpu.memory_space<hbm>>
      %dma_wait3A_277 = arith.constant 0 : i32
      %dma_wait3A_278 = arith.constant 0 : i32
      %dma_wait3A_279 = tpu.memref_slice %arg6[%dma_wait3A_268, %dma_wait3A_277, %dma_wait3A_278] : memref<4x8x128xi32, #tpu.memory_space<vmem>> -> memref<1x8x128xi32, #tpu.memory_space<vmem>>
      %dma_wait3A_280 = tpu.memref_squeeze %dma_wait3A_279 : memref<1x8x128xi32, #tpu.memory_space<vmem>> -> memref<8x128xi32, #tpu.memory_space<vmem>>
      %dma_wait3A_281 = arith.constant 0 : i32
      %dma_wait3A_282 = arith.constant 0 : i32
      %dma_wait3A_283 = tpu.memref_slice %arg3[%dma_wait3A_267, %dma_wait3A_281, %dma_wait3A_282] : memref<8x512x512xi32, #tpu.memory_space<hbm>> -> memref<1x8x128xi32, #tpu.memory_space<hbm>>
      %dma_wait3A_284 = tpu.memref_squeeze %dma_wait3A_283 : memref<1x8x128xi32, #tpu.memory_space<hbm>> -> memref<8x128xi32, #tpu.memory_space<hbm>>
      tpu.wait_dma2 semaphore(%arg9 : memref<!tpu.dma_semaphore, #tpu.memory_space<semaphore_mem>>) src(%dma_wait3A_284 : memref<8x128xi32, #tpu.memory_space<hbm>>) dst(%dma_wait3A_280 : memref<8x128xi32, #tpu.memory_space<vmem>>)
      %scan3A_285 = arith.constant 0 : i32
      %scan3A_286 = arith.constant 64 : i32
      %scan3A_287 = arith.addi %scan3A_285, %scan3A_286 : i32
      %scan3A_288 = arith.constant 1 : i32
      %scan3A_289 = scf.for %scan3A_412 = %scan3A_285 to %scan3A_287 step %scan3A_288 iter_args(%scan3A_413 = %scan3A_234) -> (vector<16xf32>)  : i32 {
        %jit3A_414 = arith.constant 8 : i32
        %div3A_415 = arith.divsi %scan3A_412, %jit3A_414 : i32
        %sign3A_416 = arith.constant 0 : i32
        %sign3A_417 = arith.cmpi sgt, %scan3A_412, %sign3A_416 : i32
        %sign3A_418 = arith.extui %sign3A_417 : i1 to i32
        %sign3A_419 = arith.constant 0 : i32
        %sign3A_420 = arith.cmpi slt, %scan3A_412, %sign3A_419 : i32
        %sign3A_421 = arith.extui %sign3A_420 : i1 to i32
        %sign3A_422 = arith.subi %sign3A_418, %sign3A_421 : i32
        %sign3A_423 = arith.constant 0 : i32
        %sign3A_424 = arith.cmpi sgt, %jit3A_414, %sign3A_423 : i32
        %sign3A_425 = arith.extui %sign3A_424 : i1 to i32
        %sign3A_426 = arith.constant 0 : i32
        %sign3A_427 = arith.cmpi slt, %jit3A_414, %sign3A_426 : i32
        %sign3A_428 = arith.extui %sign3A_427 : i1 to i32
        %sign3A_429 = arith.subi %sign3A_425, %sign3A_428 : i32
        %ne3A_430 = arith.cmpi ne, %sign3A_422, %sign3A_429 : i32
        %rem3A_431 = arith.remsi %scan3A_412, %jit3A_414 : i32
        %ne3A_432 = arith.constant 0 : i32
        %ne3A_433 = arith.cmpi ne, %rem3A_431, %ne3A_432 : i32
        %and3A_434 = arith.andi %ne3A_430, %ne3A_433 : i1
        %sub3A_435 = arith.constant 1 : i32
        %sub3A_436 = arith.subi %div3A_415, %sub3A_435 : i32
        %select_n3A_437 = arith.select %and3A_434, %sub3A_436, %div3A_415 : i32
        %jit3A_438 = arith.constant 8 : i32
        %eq3A_439 = arith.constant 0 : i32
        %eq3A_440 = arith.cmpi eq, %jit3A_438, %eq3A_439 : i32
        %jit3A_441 = arith.constant 1 : i32
        %select_n3A_442 = arith.select %eq3A_440, %jit3A_441, %jit3A_438 : i32
        %rem3A_443 = arith.remsi %scan3A_412, %select_n3A_442 : i32
        %ne3A_444 = arith.constant 0 : i32
        %ne3A_445 = arith.cmpi ne, %rem3A_443, %ne3A_444 : i32
        %lt3A_446 = arith.constant 0 : i32
        %lt3A_447 = arith.cmpi slt, %rem3A_443, %lt3A_446 : i32
        %lt3A_448 = arith.constant 0 : i32
        %lt3A_449 = arith.cmpi slt, %select_n3A_442, %lt3A_448 : i32
        %ne3A_450 = arith.xori %lt3A_447, %lt3A_449 : i1
        %and3A_451 = arith.andi %ne3A_450, %ne3A_445 : i1
        %add3A_452 = arith.addi %rem3A_443, %select_n3A_442 : i32
        %select_n3A_453 = arith.select %and3A_451, %add3A_452, %rem3A_443 : i32
        %mul3A_454 = arith.constant 16 : i32
        %mul3A_455 = arith.muli %select_n3A_453, %mul3A_454 : i32
        %get3A = arith.constant 1 : i32
        %get3A_456 = arith.index_cast %get3A : i32 to index
        %get3A_457 = arith.index_cast %select_n3A_437 : i32 to index
        %get3A_458 = arith.index_cast %mul3A_455 : i32 to index
        %get3A_459 = tpu.vector_load %arg6[%get3A_456, %get3A_457, %get3A_458] {strides = array<i32>} : memref<4x8x128xi32, #tpu.memory_space<vmem>>, vector<16xi32>,
        %add3A_460 = vector.broadcast %mul3A_455 : i32 to vector<16xi32>
        %add3A_461 = arith.addi %iota3A, %add3A_460 : vector<16xi32>
        %broadcast_in_dim3A_462 = arith.constant 0 : i32
        %broadcast_in_dim3A_463 = vector.broadcast %broadcast_in_dim3A_462 : i32 to vector<16xi32>
        %add3A_464 = vector.broadcast %select_n3A_437 : i32 to vector<16xi32>
        %add3A_465 = arith.addi %broadcast_in_dim3A_463, %add3A_464 : vector<16xi32>
        %get3A_466 = arith.constant 1 : i32
        %get3A_467 = arith.constant 0 : i32
        %get3A_468 = arith.index_cast %get3A_466 : i32 to index
        %get3A_469 = arith.index_cast %get3A_467 : i32 to index
        %get3A_470 = arith.index_cast %select_n3A_437 : i32 to index
        %get3A_471 = arith.index_cast %mul3A_455 : i32 to index
        %get3A_472 = tpu.vector_load %arg5[%get3A_468, %get3A_469, %get3A_470, %get3A_471] {strides = array<i32>} : memref<4x19x8x128xf32, #tpu.memory_space<vmem>>, vector<16xf32>,
        %get3A_473 = arith.constant 1 : i32
        %get3A_474 = arith.constant 1 : i32
        %get3A_475 = arith.index_cast %get3A_473 : i32 to index
        %get3A_476 = arith.index_cast %get3A_474 : i32 to index
        %get3A_477 = arith.index_cast %select_n3A_437 : i32 to index
        %get3A_478 = arith.index_cast %mul3A_455 : i32 to index
        %get3A_479 = tpu.vector_load %arg5[%get3A_475, %get3A_476, %get3A_477, %get3A_478] {strides = array<i32>} : memref<4x19x8x128xf32, #tpu.memory_space<vmem>>, vector<16xf32>,
        %get3A_480 = arith.constant 1 : i32
        %get3A_481 = arith.constant 2 : i32
        %get3A_482 = arith.index_cast %get3A_480 : i32 to index
        %get3A_483 = arith.index_cast %get3A_481 : i32 to index
        %get3A_484 = arith.index_cast %select_n3A_437 : i32 to index
        %get3A_485 = arith.index_cast %mul3A_455 : i32 to index
        %get3A_486 = tpu.vector_load %arg5[%get3A_482, %get3A_483, %get3A_484, %get3A_485] {strides = array<i32>} : memref<4x19x8x128xf32, #tpu.memory_space<vmem>>, vector<16xf32>,
        %get3A_487 = arith.constant 1 : i32
        %get3A_488 = arith.constant 3 : i32
        %get3A_489 = arith.index_cast %get3A_487 : i32 to index
        %get3A_490 = arith.index_cast %get3A_488 : i32 to index
        %get3A_491 = arith.index_cast %select_n3A_437 : i32 to index
        %get3A_492 = arith.index_cast %mul3A_455 : i32 to index
        %get3A_493 = tpu.vector_load %arg5[%get3A_489, %get3A_490, %get3A_491, %get3A_492] {strides = array<i32>} : memref<4x19x8x128xf32, #tpu.memory_space<vmem>>, vector<16xf32>,
        %get3A_494 = arith.constant 1 : i32
        %get3A_495 = arith.constant 4 : i32
        %get3A_496 = arith.index_cast %get3A_494 : i32 to index
        %get3A_497 = arith.index_cast %get3A_495 : i32 to index
        %get3A_498 = arith.index_cast %select_n3A_437 : i32 to index
        %get3A_499 = arith.index_cast %mul3A_455 : i32 to index
        %get3A_500 = tpu.vector_load %arg5[%get3A_496, %get3A_497, %get3A_498, %get3A_499] {strides = array<i32>} : memref<4x19x8x128xf32, #tpu.memory_space<vmem>>, vector<16xf32>,
        %get3A_501 = arith.constant 1 : i32
        %get3A_502 = arith.constant 5 : i32
        %get3A_503 = arith.index_cast %get3A_501 : i32 to index
        %get3A_504 = arith.index_cast %get3A_502 : i32 to index
        %get3A_505 = arith.index_cast %select_n3A_437 : i32 to index
        %get3A_506 = arith.index_cast %mul3A_455 : i32 to index
        %get3A_507 = tpu.vector_load %arg5[%get3A_503, %get3A_504, %get3A_505, %get3A_506] {strides = array<i32>} : memref<4x19x8x128xf32, #tpu.memory_space<vmem>>, vector<16xf32>,
        %get3A_508 = arith.constant 1 : i32
        %get3A_509 = arith.constant 6 : i32
        %get3A_510 = arith.index_cast %get3A_508 : i32 to index
        %get3A_511 = arith.index_cast %get3A_509 : i32 to index
        %get3A_512 = arith.index_cast %select_n3A_437 : i32 to index
        %get3A_513 = arith.index_cast %mul3A_455 : i32 to index
        %get3A_514 = tpu.vector_load %arg5[%get3A_510, %get3A_511, %get3A_512, %get3A_513] {strides = array<i32>} : memref<4x19x8x128xf32, #tpu.memory_space<vmem>>, vector<16xf32>,
        %get3A_515 = arith.constant 1 : i32
        %get3A_516 = arith.constant 7 : i32
        %get3A_517 = arith.index_cast %get3A_515 : i32 to index
        %get3A_518 = arith.index_cast %get3A_516 : i32 to index
        %get3A_519 = arith.index_cast %select_n3A_437 : i32 to index
        %get3A_520 = arith.index_cast %mul3A_455 : i32 to index
        %get3A_521 = tpu.vector_load %arg5[%get3A_517, %get3A_518, %get3A_519, %get3A_520] {strides = array<i32>} : memref<4x19x8x128xf32, #tpu.memory_space<vmem>>, vector<16xf32>,
        %get3A_522 = arith.constant 1 : i32
        %get3A_523 = arith.constant 8 : i32
        %get3A_524 = arith.index_cast %get3A_522 : i32 to index
        %get3A_525 = arith.index_cast %get3A_523 : i32 to index
        %get3A_526 = arith.index_cast %select_n3A_437 : i32 to index
        %get3A_527 = arith.index_cast %mul3A_455 : i32 to index
        %get3A_528 = tpu.vector_load %arg5[%get3A_524, %get3A_525, %get3A_526, %get3A_527] {strides = array<i32>} : memref<4x19x8x128xf32, #tpu.memory_space<vmem>>, vector<16xf32>,
        %get3A_529 = arith.constant 1 : i32
        %get3A_530 = arith.constant 9 : i32
        %get3A_531 = arith.index_cast %get3A_529 : i32 to index
        %get3A_532 = arith.index_cast %get3A_530 : i32 to index
        %get3A_533 = arith.index_cast %select_n3A_437 : i32 to index
        %get3A_534 = arith.index_cast %mul3A_455 : i32 to index
        %get3A_535 = tpu.vector_load %arg5[%get3A_531, %get3A_532, %get3A_533, %get3A_534] {strides = array<i32>} : memref<4x19x8x128xf32, #tpu.memory_space<vmem>>, vector<16xf32>,
        %get3A_536 = arith.constant 1 : i32
        %get3A_537 = arith.constant 10 : i32
        %get3A_538 = arith.index_cast %get3A_536 : i32 to index
        %get3A_539 = arith.index_cast %get3A_537 : i32 to index
        %get3A_540 = arith.index_cast %select_n3A_437 : i32 to index
        %get3A_541 = arith.index_cast %mul3A_455 : i32 to index
        %get3A_542 = tpu.vector_load %arg5[%get3A_538, %get3A_539, %get3A_540, %get3A_541] {strides = array<i32>} : memref<4x19x8x128xf32, #tpu.memory_space<vmem>>, vector<16xf32>,
        %get3A_543 = arith.constant 1 : i32
        %get3A_544 = arith.constant 11 : i32
        %get3A_545 = arith.index_cast %get3A_543 : i32 to index
        %get3A_546 = arith.index_cast %get3A_544 : i32 to index
        %get3A_547 = arith.index_cast %select_n3A_437 : i32 to index
        %get3A_548 = arith.index_cast %mul3A_455 : i32 to index
        %get3A_549 = tpu.vector_load %arg5[%get3A_545, %get3A_546, %get3A_547, %get3A_548] {strides = array<i32>} : memref<4x19x8x128xf32, #tpu.memory_space<vmem>>, vector<16xf32>,
        %get3A_550 = arith.constant 1 : i32
        %get3A_551 = arith.constant 12 : i32
        %get3A_552 = arith.index_cast %get3A_550 : i32 to index
        %get3A_553 = arith.index_cast %get3A_551 : i32 to index
        %get3A_554 = arith.index_cast %select_n3A_437 : i32 to index
        %get3A_555 = arith.index_cast %mul3A_455 : i32 to index
        %get3A_556 = tpu.vector_load %arg5[%get3A_552, %get3A_553, %get3A_554, %get3A_555] {strides = array<i32>} : memref<4x19x8x128xf32, #tpu.memory_space<vmem>>, vector<16xf32>,
        %get3A_557 = arith.constant 1 : i32
        %get3A_558 = arith.constant 13 : i32
        %get3A_559 = arith.index_cast %get3A_557 : i32 to index
        %get3A_560 = arith.index_cast %get3A_558 : i32 to index
        %get3A_561 = arith.index_cast %select_n3A_437 : i32 to index
        %get3A_562 = arith.index_cast %mul3A_455 : i32 to index
        %get3A_563 = tpu.vector_load %arg5[%get3A_559, %get3A_560, %get3A_561, %get3A_562] {strides = array<i32>} : memref<4x19x8x128xf32, #tpu.memory_space<vmem>>, vector<16xf32>,
        %get3A_564 = arith.constant 1 : i32
        %get3A_565 = arith.constant 14 : i32
        %get3A_566 = arith.index_cast %get3A_564 : i32 to index
        %get3A_567 = arith.index_cast %get3A_565 : i32 to index
        %get3A_568 = arith.index_cast %select_n3A_437 : i32 to index
        %get3A_569 = arith.index_cast %mul3A_455 : i32 to index
        %get3A_570 = tpu.vector_load %arg5[%get3A_566, %get3A_567, %get3A_568, %get3A_569] {strides = array<i32>} : memref<4x19x8x128xf32, #tpu.memory_space<vmem>>, vector<16xf32>,
        %get3A_571 = arith.constant 1 : i32
        %get3A_572 = arith.constant 15 : i32
        %get3A_573 = arith.index_cast %get3A_571 : i32 to index
        %get3A_574 = arith.index_cast %get3A_572 : i32 to index
        %get3A_575 = arith.index_cast %select_n3A_437 : i32 to index
        %get3A_576 = arith.index_cast %mul3A_455 : i32 to index
        %get3A_577 = tpu.vector_load %arg5[%get3A_573, %get3A_574, %get3A_575, %get3A_576] {strides = array<i32>} : memref<4x19x8x128xf32, #tpu.memory_space<vmem>>, vector<16xf32>,
        %get3A_578 = arith.constant 1 : i32
        %get3A_579 = arith.constant 16 : i32
        %get3A_580 = arith.index_cast %get3A_578 : i32 to index
        %get3A_581 = arith.index_cast %get3A_579 : i32 to index
        %get3A_582 = arith.index_cast %select_n3A_437 : i32 to index
        %get3A_583 = arith.index_cast %mul3A_455 : i32 to index
        %get3A_584 = tpu.vector_load %arg5[%get3A_580, %get3A_581, %get3A_582, %get3A_583] {strides = array<i32>} : memref<4x19x8x128xf32, #tpu.memory_space<vmem>>, vector<16xf32>,
        %get3A_585 = arith.constant 1 : i32
        %get3A_586 = arith.constant 17 : i32
        %get3A_587 = arith.index_cast %get3A_585 : i32 to index
        %get3A_588 = arith.index_cast %get3A_586 : i32 to index
        %get3A_589 = arith.index_cast %select_n3A_437 : i32 to index
        %get3A_590 = arith.index_cast %mul3A_455 : i32 to index
        %get3A_591 = tpu.vector_load %arg5[%get3A_587, %get3A_588, %get3A_589, %get3A_590] {strides = array<i32>} : memref<4x19x8x128xf32, #tpu.memory_space<vmem>>, vector<16xf32>,
        %get3A_592 = arith.constant 1 : i32
        %get3A_593 = arith.constant 18 : i32
        %get3A_594 = arith.index_cast %get3A_592 : i32 to index
        %get3A_595 = arith.index_cast %get3A_593 : i32 to index
        %get3A_596 = arith.index_cast %select_n3A_437 : i32 to index
        %get3A_597 = arith.index_cast %mul3A_455 : i32 to index
        %get3A_598 = tpu.vector_load %arg5[%get3A_594, %get3A_595, %get3A_596, %get3A_597] {strides = array<i32>} : memref<4x19x8x128xf32, #tpu.memory_space<vmem>>, vector<16xf32>,
        %exp3A = math.exp %get3A_472 : vector<16xf32>
        %exp3A_599 = math.exp %get3A_479 : vector<16xf32>
        %add3A_600 = arith.addf %exp3A, %exp3A_599 : vector<16xf32>
        %exp3A_601 = math.exp %get3A_486 : vector<16xf32>
        %add3A_602 = arith.addf %add3A_600, %exp3A_601 : vector<16xf32>
        %exp3A_603 = math.exp %get3A_493 : vector<16xf32>
        %add3A_604 = arith.addf %add3A_602, %exp3A_603 : vector<16xf32>
        %exp3A_605 = math.exp %get3A_500 : vector<16xf32>
        %add3A_606 = arith.addf %add3A_604, %exp3A_605 : vector<16xf32>
        %exp3A_607 = math.exp %get3A_507 : vector<16xf32>
        %add3A_608 = arith.addf %add3A_606, %exp3A_607 : vector<16xf32>
        %exp3A_609 = math.exp %get3A_514 : vector<16xf32>
        %add3A_610 = arith.addf %add3A_608, %exp3A_609 : vector<16xf32>
        %exp3A_611 = math.exp %get3A_521 : vector<16xf32>
        %add3A_612 = arith.addf %add3A_610, %exp3A_611 : vector<16xf32>
        %exp3A_613 = math.exp %get3A_528 : vector<16xf32>
        %add3A_614 = arith.addf %add3A_612, %exp3A_613 : vector<16xf32>
        %exp3A_615 = math.exp %get3A_535 : vector<16xf32>
        %add3A_616 = arith.addf %add3A_614, %exp3A_615 : vector<16xf32>
        %exp3A_617 = math.exp %get3A_542 : vector<16xf32>
        %add3A_618 = arith.addf %add3A_616, %exp3A_617 : vector<16xf32>
        %exp3A_619 = math.exp %get3A_549 : vector<16xf32>
        %add3A_620 = arith.addf %add3A_618, %exp3A_619 : vector<16xf32>
        %exp3A_621 = math.exp %get3A_556 : vector<16xf32>
        %add3A_622 = arith.addf %add3A_620, %exp3A_621 : vector<16xf32>
        %exp3A_623 = math.exp %get3A_563 : vector<16xf32>
        %add3A_624 = arith.addf %add3A_622, %exp3A_623 : vector<16xf32>
        %exp3A_625 = math.exp %get3A_570 : vector<16xf32>
        %add3A_626 = arith.addf %add3A_624, %exp3A_625 : vector<16xf32>
        %exp3A_627 = math.exp %get3A_577 : vector<16xf32>
        %add3A_628 = arith.addf %add3A_626, %exp3A_627 : vector<16xf32>
        %exp3A_629 = math.exp %get3A_584 : vector<16xf32>
        %add3A_630 = arith.addf %add3A_628, %exp3A_629 : vector<16xf32>
        %exp3A_631 = math.exp %get3A_591 : vector<16xf32>
        %add3A_632 = arith.addf %add3A_630, %exp3A_631 : vector<16xf32>
        %exp3A_633 = math.exp %get3A_598 : vector<16xf32>
        %add3A_634 = arith.addf %add3A_632, %exp3A_633 : vector<16xf32>
        %gather3A = arith.constant 1 : i32
        %gather3A_635 = arith.constant 0 : i32
        %gather3A_636 = arith.constant 0 : i32
        %gather3A_637 = arith.constant 0 : i32
        %gather3A_638 = tpu.memref_slice %arg5[%gather3A, %gather3A_635, %gather3A_636, %gather3A_637] : memref<4x19x8x128xf32, #tpu.memory_space<vmem>> -> memref<1x19x8x128xf32, #tpu.memory_space<vmem>>
        %gather3A_639 = tpu.memref_squeeze %gather3A_638 : memref<1x19x8x128xf32, #tpu.memory_space<vmem>> -> memref<19x8x128xf32, #tpu.memory_space<vmem>>
        %gather3A_640 = tpu.vector_load_idx %gather3A_639[%get3A_459, %add3A_465, %add3A_461] : memref<19x8x128xf32, #tpu.memory_space<vmem>>[vector<16xi32>, vector<16xi32>, vector<16xi32>], vector<16xf32>,
        %exp3A_641 = math.exp %gather3A_640 : vector<16xf32>
        %div3A_642 = arith.divf %exp3A_641, %add3A_634 : vector<16xf32>
        %add3A_643 = arith.addf %scan3A_413, %div3A_642 : vector<16xf32>
        scf.yield %add3A_643 : vector<16xf32>
      }
      %scan3A_290 = arith.constant 64 : i32
      %add3A_291 = arith.constant 4 : i32
      %add3A_292 = arith.addi %add3A_244, %add3A_291 : i32
      %lt3A_293 = arith.constant 32 : i32
      %lt3A_294 = arith.cmpi slt, %add3A_292, %lt3A_293 : i32
      %convert_element_type3A_295 = arith.extui %lt3A_294 : i1 to i32
      %cond3A_296 = arith.constant 0 : i32
      %cond3A_297 = arith.cmpi ne, %convert_element_type3A_295, %cond3A_296 : i32
      scf.if %cond3A_297 {
        %jit3A_412 = arith.constant 4 : i32
        %div3A_413 = arith.divsi %add3A_292, %jit3A_412 : i32
        %sign3A_414 = arith.constant 0 : i32
        %sign3A_415 = arith.cmpi sgt, %add3A_292, %sign3A_414 : i32
        %sign3A_416 = arith.extui %sign3A_415 : i1 to i32
        %sign3A_417 = arith.constant 0 : i32
        %sign3A_418 = arith.cmpi slt, %add3A_292, %sign3A_417 : i32
        %sign3A_419 = arith.extui %sign3A_418 : i1 to i32
        %sign3A_420 = arith.subi %sign3A_416, %sign3A_419 : i32
        %sign3A_421 = arith.constant 0 : i32
        %sign3A_422 = arith.cmpi sgt, %jit3A_412, %sign3A_421 : i32
        %sign3A_423 = arith.extui %sign3A_422 : i1 to i32
        %sign3A_424 = arith.constant 0 : i32
        %sign3A_425 = arith.cmpi slt, %jit3A_412, %sign3A_424 : i32
        %sign3A_426 = arith.extui %sign3A_425 : i1 to i32
        %sign3A_427 = arith.subi %sign3A_423, %sign3A_426 : i32
        %ne3A_428 = arith.cmpi ne, %sign3A_420, %sign3A_427 : i32
        %rem3A_429 = arith.remsi %add3A_292, %jit3A_412 : i32
        %ne3A_430 = arith.constant 0 : i32
        %ne3A_431 = arith.cmpi ne, %rem3A_429, %ne3A_430 : i32
        %and3A_432 = arith.andi %ne3A_428, %ne3A_431 : i1
        %sub3A_433 = arith.constant 1 : i32
        %sub3A_434 = arith.subi %div3A_413, %sub3A_433 : i32
        %select_n3A_435 = arith.select %and3A_432, %sub3A_434, %div3A_413 : i32
        %mul3A_436 = arith.constant 8 : i32
        %mul3A_437 = arith.muli %select_n3A_435, %mul3A_436 : i32
        %add3A_438 = arith.addi %add3A_34, %mul3A_437 : i32
        %jit3A_439 = arith.constant 4 : i32
        %eq3A_440 = arith.constant 0 : i32
        %eq3A_441 = arith.cmpi eq, %jit3A_439, %eq3A_440 : i32
        %jit3A_442 = arith.constant 1 : i32
        %select_n3A_443 = arith.select %eq3A_441, %jit3A_442, %jit3A_439 : i32
        %rem3A_444 = arith.remsi %add3A_292, %select_n3A_443 : i32
        %ne3A_445 = arith.constant 0 : i32
        %ne3A_446 = arith.cmpi ne, %rem3A_444, %ne3A_445 : i32
        %lt3A_447 = arith.constant 0 : i32
        %lt3A_448 = arith.cmpi slt, %rem3A_444, %lt3A_447 : i32
        %lt3A_449 = arith.constant 0 : i32
        %lt3A_450 = arith.cmpi slt, %select_n3A_443, %lt3A_449 : i32
        %ne3A_451 = arith.xori %lt3A_448, %lt3A_450 : i1
        %and3A_452 = arith.andi %ne3A_451, %ne3A_446 : i1
        %add3A_453 = arith.addi %rem3A_444, %select_n3A_443 : i32
        %select_n3A_454 = arith.select %and3A_452, %add3A_453, %rem3A_444 : i32
        %mul3A_455 = arith.constant 128 : i32
        %mul3A_456 = arith.muli %select_n3A_454, %mul3A_455 : i32
        %dma_start3A_457 = arith.constant 1 : i32
        %dma_start3A_458 = arith.constant 0 : i32
        %dma_start3A_459 = arith.constant 0 : i32
        %dma_start3A_460 = arith.constant 0 : i32
        %dma_start3A_461 = tpu.memref_slice %arg5[%dma_start3A_457, %dma_start3A_458, %dma_start3A_459, %dma_start3A_460] : memref<4x19x8x128xf32, #tpu.memory_space<vmem>> -> memref<1x19x8x128xf32, #tpu.memory_space<vmem>>
        %dma_start3A_462 = tpu.memref_squeeze %dma_start3A_461 : memref<1x19x8x128xf32, #tpu.memory_space<vmem>> -> memref<19x8x128xf32, #tpu.memory_space<vmem>>
        %dma_start3A_463 = arith.constant 0 : i32
        %dma_start3A_464 = tpu.memref_slice %arg2[%select_n3A, %dma_start3A_463, %add3A_438, %mul3A_456] : memref<8x19x512x512xf32, #tpu.memory_space<hbm>> -> memref<1x19x8x128xf32, #tpu.memory_space<hbm>>
        %dma_start3A_465 = tpu.memref_squeeze %dma_start3A_464 : memref<1x19x8x128xf32, #tpu.memory_space<hbm>> -> memref<19x8x128xf32, #tpu.memory_space<hbm>>
        %dma_start3A_466 = arith.constant 0 : i32
        %dma_start3A_467 = arith.constant 0 : i32
        %dma_start3A_468 = arith.constant 0 : i32
        %dma_start3A_469 = tpu.memref_slice %arg5[%dma_start3A_457, %dma_start3A_466, %dma_start3A_467, %dma_start3A_468] : memref<4x19x8x128xf32, #tpu.memory_space<vmem>> -> memref<1x19x8x128xf32, #tpu.memory_space<vmem>>
        %dma_start3A_470 = tpu.memref_squeeze %dma_start3A_469 : memref<1x19x8x128xf32, #tpu.memory_space<vmem>> -> memref<19x8x128xf32, #tpu.memory_space<vmem>>
        %dma_start3A_471 = arith.constant 0 : i32
        %dma_start3A_472 = tpu.memref_slice %arg2[%select_n3A, %dma_start3A_471, %add3A_438, %mul3A_456] : memref<8x19x512x512xf32, #tpu.memory_space<hbm>> -> memref<1x19x8x128xf32, #tpu.memory_space<hbm>>
        %dma_start3A_473 = tpu.memref_squeeze %dma_start3A_472 : memref<1x19x8x128xf32, #tpu.memory_space<hbm>> -> memref<19x8x128xf32, #tpu.memory_space<hbm>>
        tpu.enqueue_dma source(%dma_start3A_473 : memref<19x8x128xf32, #tpu.memory_space<hbm>>) target(%dma_start3A_470 : memref<19x8x128xf32, #tpu.memory_space<vmem>>) target_semaphore(%arg9 : memref<!tpu.dma_semaphore, #tpu.memory_space<semaphore_mem>>)
        %dma_start3A_474 = arith.constant 1 : i32
        %dma_start3A_475 = arith.constant 0 : i32
        %dma_start3A_476 = arith.constant 0 : i32
        %dma_start3A_477 = tpu.memref_slice %arg6[%dma_start3A_474, %dma_start3A_475, %dma_start3A_476] : memref<4x8x128xi32, #tpu.memory_space<vmem>> -> memref<1x8x128xi32, #tpu.memory_space<vmem>>
        %dma_start3A_478 = tpu.memref_squeeze %dma_start3A_477 : memref<1x8x128xi32, #tpu.memory_space<vmem>> -> memref<8x128xi32, #tpu.memory_space<vmem>>
        %dma_start3A_479 = tpu.memref_slice %arg3[%select_n3A, %add3A_438, %mul3A_456] : memref<8x512x512xi32, #tpu.memory_space<hbm>> -> memref<1x8x128xi32, #tpu.memory_space<hbm>>
        %dma_start3A_480 = tpu.memref_squeeze %dma_start3A_479 : memref<1x8x128xi32, #tpu.memory_space<hbm>> -> memref<8x128xi32, #tpu.memory_space<hbm>>
        %dma_start3A_481 = arith.constant 0 : i32
        %dma_start3A_482 = arith.constant 0 : i32
        %dma_start3A_483 = tpu.memref_slice %arg6[%dma_start3A_474, %dma_start3A_481, %dma_start3A_482] : memref<4x8x128xi32, #tpu.memory_space<vmem>> -> memref<1x8x128xi32, #tpu.memory_space<vmem>>
        %dma_start3A_484 = tpu.memref_squeeze %dma_start3A_483 : memref<1x8x128xi32, #tpu.memory_space<vmem>> -> memref<8x128xi32, #tpu.memory_space<vmem>>
        %dma_start3A_485 = tpu.memref_slice %arg3[%select_n3A, %add3A_438, %mul3A_456] : memref<8x512x512xi32, #tpu.memory_space<hbm>> -> memref<1x8x128xi32, #tpu.memory_space<hbm>>
        %dma_start3A_486 = tpu.memref_squeeze %dma_start3A_485 : memref<1x8x128xi32, #tpu.memory_space<hbm>> -> memref<8x128xi32, #tpu.memory_space<hbm>>
        tpu.enqueue_dma source(%dma_start3A_486 : memref<8x128xi32, #tpu.memory_space<hbm>>) target(%dma_start3A_484 : memref<8x128xi32, #tpu.memory_space<vmem>>) target_semaphore(%arg9 : memref<!tpu.dma_semaphore, #tpu.memory_space<semaphore_mem>>)
      } else {
      }
      %mul3A_298 = arith.constant 4 : i32
      %mul3A_299 = arith.muli %scan3A_185, %mul3A_298 : i32
      %add3A_300 = arith.constant 2 : i32
      %add3A_301 = arith.addi %mul3A_299, %add3A_300 : i32
      %dma_wait3A_302 = arith.constant 0 : i32
      %dma_wait3A_303 = arith.constant 2 : i32
      %dma_wait3A_304 = arith.constant 0 : i32
      %dma_wait3A_305 = arith.constant 0 : i32
      %dma_wait3A_306 = arith.constant 0 : i32
      %dma_wait3A_307 = tpu.memref_slice %arg5[%dma_wait3A_303, %dma_wait3A_304, %dma_wait3A_305, %dma_wait3A_306] : memref<4x19x8x128xf32, #tpu.memory_space<vmem>> -> memref<1x19x8x128xf32, #tpu.memory_space<vmem>>
      %dma_wait3A_308 = tpu.memref_squeeze %dma_wait3A_307 : memref<1x19x8x128xf32, #tpu.memory_space<vmem>> -> memref<19x8x128xf32, #tpu.memory_space<vmem>>
      %dma_wait3A_309 = arith.constant 0 : i32
      %dma_wait3A_310 = arith.constant 0 : i32
      %dma_wait3A_311 = arith.constant 0 : i32
      %dma_wait3A_312 = tpu.memref_slice %arg2[%dma_wait3A_302, %dma_wait3A_309, %dma_wait3A_310, %dma_wait3A_311] : memref<8x19x512x512xf32, #tpu.memory_space<hbm>> -> memref<1x19x8x128xf32, #tpu.memory_space<hbm>>
      %dma_wait3A_313 = tpu.memref_squeeze %dma_wait3A_312 : memref<1x19x8x128xf32, #tpu.memory_space<hbm>> -> memref<19x8x128xf32, #tpu.memory_space<hbm>>
      %dma_wait3A_314 = arith.constant 0 : i32
      %dma_wait3A_315 = arith.constant 0 : i32
      %dma_wait3A_316 = arith.constant 0 : i32
      %dma_wait3A_317 = tpu.memref_slice %arg5[%dma_wait3A_303, %dma_wait3A_314, %dma_wait3A_315, %dma_wait3A_316] : memref<4x19x8x128xf32, #tpu.memory_space<vmem>> -> memref<1x19x8x128xf32, #tpu.memory_space<vmem>>
      %dma_wait3A_318 = tpu.memref_squeeze %dma_wait3A_317 : memref<1x19x8x128xf32, #tpu.memory_space<vmem>> -> memref<19x8x128xf32, #tpu.memory_space<vmem>>
      %dma_wait3A_319 = arith.constant 0 : i32
      %dma_wait3A_320 = arith.constant 0 : i32
      %dma_wait3A_321 = arith.constant 0 : i32
      %dma_wait3A_322 = tpu.memref_slice %arg2[%dma_wait3A_302, %dma_wait3A_319, %dma_wait3A_320, %dma_wait3A_321] : memref<8x19x512x512xf32, #tpu.memory_space<hbm>> -> memref<1x19x8x128xf32, #tpu.memory_space<hbm>>
      %dma_wait3A_323 = tpu.memref_squeeze %dma_wait3A_322 : memref<1x19x8x128xf32, #tpu.memory_space<hbm>> -> memref<19x8x128xf32, #tpu.memory_space<hbm>>
      tpu.wait_dma2 semaphore(%arg10 : memref<!tpu.dma_semaphore, #tpu.memory_space<semaphore_mem>>) src(%dma_wait3A_323 : memref<19x8x128xf32, #tpu.memory_space<hbm>>) dst(%dma_wait3A_318 : memref<19x8x128xf32, #tpu.memory_space<vmem>>)
      %dma_wait3A_324 = arith.constant 0 : i32
      %dma_wait3A_325 = arith.constant 2 : i32
      %dma_wait3A_326 = arith.constant 0 : i32
      %dma_wait3A_327 = arith.constant 0 : i32
      %dma_wait3A_328 = tpu.memref_slice %arg6[%dma_wait3A_325, %dma_wait3A_326, %dma_wait3A_327] : memref<4x8x128xi32, #tpu.memory_space<vmem>> -> memref<1x8x128xi32, #tpu.memory_space<vmem>>
      %dma_wait3A_329 = tpu.memref_squeeze %dma_wait3A_328 : memref<1x8x128xi32, #tpu.memory_space<vmem>> -> memref<8x128xi32, #tpu.memory_space<vmem>>
      %dma_wait3A_330 = arith.constant 0 : i32
      %dma_wait3A_331 = arith.constant 0 : i32
      %dma_wait3A_332 = tpu.memref_slice %arg3[%dma_wait3A_324, %dma_wait3A_330, %dma_wait3A_331] : memref<8x512x512xi32, #tpu.memory_space<hbm>> -> memref<1x8x128xi32, #tpu.memory_space<hbm>>
      %dma_wait3A_333 = tpu.memref_squeeze %dma_wait3A_332 : memref<1x8x128xi32, #tpu.memory_space<hbm>> -> memref<8x128xi32, #tpu.memory_space<hbm>>
      %dma_wait3A_334 = arith.constant 0 : i32
      %dma_wait3A_335 = arith.constant 0 : i32
      %dma_wait3A_336 = tpu.memref_slice %arg6[%dma_wait3A_325, %dma_wait3A_334, %dma_wait3A_335] : memref<4x8x128xi32, #tpu.memory_space<vmem>> -> memref<1x8x128xi32, #tpu.memory_space<vmem>>
      %dma_wait3A_337 = tpu.memref_squeeze %dma_wait3A_336 : memref<1x8x128xi32, #tpu.memory_space<vmem>> -> memref<8x128xi32, #tpu.memory_space<vmem>>
      %dma_wait3A_338 = arith.constant 0 : i32
      %dma_wait3A_339 = arith.constant 0 : i32
      %dma_wait3A_340 = tpu.memref_slice %arg3[%dma_wait3A_324, %dma_wait3A_338, %dma_wait3A_339] : memref<8x512x512xi32, #tpu.memory_space<hbm>> -> memref<1x8x128xi32, #tpu.memory_space<hbm>>
      %dma_wait3A_341 = tpu.memref_squeeze %dma_wait3A_340 : memref<1x8x128xi32, #tpu.memory_space<hbm>> -> memref<8x128xi32, #tpu.memory_space<hbm>>
      tpu.wait_dma2 semaphore(%arg10 : memref<!tpu.dma_semaphore, #tpu.memory_space<semaphore_mem>>) src(%dma_wait3A_341 : memref<8x128xi32, #tpu.memory_space<hbm>>) dst(%dma_wait3A_337 : memref<8x128xi32, #tpu.memory_space<vmem>>)
      %scan3A_342 = arith.constant 0 : i32
      %scan3A_343 = arith.constant 64 : i32
      %scan3A_344 = arith.addi %scan3A_342, %scan3A_343 : i32
      %scan3A_345 = arith.constant 1 : i32
      %scan3A_346 = scf.for %scan3A_412 = %scan3A_342 to %scan3A_344 step %scan3A_345 iter_args(%scan3A_413 = %scan3A_289) -> (vector<16xf32>)  : i32 {
        %jit3A_414 = arith.constant 8 : i32
        %div3A_415 = arith.divsi %scan3A_412, %jit3A_414 : i32
        %sign3A_416 = arith.constant 0 : i32
        %sign3A_417 = arith.cmpi sgt, %scan3A_412, %sign3A_416 : i32
        %sign3A_418 = arith.extui %sign3A_417 : i1 to i32
        %sign3A_419 = arith.constant 0 : i32
        %sign3A_420 = arith.cmpi slt, %scan3A_412, %sign3A_419 : i32
        %sign3A_421 = arith.extui %sign3A_420 : i1 to i32
        %sign3A_422 = arith.subi %sign3A_418, %sign3A_421 : i32
        %sign3A_423 = arith.constant 0 : i32
        %sign3A_424 = arith.cmpi sgt, %jit3A_414, %sign3A_423 : i32
        %sign3A_425 = arith.extui %sign3A_424 : i1 to i32
        %sign3A_426 = arith.constant 0 : i32
        %sign3A_427 = arith.cmpi slt, %jit3A_414, %sign3A_426 : i32
        %sign3A_428 = arith.extui %sign3A_427 : i1 to i32
        %sign3A_429 = arith.subi %sign3A_425, %sign3A_428 : i32
        %ne3A_430 = arith.cmpi ne, %sign3A_422, %sign3A_429 : i32
        %rem3A_431 = arith.remsi %scan3A_412, %jit3A_414 : i32
        %ne3A_432 = arith.constant 0 : i32
        %ne3A_433 = arith.cmpi ne, %rem3A_431, %ne3A_432 : i32
        %and3A_434 = arith.andi %ne3A_430, %ne3A_433 : i1
        %sub3A_435 = arith.constant 1 : i32
        %sub3A_436 = arith.subi %div3A_415, %sub3A_435 : i32
        %select_n3A_437 = arith.select %and3A_434, %sub3A_436, %div3A_415 : i32
        %jit3A_438 = arith.constant 8 : i32
        %eq3A_439 = arith.constant 0 : i32
        %eq3A_440 = arith.cmpi eq, %jit3A_438, %eq3A_439 : i32
        %jit3A_441 = arith.constant 1 : i32
        %select_n3A_442 = arith.select %eq3A_440, %jit3A_441, %jit3A_438 : i32
        %rem3A_443 = arith.remsi %scan3A_412, %select_n3A_442 : i32
        %ne3A_444 = arith.constant 0 : i32
        %ne3A_445 = arith.cmpi ne, %rem3A_443, %ne3A_444 : i32
        %lt3A_446 = arith.constant 0 : i32
        %lt3A_447 = arith.cmpi slt, %rem3A_443, %lt3A_446 : i32
        %lt3A_448 = arith.constant 0 : i32
        %lt3A_449 = arith.cmpi slt, %select_n3A_442, %lt3A_448 : i32
        %ne3A_450 = arith.xori %lt3A_447, %lt3A_449 : i1
        %and3A_451 = arith.andi %ne3A_450, %ne3A_445 : i1
        %add3A_452 = arith.addi %rem3A_443, %select_n3A_442 : i32
        %select_n3A_453 = arith.select %and3A_451, %add3A_452, %rem3A_443 : i32
        %mul3A_454 = arith.constant 16 : i32
        %mul3A_455 = arith.muli %select_n3A_453, %mul3A_454 : i32
        %get3A = arith.constant 2 : i32
        %get3A_456 = arith.index_cast %get3A : i32 to index
        %get3A_457 = arith.index_cast %select_n3A_437 : i32 to index
        %get3A_458 = arith.index_cast %mul3A_455 : i32 to index
        %get3A_459 = tpu.vector_load %arg6[%get3A_456, %get3A_457, %get3A_458] {strides = array<i32>} : memref<4x8x128xi32, #tpu.memory_space<vmem>>, vector<16xi32>,
        %add3A_460 = vector.broadcast %mul3A_455 : i32 to vector<16xi32>
        %add3A_461 = arith.addi %iota3A, %add3A_460 : vector<16xi32>
        %broadcast_in_dim3A_462 = arith.constant 0 : i32
        %broadcast_in_dim3A_463 = vector.broadcast %broadcast_in_dim3A_462 : i32 to vector<16xi32>
        %add3A_464 = vector.broadcast %select_n3A_437 : i32 to vector<16xi32>
        %add3A_465 = arith.addi %broadcast_in_dim3A_463, %add3A_464 : vector<16xi32>
        %get3A_466 = arith.constant 2 : i32
        %get3A_467 = arith.constant 0 : i32
        %get3A_468 = arith.index_cast %get3A_466 : i32 to index
        %get3A_469 = arith.index_cast %get3A_467 : i32 to index
        %get3A_470 = arith.index_cast %select_n3A_437 : i32 to index
        %get3A_471 = arith.index_cast %mul3A_455 : i32 to index
        %get3A_472 = tpu.vector_load %arg5[%get3A_468, %get3A_469, %get3A_470, %get3A_471] {strides = array<i32>} : memref<4x19x8x128xf32, #tpu.memory_space<vmem>>, vector<16xf32>,
        %get3A_473 = arith.constant 2 : i32
        %get3A_474 = arith.constant 1 : i32
        %get3A_475 = arith.index_cast %get3A_473 : i32 to index
        %get3A_476 = arith.index_cast %get3A_474 : i32 to index
        %get3A_477 = arith.index_cast %select_n3A_437 : i32 to index
        %get3A_478 = arith.index_cast %mul3A_455 : i32 to index
        %get3A_479 = tpu.vector_load %arg5[%get3A_475, %get3A_476, %get3A_477, %get3A_478] {strides = array<i32>} : memref<4x19x8x128xf32, #tpu.memory_space<vmem>>, vector<16xf32>,
        %get3A_480 = arith.constant 2 : i32
        %get3A_481 = arith.constant 2 : i32
        %get3A_482 = arith.index_cast %get3A_480 : i32 to index
        %get3A_483 = arith.index_cast %get3A_481 : i32 to index
        %get3A_484 = arith.index_cast %select_n3A_437 : i32 to index
        %get3A_485 = arith.index_cast %mul3A_455 : i32 to index
        %get3A_486 = tpu.vector_load %arg5[%get3A_482, %get3A_483, %get3A_484, %get3A_485] {strides = array<i32>} : memref<4x19x8x128xf32, #tpu.memory_space<vmem>>, vector<16xf32>,
        %get3A_487 = arith.constant 2 : i32
        %get3A_488 = arith.constant 3 : i32
        %get3A_489 = arith.index_cast %get3A_487 : i32 to index
        %get3A_490 = arith.index_cast %get3A_488 : i32 to index
        %get3A_491 = arith.index_cast %select_n3A_437 : i32 to index
        %get3A_492 = arith.index_cast %mul3A_455 : i32 to index
        %get3A_493 = tpu.vector_load %arg5[%get3A_489, %get3A_490, %get3A_491, %get3A_492] {strides = array<i32>} : memref<4x19x8x128xf32, #tpu.memory_space<vmem>>, vector<16xf32>,
        %get3A_494 = arith.constant 2 : i32
        %get3A_495 = arith.constant 4 : i32
        %get3A_496 = arith.index_cast %get3A_494 : i32 to index
        %get3A_497 = arith.index_cast %get3A_495 : i32 to index
        %get3A_498 = arith.index_cast %select_n3A_437 : i32 to index
        %get3A_499 = arith.index_cast %mul3A_455 : i32 to index
        %get3A_500 = tpu.vector_load %arg5[%get3A_496, %get3A_497, %get3A_498, %get3A_499] {strides = array<i32>} : memref<4x19x8x128xf32, #tpu.memory_space<vmem>>, vector<16xf32>,
        %get3A_501 = arith.constant 2 : i32
        %get3A_502 = arith.constant 5 : i32
        %get3A_503 = arith.index_cast %get3A_501 : i32 to index
        %get3A_504 = arith.index_cast %get3A_502 : i32 to index
        %get3A_505 = arith.index_cast %select_n3A_437 : i32 to index
        %get3A_506 = arith.index_cast %mul3A_455 : i32 to index
        %get3A_507 = tpu.vector_load %arg5[%get3A_503, %get3A_504, %get3A_505, %get3A_506] {strides = array<i32>} : memref<4x19x8x128xf32, #tpu.memory_space<vmem>>, vector<16xf32>,
        %get3A_508 = arith.constant 2 : i32
        %get3A_509 = arith.constant 6 : i32
        %get3A_510 = arith.index_cast %get3A_508 : i32 to index
        %get3A_511 = arith.index_cast %get3A_509 : i32 to index
        %get3A_512 = arith.index_cast %select_n3A_437 : i32 to index
        %get3A_513 = arith.index_cast %mul3A_455 : i32 to index
        %get3A_514 = tpu.vector_load %arg5[%get3A_510, %get3A_511, %get3A_512, %get3A_513] {strides = array<i32>} : memref<4x19x8x128xf32, #tpu.memory_space<vmem>>, vector<16xf32>,
        %get3A_515 = arith.constant 2 : i32
        %get3A_516 = arith.constant 7 : i32
        %get3A_517 = arith.index_cast %get3A_515 : i32 to index
        %get3A_518 = arith.index_cast %get3A_516 : i32 to index
        %get3A_519 = arith.index_cast %select_n3A_437 : i32 to index
        %get3A_520 = arith.index_cast %mul3A_455 : i32 to index
        %get3A_521 = tpu.vector_load %arg5[%get3A_517, %get3A_518, %get3A_519, %get3A_520] {strides = array<i32>} : memref<4x19x8x128xf32, #tpu.memory_space<vmem>>, vector<16xf32>,
        %get3A_522 = arith.constant 2 : i32
        %get3A_523 = arith.constant 8 : i32
        %get3A_524 = arith.index_cast %get3A_522 : i32 to index
        %get3A_525 = arith.index_cast %get3A_523 : i32 to index
        %get3A_526 = arith.index_cast %select_n3A_437 : i32 to index
        %get3A_527 = arith.index_cast %mul3A_455 : i32 to index
        %get3A_528 = tpu.vector_load %arg5[%get3A_524, %get3A_525, %get3A_526, %get3A_527] {strides = array<i32>} : memref<4x19x8x128xf32, #tpu.memory_space<vmem>>, vector<16xf32>,
        %get3A_529 = arith.constant 2 : i32
        %get3A_530 = arith.constant 9 : i32
        %get3A_531 = arith.index_cast %get3A_529 : i32 to index
        %get3A_532 = arith.index_cast %get3A_530 : i32 to index
        %get3A_533 = arith.index_cast %select_n3A_437 : i32 to index
        %get3A_534 = arith.index_cast %mul3A_455 : i32 to index
        %get3A_535 = tpu.vector_load %arg5[%get3A_531, %get3A_532, %get3A_533, %get3A_534] {strides = array<i32>} : memref<4x19x8x128xf32, #tpu.memory_space<vmem>>, vector<16xf32>,
        %get3A_536 = arith.constant 2 : i32
        %get3A_537 = arith.constant 10 : i32
        %get3A_538 = arith.index_cast %get3A_536 : i32 to index
        %get3A_539 = arith.index_cast %get3A_537 : i32 to index
        %get3A_540 = arith.index_cast %select_n3A_437 : i32 to index
        %get3A_541 = arith.index_cast %mul3A_455 : i32 to index
        %get3A_542 = tpu.vector_load %arg5[%get3A_538, %get3A_539, %get3A_540, %get3A_541] {strides = array<i32>} : memref<4x19x8x128xf32, #tpu.memory_space<vmem>>, vector<16xf32>,
        %get3A_543 = arith.constant 2 : i32
        %get3A_544 = arith.constant 11 : i32
        %get3A_545 = arith.index_cast %get3A_543 : i32 to index
        %get3A_546 = arith.index_cast %get3A_544 : i32 to index
        %get3A_547 = arith.index_cast %select_n3A_437 : i32 to index
        %get3A_548 = arith.index_cast %mul3A_455 : i32 to index
        %get3A_549 = tpu.vector_load %arg5[%get3A_545, %get3A_546, %get3A_547, %get3A_548] {strides = array<i32>} : memref<4x19x8x128xf32, #tpu.memory_space<vmem>>, vector<16xf32>,
        %get3A_550 = arith.constant 2 : i32
        %get3A_551 = arith.constant 12 : i32
        %get3A_552 = arith.index_cast %get3A_550 : i32 to index
        %get3A_553 = arith.index_cast %get3A_551 : i32 to index
        %get3A_554 = arith.index_cast %select_n3A_437 : i32 to index
        %get3A_555 = arith.index_cast %mul3A_455 : i32 to index
        %get3A_556 = tpu.vector_load %arg5[%get3A_552, %get3A_553, %get3A_554, %get3A_555] {strides = array<i32>} : memref<4x19x8x128xf32, #tpu.memory_space<vmem>>, vector<16xf32>,
        %get3A_557 = arith.constant 2 : i32
        %get3A_558 = arith.constant 13 : i32
        %get3A_559 = arith.index_cast %get3A_557 : i32 to index
        %get3A_560 = arith.index_cast %get3A_558 : i32 to index
        %get3A_561 = arith.index_cast %select_n3A_437 : i32 to index
        %get3A_562 = arith.index_cast %mul3A_455 : i32 to index
        %get3A_563 = tpu.vector_load %arg5[%get3A_559, %get3A_560, %get3A_561, %get3A_562] {strides = array<i32>} : memref<4x19x8x128xf32, #tpu.memory_space<vmem>>, vector<16xf32>,
        %get3A_564 = arith.constant 2 : i32
        %get3A_565 = arith.constant 14 : i32
        %get3A_566 = arith.index_cast %get3A_564 : i32 to index
        %get3A_567 = arith.index_cast %get3A_565 : i32 to index
        %get3A_568 = arith.index_cast %select_n3A_437 : i32 to index
        %get3A_569 = arith.index_cast %mul3A_455 : i32 to index
        %get3A_570 = tpu.vector_load %arg5[%get3A_566, %get3A_567, %get3A_568, %get3A_569] {strides = array<i32>} : memref<4x19x8x128xf32, #tpu.memory_space<vmem>>, vector<16xf32>,
        %get3A_571 = arith.constant 2 : i32
        %get3A_572 = arith.constant 15 : i32
        %get3A_573 = arith.index_cast %get3A_571 : i32 to index
        %get3A_574 = arith.index_cast %get3A_572 : i32 to index
        %get3A_575 = arith.index_cast %select_n3A_437 : i32 to index
        %get3A_576 = arith.index_cast %mul3A_455 : i32 to index
        %get3A_577 = tpu.vector_load %arg5[%get3A_573, %get3A_574, %get3A_575, %get3A_576] {strides = array<i32>} : memref<4x19x8x128xf32, #tpu.memory_space<vmem>>, vector<16xf32>,
        %get3A_578 = arith.constant 2 : i32
        %get3A_579 = arith.constant 16 : i32
        %get3A_580 = arith.index_cast %get3A_578 : i32 to index
        %get3A_581 = arith.index_cast %get3A_579 : i32 to index
        %get3A_582 = arith.index_cast %select_n3A_437 : i32 to index
        %get3A_583 = arith.index_cast %mul3A_455 : i32 to index
        %get3A_584 = tpu.vector_load %arg5[%get3A_580, %get3A_581, %get3A_582, %get3A_583] {strides = array<i32>} : memref<4x19x8x128xf32, #tpu.memory_space<vmem>>, vector<16xf32>,
        %get3A_585 = arith.constant 2 : i32
        %get3A_586 = arith.constant 17 : i32
        %get3A_587 = arith.index_cast %get3A_585 : i32 to index
        %get3A_588 = arith.index_cast %get3A_586 : i32 to index
        %get3A_589 = arith.index_cast %select_n3A_437 : i32 to index
        %get3A_590 = arith.index_cast %mul3A_455 : i32 to index
        %get3A_591 = tpu.vector_load %arg5[%get3A_587, %get3A_588, %get3A_589, %get3A_590] {strides = array<i32>} : memref<4x19x8x128xf32, #tpu.memory_space<vmem>>, vector<16xf32>,
        %get3A_592 = arith.constant 2 : i32
        %get3A_593 = arith.constant 18 : i32
        %get3A_594 = arith.index_cast %get3A_592 : i32 to index
        %get3A_595 = arith.index_cast %get3A_593 : i32 to index
        %get3A_596 = arith.index_cast %select_n3A_437 : i32 to index
        %get3A_597 = arith.index_cast %mul3A_455 : i32 to index
        %get3A_598 = tpu.vector_load %arg5[%get3A_594, %get3A_595, %get3A_596, %get3A_597] {strides = array<i32>} : memref<4x19x8x128xf32, #tpu.memory_space<vmem>>, vector<16xf32>,
        %exp3A = math.exp %get3A_472 : vector<16xf32>
        %exp3A_599 = math.exp %get3A_479 : vector<16xf32>
        %add3A_600 = arith.addf %exp3A, %exp3A_599 : vector<16xf32>
        %exp3A_601 = math.exp %get3A_486 : vector<16xf32>
        %add3A_602 = arith.addf %add3A_600, %exp3A_601 : vector<16xf32>
        %exp3A_603 = math.exp %get3A_493 : vector<16xf32>
        %add3A_604 = arith.addf %add3A_602, %exp3A_603 : vector<16xf32>
        %exp3A_605 = math.exp %get3A_500 : vector<16xf32>
        %add3A_606 = arith.addf %add3A_604, %exp3A_605 : vector<16xf32>
        %exp3A_607 = math.exp %get3A_507 : vector<16xf32>
        %add3A_608 = arith.addf %add3A_606, %exp3A_607 : vector<16xf32>
        %exp3A_609 = math.exp %get3A_514 : vector<16xf32>
        %add3A_610 = arith.addf %add3A_608, %exp3A_609 : vector<16xf32>
        %exp3A_611 = math.exp %get3A_521 : vector<16xf32>
        %add3A_612 = arith.addf %add3A_610, %exp3A_611 : vector<16xf32>
        %exp3A_613 = math.exp %get3A_528 : vector<16xf32>
        %add3A_614 = arith.addf %add3A_612, %exp3A_613 : vector<16xf32>
        %exp3A_615 = math.exp %get3A_535 : vector<16xf32>
        %add3A_616 = arith.addf %add3A_614, %exp3A_615 : vector<16xf32>
        %exp3A_617 = math.exp %get3A_542 : vector<16xf32>
        %add3A_618 = arith.addf %add3A_616, %exp3A_617 : vector<16xf32>
        %exp3A_619 = math.exp %get3A_549 : vector<16xf32>
        %add3A_620 = arith.addf %add3A_618, %exp3A_619 : vector<16xf32>
        %exp3A_621 = math.exp %get3A_556 : vector<16xf32>
        %add3A_622 = arith.addf %add3A_620, %exp3A_621 : vector<16xf32>
        %exp3A_623 = math.exp %get3A_563 : vector<16xf32>
        %add3A_624 = arith.addf %add3A_622, %exp3A_623 : vector<16xf32>
        %exp3A_625 = math.exp %get3A_570 : vector<16xf32>
        %add3A_626 = arith.addf %add3A_624, %exp3A_625 : vector<16xf32>
        %exp3A_627 = math.exp %get3A_577 : vector<16xf32>
        %add3A_628 = arith.addf %add3A_626, %exp3A_627 : vector<16xf32>
        %exp3A_629 = math.exp %get3A_584 : vector<16xf32>
        %add3A_630 = arith.addf %add3A_628, %exp3A_629 : vector<16xf32>
        %exp3A_631 = math.exp %get3A_591 : vector<16xf32>
        %add3A_632 = arith.addf %add3A_630, %exp3A_631 : vector<16xf32>
        %exp3A_633 = math.exp %get3A_598 : vector<16xf32>
        %add3A_634 = arith.addf %add3A_632, %exp3A_633 : vector<16xf32>
        %gather3A = arith.constant 2 : i32
        %gather3A_635 = arith.constant 0 : i32
        %gather3A_636 = arith.constant 0 : i32
        %gather3A_637 = arith.constant 0 : i32
        %gather3A_638 = tpu.memref_slice %arg5[%gather3A, %gather3A_635, %gather3A_636, %gather3A_637] : memref<4x19x8x128xf32, #tpu.memory_space<vmem>> -> memref<1x19x8x128xf32, #tpu.memory_space<vmem>>
        %gather3A_639 = tpu.memref_squeeze %gather3A_638 : memref<1x19x8x128xf32, #tpu.memory_space<vmem>> -> memref<19x8x128xf32, #tpu.memory_space<vmem>>
        %gather3A_640 = tpu.vector_load_idx %gather3A_639[%get3A_459, %add3A_465, %add3A_461] : memref<19x8x128xf32, #tpu.memory_space<vmem>>[vector<16xi32>, vector<16xi32>, vector<16xi32>], vector<16xf32>,
        %exp3A_641 = math.exp %gather3A_640 : vector<16xf32>
        %div3A_642 = arith.divf %exp3A_641, %add3A_634 : vector<16xf32>
        %add3A_643 = arith.addf %scan3A_413, %div3A_642 : vector<16xf32>
        scf.yield %add3A_643 : vector<16xf32>
      }
      %scan3A_347 = arith.constant 64 : i32
      %add3A_348 = arith.constant 4 : i32
      %add3A_349 = arith.addi %add3A_301, %add3A_348 : i32
      %lt3A_350 = arith.constant 32 : i32
      %lt3A_351 = arith.cmpi slt, %add3A_349, %lt3A_350 : i32
      %convert_element_type3A_352 = arith.extui %lt3A_351 : i1 to i32
      %cond3A_353 = arith.constant 0 : i32
      %cond3A_354 = arith.cmpi ne, %convert_element_type3A_352, %cond3A_353 : i32
      scf.if %cond3A_354 {
        %jit3A_412 = arith.constant 4 : i32
        %div3A_413 = arith.divsi %add3A_349, %jit3A_412 : i32
        %sign3A_414 = arith.constant 0 : i32
        %sign3A_415 = arith.cmpi sgt, %add3A_349, %sign3A_414 : i32
        %sign3A_416 = arith.extui %sign3A_415 : i1 to i32
        %sign3A_417 = arith.constant 0 : i32
        %sign3A_418 = arith.cmpi slt, %add3A_349, %sign3A_417 : i32
        %sign3A_419 = arith.extui %sign3A_418 : i1 to i32
        %sign3A_420 = arith.subi %sign3A_416, %sign3A_419 : i32
        %sign3A_421 = arith.constant 0 : i32
        %sign3A_422 = arith.cmpi sgt, %jit3A_412, %sign3A_421 : i32
        %sign3A_423 = arith.extui %sign3A_422 : i1 to i32
        %sign3A_424 = arith.constant 0 : i32
        %sign3A_425 = arith.cmpi slt, %jit3A_412, %sign3A_424 : i32
        %sign3A_426 = arith.extui %sign3A_425 : i1 to i32
        %sign3A_427 = arith.subi %sign3A_423, %sign3A_426 : i32
        %ne3A_428 = arith.cmpi ne, %sign3A_420, %sign3A_427 : i32
        %rem3A_429 = arith.remsi %add3A_349, %jit3A_412 : i32
        %ne3A_430 = arith.constant 0 : i32
        %ne3A_431 = arith.cmpi ne, %rem3A_429, %ne3A_430 : i32
        %and3A_432 = arith.andi %ne3A_428, %ne3A_431 : i1
        %sub3A_433 = arith.constant 1 : i32
        %sub3A_434 = arith.subi %div3A_413, %sub3A_433 : i32
        %select_n3A_435 = arith.select %and3A_432, %sub3A_434, %div3A_413 : i32
        %mul3A_436 = arith.constant 8 : i32
        %mul3A_437 = arith.muli %select_n3A_435, %mul3A_436 : i32
        %add3A_438 = arith.addi %add3A_34, %mul3A_437 : i32
        %jit3A_439 = arith.constant 4 : i32
        %eq3A_440 = arith.constant 0 : i32
        %eq3A_441 = arith.cmpi eq, %jit3A_439, %eq3A_440 : i32
        %jit3A_442 = arith.constant 1 : i32
        %select_n3A_443 = arith.select %eq3A_441, %jit3A_442, %jit3A_439 : i32
        %rem3A_444 = arith.remsi %add3A_349, %select_n3A_443 : i32
        %ne3A_445 = arith.constant 0 : i32
        %ne3A_446 = arith.cmpi ne, %rem3A_444, %ne3A_445 : i32
        %lt3A_447 = arith.constant 0 : i32
        %lt3A_448 = arith.cmpi slt, %rem3A_444, %lt3A_447 : i32
        %lt3A_449 = arith.constant 0 : i32
        %lt3A_450 = arith.cmpi slt, %select_n3A_443, %lt3A_449 : i32
        %ne3A_451 = arith.xori %lt3A_448, %lt3A_450 : i1
        %and3A_452 = arith.andi %ne3A_451, %ne3A_446 : i1
        %add3A_453 = arith.addi %rem3A_444, %select_n3A_443 : i32
        %select_n3A_454 = arith.select %and3A_452, %add3A_453, %rem3A_444 : i32
        %mul3A_455 = arith.constant 128 : i32
        %mul3A_456 = arith.muli %select_n3A_454, %mul3A_455 : i32
        %dma_start3A_457 = arith.constant 2 : i32
        %dma_start3A_458 = arith.constant 0 : i32
        %dma_start3A_459 = arith.constant 0 : i32
        %dma_start3A_460 = arith.constant 0 : i32
        %dma_start3A_461 = tpu.memref_slice %arg5[%dma_start3A_457, %dma_start3A_458, %dma_start3A_459, %dma_start3A_460] : memref<4x19x8x128xf32, #tpu.memory_space<vmem>> -> memref<1x19x8x128xf32, #tpu.memory_space<vmem>>
        %dma_start3A_462 = tpu.memref_squeeze %dma_start3A_461 : memref<1x19x8x128xf32, #tpu.memory_space<vmem>> -> memref<19x8x128xf32, #tpu.memory_space<vmem>>
        %dma_start3A_463 = arith.constant 0 : i32
        %dma_start3A_464 = tpu.memref_slice %arg2[%select_n3A, %dma_start3A_463, %add3A_438, %mul3A_456] : memref<8x19x512x512xf32, #tpu.memory_space<hbm>> -> memref<1x19x8x128xf32, #tpu.memory_space<hbm>>
        %dma_start3A_465 = tpu.memref_squeeze %dma_start3A_464 : memref<1x19x8x128xf32, #tpu.memory_space<hbm>> -> memref<19x8x128xf32, #tpu.memory_space<hbm>>
        %dma_start3A_466 = arith.constant 0 : i32
        %dma_start3A_467 = arith.constant 0 : i32
        %dma_start3A_468 = arith.constant 0 : i32
        %dma_start3A_469 = tpu.memref_slice %arg5[%dma_start3A_457, %dma_start3A_466, %dma_start3A_467, %dma_start3A_468] : memref<4x19x8x128xf32, #tpu.memory_space<vmem>> -> memref<1x19x8x128xf32, #tpu.memory_space<vmem>>
        %dma_start3A_470 = tpu.memref_squeeze %dma_start3A_469 : memref<1x19x8x128xf32, #tpu.memory_space<vmem>> -> memref<19x8x128xf32, #tpu.memory_space<vmem>>
        %dma_start3A_471 = arith.constant 0 : i32
        %dma_start3A_472 = tpu.memref_slice %arg2[%select_n3A, %dma_start3A_471, %add3A_438, %mul3A_456] : memref<8x19x512x512xf32, #tpu.memory_space<hbm>> -> memref<1x19x8x128xf32, #tpu.memory_space<hbm>>
        %dma_start3A_473 = tpu.memref_squeeze %dma_start3A_472 : memref<1x19x8x128xf32, #tpu.memory_space<hbm>> -> memref<19x8x128xf32, #tpu.memory_space<hbm>>
        tpu.enqueue_dma source(%dma_start3A_473 : memref<19x8x128xf32, #tpu.memory_space<hbm>>) target(%dma_start3A_470 : memref<19x8x128xf32, #tpu.memory_space<vmem>>) target_semaphore(%arg10 : memref<!tpu.dma_semaphore, #tpu.memory_space<semaphore_mem>>)
        %dma_start3A_474 = arith.constant 2 : i32
        %dma_start3A_475 = arith.constant 0 : i32
        %dma_start3A_476 = arith.constant 0 : i32
        %dma_start3A_477 = tpu.memref_slice %arg6[%dma_start3A_474, %dma_start3A_475, %dma_start3A_476] : memref<4x8x128xi32, #tpu.memory_space<vmem>> -> memref<1x8x128xi32, #tpu.memory_space<vmem>>
        %dma_start3A_478 = tpu.memref_squeeze %dma_start3A_477 : memref<1x8x128xi32, #tpu.memory_space<vmem>> -> memref<8x128xi32, #tpu.memory_space<vmem>>
        %dma_start3A_479 = tpu.memref_slice %arg3[%select_n3A, %add3A_438, %mul3A_456] : memref<8x512x512xi32, #tpu.memory_space<hbm>> -> memref<1x8x128xi32, #tpu.memory_space<hbm>>
        %dma_start3A_480 = tpu.memref_squeeze %dma_start3A_479 : memref<1x8x128xi32, #tpu.memory_space<hbm>> -> memref<8x128xi32, #tpu.memory_space<hbm>>
        %dma_start3A_481 = arith.constant 0 : i32
        %dma_start3A_482 = arith.constant 0 : i32
        %dma_start3A_483 = tpu.memref_slice %arg6[%dma_start3A_474, %dma_start3A_481, %dma_start3A_482] : memref<4x8x128xi32, #tpu.memory_space<vmem>> -> memref<1x8x128xi32, #tpu.memory_space<vmem>>
        %dma_start3A_484 = tpu.memref_squeeze %dma_start3A_483 : memref<1x8x128xi32, #tpu.memory_space<vmem>> -> memref<8x128xi32, #tpu.memory_space<vmem>>
        %dma_start3A_485 = tpu.memref_slice %arg3[%select_n3A, %add3A_438, %mul3A_456] : memref<8x512x512xi32, #tpu.memory_space<hbm>> -> memref<1x8x128xi32, #tpu.memory_space<hbm>>
        %dma_start3A_486 = tpu.memref_squeeze %dma_start3A_485 : memref<1x8x128xi32, #tpu.memory_space<hbm>> -> memref<8x128xi32, #tpu.memory_space<hbm>>
        tpu.enqueue_dma source(%dma_start3A_486 : memref<8x128xi32, #tpu.memory_space<hbm>>) target(%dma_start3A_484 : memref<8x128xi32, #tpu.memory_space<vmem>>) target_semaphore(%arg10 : memref<!tpu.dma_semaphore, #tpu.memory_space<semaphore_mem>>)
      } else {
      }
      %mul3A_355 = arith.constant 4 : i32
      %mul3A_356 = arith.muli %scan3A_185, %mul3A_355 : i32
      %add3A_357 = arith.constant 3 : i32
      %add3A_358 = arith.addi %mul3A_356, %add3A_357 : i32
      %dma_wait3A_359 = arith.constant 0 : i32
      %dma_wait3A_360 = arith.constant 3 : i32
      %dma_wait3A_361 = arith.constant 0 : i32
      %dma_wait3A_362 = arith.constant 0 : i32
      %dma_wait3A_363 = arith.constant 0 : i32
      %dma_wait3A_364 = tpu.memref_slice %arg5[%dma_wait3A_360, %dma_wait3A_361, %dma_wait3A_362, %dma_wait3A_363] : memref<4x19x8x128xf32, #tpu.memory_space<vmem>> -> memref<1x19x8x128xf32, #tpu.memory_space<vmem>>
      %dma_wait3A_365 = tpu.memref_squeeze %dma_wait3A_364 : memref<1x19x8x128xf32, #tpu.memory_space<vmem>> -> memref<19x8x128xf32, #tpu.memory_space<vmem>>
      %dma_wait3A_366 = arith.constant 0 : i32
      %dma_wait3A_367 = arith.constant 0 : i32
      %dma_wait3A_368 = arith.constant 0 : i32
      %dma_wait3A_369 = tpu.memref_slice %arg2[%dma_wait3A_359, %dma_wait3A_366, %dma_wait3A_367, %dma_wait3A_368] : memref<8x19x512x512xf32, #tpu.memory_space<hbm>> -> memref<1x19x8x128xf32, #tpu.memory_space<hbm>>
      %dma_wait3A_370 = tpu.memref_squeeze %dma_wait3A_369 : memref<1x19x8x128xf32, #tpu.memory_space<hbm>> -> memref<19x8x128xf32, #tpu.memory_space<hbm>>
      %dma_wait3A_371 = arith.constant 0 : i32
      %dma_wait3A_372 = arith.constant 0 : i32
      %dma_wait3A_373 = arith.constant 0 : i32
      %dma_wait3A_374 = tpu.memref_slice %arg5[%dma_wait3A_360, %dma_wait3A_371, %dma_wait3A_372, %dma_wait3A_373] : memref<4x19x8x128xf32, #tpu.memory_space<vmem>> -> memref<1x19x8x128xf32, #tpu.memory_space<vmem>>
      %dma_wait3A_375 = tpu.memref_squeeze %dma_wait3A_374 : memref<1x19x8x128xf32, #tpu.memory_space<vmem>> -> memref<19x8x128xf32, #tpu.memory_space<vmem>>
      %dma_wait3A_376 = arith.constant 0 : i32
      %dma_wait3A_377 = arith.constant 0 : i32
      %dma_wait3A_378 = arith.constant 0 : i32
      %dma_wait3A_379 = tpu.memref_slice %arg2[%dma_wait3A_359, %dma_wait3A_376, %dma_wait3A_377, %dma_wait3A_378] : memref<8x19x512x512xf32, #tpu.memory_space<hbm>> -> memref<1x19x8x128xf32, #tpu.memory_space<hbm>>
      %dma_wait3A_380 = tpu.memref_squeeze %dma_wait3A_379 : memref<1x19x8x128xf32, #tpu.memory_space<hbm>> -> memref<19x8x128xf32, #tpu.memory_space<hbm>>
      tpu.wait_dma2 semaphore(%arg11 : memref<!tpu.dma_semaphore, #tpu.memory_space<semaphore_mem>>) src(%dma_wait3A_380 : memref<19x8x128xf32, #tpu.memory_space<hbm>>) dst(%dma_wait3A_375 : memref<19x8x128xf32, #tpu.memory_space<vmem>>)
      %dma_wait3A_381 = arith.constant 0 : i32
      %dma_wait3A_382 = arith.constant 3 : i32
      %dma_wait3A_383 = arith.constant 0 : i32
      %dma_wait3A_384 = arith.constant 0 : i32
      %dma_wait3A_385 = tpu.memref_slice %arg6[%dma_wait3A_382, %dma_wait3A_383, %dma_wait3A_384] : memref<4x8x128xi32, #tpu.memory_space<vmem>> -> memref<1x8x128xi32, #tpu.memory_space<vmem>>
      %dma_wait3A_386 = tpu.memref_squeeze %dma_wait3A_385 : memref<1x8x128xi32, #tpu.memory_space<vmem>> -> memref<8x128xi32, #tpu.memory_space<vmem>>
      %dma_wait3A_387 = arith.constant 0 : i32
      %dma_wait3A_388 = arith.constant 0 : i32
      %dma_wait3A_389 = tpu.memref_slice %arg3[%dma_wait3A_381, %dma_wait3A_387, %dma_wait3A_388] : memref<8x512x512xi32, #tpu.memory_space<hbm>> -> memref<1x8x128xi32, #tpu.memory_space<hbm>>
      %dma_wait3A_390 = tpu.memref_squeeze %dma_wait3A_389 : memref<1x8x128xi32, #tpu.memory_space<hbm>> -> memref<8x128xi32, #tpu.memory_space<hbm>>
      %dma_wait3A_391 = arith.constant 0 : i32
      %dma_wait3A_392 = arith.constant 0 : i32
      %dma_wait3A_393 = tpu.memref_slice %arg6[%dma_wait3A_382, %dma_wait3A_391, %dma_wait3A_392] : memref<4x8x128xi32, #tpu.memory_space<vmem>> -> memref<1x8x128xi32, #tpu.memory_space<vmem>>
      %dma_wait3A_394 = tpu.memref_squeeze %dma_wait3A_393 : memref<1x8x128xi32, #tpu.memory_space<vmem>> -> memref<8x128xi32, #tpu.memory_space<vmem>>
      %dma_wait3A_395 = arith.constant 0 : i32
      %dma_wait3A_396 = arith.constant 0 : i32
      %dma_wait3A_397 = tpu.memref_slice %arg3[%dma_wait3A_381, %dma_wait3A_395, %dma_wait3A_396] : memref<8x512x512xi32, #tpu.memory_space<hbm>> -> memref<1x8x128xi32, #tpu.memory_space<hbm>>
      %dma_wait3A_398 = tpu.memref_squeeze %dma_wait3A_397 : memref<1x8x128xi32, #tpu.memory_space<hbm>> -> memref<8x128xi32, #tpu.memory_space<hbm>>
      tpu.wait_dma2 semaphore(%arg11 : memref<!tpu.dma_semaphore, #tpu.memory_space<semaphore_mem>>) src(%dma_wait3A_398 : memref<8x128xi32, #tpu.memory_space<hbm>>) dst(%dma_wait3A_394 : memref<8x128xi32, #tpu.memory_space<vmem>>)
      %scan3A_399 = arith.constant 0 : i32
      %scan3A_400 = arith.constant 64 : i32
      %scan3A_401 = arith.addi %scan3A_399, %scan3A_400 : i32
      %scan3A_402 = arith.constant 1 : i32
      %scan3A_403 = scf.for %scan3A_412 = %scan3A_399 to %scan3A_401 step %scan3A_402 iter_args(%scan3A_413 = %scan3A_346) -> (vector<16xf32>)  : i32 {
        %jit3A_414 = arith.constant 8 : i32
        %div3A_415 = arith.divsi %scan3A_412, %jit3A_414 : i32
        %sign3A_416 = arith.constant 0 : i32
        %sign3A_417 = arith.cmpi sgt, %scan3A_412, %sign3A_416 : i32
        %sign3A_418 = arith.extui %sign3A_417 : i1 to i32
        %sign3A_419 = arith.constant 0 : i32
        %sign3A_420 = arith.cmpi slt, %scan3A_412, %sign3A_419 : i32
        %sign3A_421 = arith.extui %sign3A_420 : i1 to i32
        %sign3A_422 = arith.subi %sign3A_418, %sign3A_421 : i32
        %sign3A_423 = arith.constant 0 : i32
        %sign3A_424 = arith.cmpi sgt, %jit3A_414, %sign3A_423 : i32
        %sign3A_425 = arith.extui %sign3A_424 : i1 to i32
        %sign3A_426 = arith.constant 0 : i32
        %sign3A_427 = arith.cmpi slt, %jit3A_414, %sign3A_426 : i32
        %sign3A_428 = arith.extui %sign3A_427 : i1 to i32
        %sign3A_429 = arith.subi %sign3A_425, %sign3A_428 : i32
        %ne3A_430 = arith.cmpi ne, %sign3A_422, %sign3A_429 : i32
        %rem3A_431 = arith.remsi %scan3A_412, %jit3A_414 : i32
        %ne3A_432 = arith.constant 0 : i32
        %ne3A_433 = arith.cmpi ne, %rem3A_431, %ne3A_432 : i32
        %and3A_434 = arith.andi %ne3A_430, %ne3A_433 : i1
        %sub3A_435 = arith.constant 1 : i32
        %sub3A_436 = arith.subi %div3A_415, %sub3A_435 : i32
        %select_n3A_437 = arith.select %and3A_434, %sub3A_436, %div3A_415 : i32
        %jit3A_438 = arith.constant 8 : i32
        %eq3A_439 = arith.constant 0 : i32
        %eq3A_440 = arith.cmpi eq, %jit3A_438, %eq3A_439 : i32
        %jit3A_441 = arith.constant 1 : i32
        %select_n3A_442 = arith.select %eq3A_440, %jit3A_441, %jit3A_438 : i32
        %rem3A_443 = arith.remsi %scan3A_412, %select_n3A_442 : i32
        %ne3A_444 = arith.constant 0 : i32
        %ne3A_445 = arith.cmpi ne, %rem3A_443, %ne3A_444 : i32
        %lt3A_446 = arith.constant 0 : i32
        %lt3A_447 = arith.cmpi slt, %rem3A_443, %lt3A_446 : i32
        %lt3A_448 = arith.constant 0 : i32
        %lt3A_449 = arith.cmpi slt, %select_n3A_442, %lt3A_448 : i32
        %ne3A_450 = arith.xori %lt3A_447, %lt3A_449 : i1
        %and3A_451 = arith.andi %ne3A_450, %ne3A_445 : i1
        %add3A_452 = arith.addi %rem3A_443, %select_n3A_442 : i32
        %select_n3A_453 = arith.select %and3A_451, %add3A_452, %rem3A_443 : i32
        %mul3A_454 = arith.constant 16 : i32
        %mul3A_455 = arith.muli %select_n3A_453, %mul3A_454 : i32
        %get3A = arith.constant 3 : i32
        %get3A_456 = arith.index_cast %get3A : i32 to index
        %get3A_457 = arith.index_cast %select_n3A_437 : i32 to index
        %get3A_458 = arith.index_cast %mul3A_455 : i32 to index
        %get3A_459 = tpu.vector_load %arg6[%get3A_456, %get3A_457, %get3A_458] {strides = array<i32>} : memref<4x8x128xi32, #tpu.memory_space<vmem>>, vector<16xi32>,
        %add3A_460 = vector.broadcast %mul3A_455 : i32 to vector<16xi32>
        %add3A_461 = arith.addi %iota3A, %add3A_460 : vector<16xi32>
        %broadcast_in_dim3A_462 = arith.constant 0 : i32
        %broadcast_in_dim3A_463 = vector.broadcast %broadcast_in_dim3A_462 : i32 to vector<16xi32>
        %add3A_464 = vector.broadcast %select_n3A_437 : i32 to vector<16xi32>
        %add3A_465 = arith.addi %broadcast_in_dim3A_463, %add3A_464 : vector<16xi32>
        %get3A_466 = arith.constant 3 : i32
        %get3A_467 = arith.constant 0 : i32
        %get3A_468 = arith.index_cast %get3A_466 : i32 to index
        %get3A_469 = arith.index_cast %get3A_467 : i32 to index
        %get3A_470 = arith.index_cast %select_n3A_437 : i32 to index
        %get3A_471 = arith.index_cast %mul3A_455 : i32 to index
        %get3A_472 = tpu.vector_load %arg5[%get3A_468, %get3A_469, %get3A_470, %get3A_471] {strides = array<i32>} : memref<4x19x8x128xf32, #tpu.memory_space<vmem>>, vector<16xf32>,
        %get3A_473 = arith.constant 3 : i32
        %get3A_474 = arith.constant 1 : i32
        %get3A_475 = arith.index_cast %get3A_473 : i32 to index
        %get3A_476 = arith.index_cast %get3A_474 : i32 to index
        %get3A_477 = arith.index_cast %select_n3A_437 : i32 to index
        %get3A_478 = arith.index_cast %mul3A_455 : i32 to index
        %get3A_479 = tpu.vector_load %arg5[%get3A_475, %get3A_476, %get3A_477, %get3A_478] {strides = array<i32>} : memref<4x19x8x128xf32, #tpu.memory_space<vmem>>, vector<16xf32>,
        %get3A_480 = arith.constant 3 : i32
        %get3A_481 = arith.constant 2 : i32
        %get3A_482 = arith.index_cast %get3A_480 : i32 to index
        %get3A_483 = arith.index_cast %get3A_481 : i32 to index
        %get3A_484 = arith.index_cast %select_n3A_437 : i32 to index
        %get3A_485 = arith.index_cast %mul3A_455 : i32 to index
        %get3A_486 = tpu.vector_load %arg5[%get3A_482, %get3A_483, %get3A_484, %get3A_485] {strides = array<i32>} : memref<4x19x8x128xf32, #tpu.memory_space<vmem>>, vector<16xf32>,
        %get3A_487 = arith.constant 3 : i32
        %get3A_488 = arith.constant 3 : i32
        %get3A_489 = arith.index_cast %get3A_487 : i32 to index
        %get3A_490 = arith.index_cast %get3A_488 : i32 to index
        %get3A_491 = arith.index_cast %select_n3A_437 : i32 to index
        %get3A_492 = arith.index_cast %mul3A_455 : i32 to index
        %get3A_493 = tpu.vector_load %arg5[%get3A_489, %get3A_490, %get3A_491, %get3A_492] {strides = array<i32>} : memref<4x19x8x128xf32, #tpu.memory_space<vmem>>, vector<16xf32>,
        %get3A_494 = arith.constant 3 : i32
        %get3A_495 = arith.constant 4 : i32
        %get3A_496 = arith.index_cast %get3A_494 : i32 to index
        %get3A_497 = arith.index_cast %get3A_495 : i32 to index
        %get3A_498 = arith.index_cast %select_n3A_437 : i32 to index
        %get3A_499 = arith.index_cast %mul3A_455 : i32 to index
        %get3A_500 = tpu.vector_load %arg5[%get3A_496, %get3A_497, %get3A_498, %get3A_499] {strides = array<i32>} : memref<4x19x8x128xf32, #tpu.memory_space<vmem>>, vector<16xf32>,
        %get3A_501 = arith.constant 3 : i32
        %get3A_502 = arith.constant 5 : i32
        %get3A_503 = arith.index_cast %get3A_501 : i32 to index
        %get3A_504 = arith.index_cast %get3A_502 : i32 to index
        %get3A_505 = arith.index_cast %select_n3A_437 : i32 to index
        %get3A_506 = arith.index_cast %mul3A_455 : i32 to index
        %get3A_507 = tpu.vector_load %arg5[%get3A_503, %get3A_504, %get3A_505, %get3A_506] {strides = array<i32>} : memref<4x19x8x128xf32, #tpu.memory_space<vmem>>, vector<16xf32>,
        %get3A_508 = arith.constant 3 : i32
        %get3A_509 = arith.constant 6 : i32
        %get3A_510 = arith.index_cast %get3A_508 : i32 to index
        %get3A_511 = arith.index_cast %get3A_509 : i32 to index
        %get3A_512 = arith.index_cast %select_n3A_437 : i32 to index
        %get3A_513 = arith.index_cast %mul3A_455 : i32 to index
        %get3A_514 = tpu.vector_load %arg5[%get3A_510, %get3A_511, %get3A_512, %get3A_513] {strides = array<i32>} : memref<4x19x8x128xf32, #tpu.memory_space<vmem>>, vector<16xf32>,
        %get3A_515 = arith.constant 3 : i32
        %get3A_516 = arith.constant 7 : i32
        %get3A_517 = arith.index_cast %get3A_515 : i32 to index
        %get3A_518 = arith.index_cast %get3A_516 : i32 to index
        %get3A_519 = arith.index_cast %select_n3A_437 : i32 to index
        %get3A_520 = arith.index_cast %mul3A_455 : i32 to index
        %get3A_521 = tpu.vector_load %arg5[%get3A_517, %get3A_518, %get3A_519, %get3A_520] {strides = array<i32>} : memref<4x19x8x128xf32, #tpu.memory_space<vmem>>, vector<16xf32>,
        %get3A_522 = arith.constant 3 : i32
        %get3A_523 = arith.constant 8 : i32
        %get3A_524 = arith.index_cast %get3A_522 : i32 to index
        %get3A_525 = arith.index_cast %get3A_523 : i32 to index
        %get3A_526 = arith.index_cast %select_n3A_437 : i32 to index
        %get3A_527 = arith.index_cast %mul3A_455 : i32 to index
        %get3A_528 = tpu.vector_load %arg5[%get3A_524, %get3A_525, %get3A_526, %get3A_527] {strides = array<i32>} : memref<4x19x8x128xf32, #tpu.memory_space<vmem>>, vector<16xf32>,
        %get3A_529 = arith.constant 3 : i32
        %get3A_530 = arith.constant 9 : i32
        %get3A_531 = arith.index_cast %get3A_529 : i32 to index
        %get3A_532 = arith.index_cast %get3A_530 : i32 to index
        %get3A_533 = arith.index_cast %select_n3A_437 : i32 to index
        %get3A_534 = arith.index_cast %mul3A_455 : i32 to index
        %get3A_535 = tpu.vector_load %arg5[%get3A_531, %get3A_532, %get3A_533, %get3A_534] {strides = array<i32>} : memref<4x19x8x128xf32, #tpu.memory_space<vmem>>, vector<16xf32>,
        %get3A_536 = arith.constant 3 : i32
        %get3A_537 = arith.constant 10 : i32
        %get3A_538 = arith.index_cast %get3A_536 : i32 to index
        %get3A_539 = arith.index_cast %get3A_537 : i32 to index
        %get3A_540 = arith.index_cast %select_n3A_437 : i32 to index
        %get3A_541 = arith.index_cast %mul3A_455 : i32 to index
        %get3A_542 = tpu.vector_load %arg5[%get3A_538, %get3A_539, %get3A_540, %get3A_541] {strides = array<i32>} : memref<4x19x8x128xf32, #tpu.memory_space<vmem>>, vector<16xf32>,
        %get3A_543 = arith.constant 3 : i32
        %get3A_544 = arith.constant 11 : i32
        %get3A_545 = arith.index_cast %get3A_543 : i32 to index
        %get3A_546 = arith.index_cast %get3A_544 : i32 to index
        %get3A_547 = arith.index_cast %select_n3A_437 : i32 to index
        %get3A_548 = arith.index_cast %mul3A_455 : i32 to index
        %get3A_549 = tpu.vector_load %arg5[%get3A_545, %get3A_546, %get3A_547, %get3A_548] {strides = array<i32>} : memref<4x19x8x128xf32, #tpu.memory_space<vmem>>, vector<16xf32>,
        %get3A_550 = arith.constant 3 : i32
        %get3A_551 = arith.constant 12 : i32
        %get3A_552 = arith.index_cast %get3A_550 : i32 to index
        %get3A_553 = arith.index_cast %get3A_551 : i32 to index
        %get3A_554 = arith.index_cast %select_n3A_437 : i32 to index
        %get3A_555 = arith.index_cast %mul3A_455 : i32 to index
        %get3A_556 = tpu.vector_load %arg5[%get3A_552, %get3A_553, %get3A_554, %get3A_555] {strides = array<i32>} : memref<4x19x8x128xf32, #tpu.memory_space<vmem>>, vector<16xf32>,
        %get3A_557 = arith.constant 3 : i32
        %get3A_558 = arith.constant 13 : i32
        %get3A_559 = arith.index_cast %get3A_557 : i32 to index
        %get3A_560 = arith.index_cast %get3A_558 : i32 to index
        %get3A_561 = arith.index_cast %select_n3A_437 : i32 to index
        %get3A_562 = arith.index_cast %mul3A_455 : i32 to index
        %get3A_563 = tpu.vector_load %arg5[%get3A_559, %get3A_560, %get3A_561, %get3A_562] {strides = array<i32>} : memref<4x19x8x128xf32, #tpu.memory_space<vmem>>, vector<16xf32>,
        %get3A_564 = arith.constant 3 : i32
        %get3A_565 = arith.constant 14 : i32
        %get3A_566 = arith.index_cast %get3A_564 : i32 to index
        %get3A_567 = arith.index_cast %get3A_565 : i32 to index
        %get3A_568 = arith.index_cast %select_n3A_437 : i32 to index
        %get3A_569 = arith.index_cast %mul3A_455 : i32 to index
        %get3A_570 = tpu.vector_load %arg5[%get3A_566, %get3A_567, %get3A_568, %get3A_569] {strides = array<i32>} : memref<4x19x8x128xf32, #tpu.memory_space<vmem>>, vector<16xf32>,
        %get3A_571 = arith.constant 3 : i32
        %get3A_572 = arith.constant 15 : i32
        %get3A_573 = arith.index_cast %get3A_571 : i32 to index
        %get3A_574 = arith.index_cast %get3A_572 : i32 to index
        %get3A_575 = arith.index_cast %select_n3A_437 : i32 to index
        %get3A_576 = arith.index_cast %mul3A_455 : i32 to index
        %get3A_577 = tpu.vector_load %arg5[%get3A_573, %get3A_574, %get3A_575, %get3A_576] {strides = array<i32>} : memref<4x19x8x128xf32, #tpu.memory_space<vmem>>, vector<16xf32>,
        %get3A_578 = arith.constant 3 : i32
        %get3A_579 = arith.constant 16 : i32
        %get3A_580 = arith.index_cast %get3A_578 : i32 to index
        %get3A_581 = arith.index_cast %get3A_579 : i32 to index
        %get3A_582 = arith.index_cast %select_n3A_437 : i32 to index
        %get3A_583 = arith.index_cast %mul3A_455 : i32 to index
        %get3A_584 = tpu.vector_load %arg5[%get3A_580, %get3A_581, %get3A_582, %get3A_583] {strides = array<i32>} : memref<4x19x8x128xf32, #tpu.memory_space<vmem>>, vector<16xf32>,
        %get3A_585 = arith.constant 3 : i32
        %get3A_586 = arith.constant 17 : i32
        %get3A_587 = arith.index_cast %get3A_585 : i32 to index
        %get3A_588 = arith.index_cast %get3A_586 : i32 to index
        %get3A_589 = arith.index_cast %select_n3A_437 : i32 to index
        %get3A_590 = arith.index_cast %mul3A_455 : i32 to index
        %get3A_591 = tpu.vector_load %arg5[%get3A_587, %get3A_588, %get3A_589, %get3A_590] {strides = array<i32>} : memref<4x19x8x128xf32, #tpu.memory_space<vmem>>, vector<16xf32>,
        %get3A_592 = arith.constant 3 : i32
        %get3A_593 = arith.constant 18 : i32
        %get3A_594 = arith.index_cast %get3A_592 : i32 to index
        %get3A_595 = arith.index_cast %get3A_593 : i32 to index
        %get3A_596 = arith.index_cast %select_n3A_437 : i32 to index
        %get3A_597 = arith.index_cast %mul3A_455 : i32 to index
        %get3A_598 = tpu.vector_load %arg5[%get3A_594, %get3A_595, %get3A_596, %get3A_597] {strides = array<i32>} : memref<4x19x8x128xf32, #tpu.memory_space<vmem>>, vector<16xf32>,
        %exp3A = math.exp %get3A_472 : vector<16xf32>
        %exp3A_599 = math.exp %get3A_479 : vector<16xf32>
        %add3A_600 = arith.addf %exp3A, %exp3A_599 : vector<16xf32>
        %exp3A_601 = math.exp %get3A_486 : vector<16xf32>
        %add3A_602 = arith.addf %add3A_600, %exp3A_601 : vector<16xf32>
        %exp3A_603 = math.exp %get3A_493 : vector<16xf32>
        %add3A_604 = arith.addf %add3A_602, %exp3A_603 : vector<16xf32>
        %exp3A_605 = math.exp %get3A_500 : vector<16xf32>
        %add3A_606 = arith.addf %add3A_604, %exp3A_605 : vector<16xf32>
        %exp3A_607 = math.exp %get3A_507 : vector<16xf32>
        %add3A_608 = arith.addf %add3A_606, %exp3A_607 : vector<16xf32>
        %exp3A_609 = math.exp %get3A_514 : vector<16xf32>
        %add3A_610 = arith.addf %add3A_608, %exp3A_609 : vector<16xf32>
        %exp3A_611 = math.exp %get3A_521 : vector<16xf32>
        %add3A_612 = arith.addf %add3A_610, %exp3A_611 : vector<16xf32>
        %exp3A_613 = math.exp %get3A_528 : vector<16xf32>
        %add3A_614 = arith.addf %add3A_612, %exp3A_613 : vector<16xf32>
        %exp3A_615 = math.exp %get3A_535 : vector<16xf32>
        %add3A_616 = arith.addf %add3A_614, %exp3A_615 : vector<16xf32>
        %exp3A_617 = math.exp %get3A_542 : vector<16xf32>
        %add3A_618 = arith.addf %add3A_616, %exp3A_617 : vector<16xf32>
        %exp3A_619 = math.exp %get3A_549 : vector<16xf32>
        %add3A_620 = arith.addf %add3A_618, %exp3A_619 : vector<16xf32>
        %exp3A_621 = math.exp %get3A_556 : vector<16xf32>
        %add3A_622 = arith.addf %add3A_620, %exp3A_621 : vector<16xf32>
        %exp3A_623 = math.exp %get3A_563 : vector<16xf32>
        %add3A_624 = arith.addf %add3A_622, %exp3A_623 : vector<16xf32>
        %exp3A_625 = math.exp %get3A_570 : vector<16xf32>
        %add3A_626 = arith.addf %add3A_624, %exp3A_625 : vector<16xf32>
        %exp3A_627 = math.exp %get3A_577 : vector<16xf32>
        %add3A_628 = arith.addf %add3A_626, %exp3A_627 : vector<16xf32>
        %exp3A_629 = math.exp %get3A_584 : vector<16xf32>
        %add3A_630 = arith.addf %add3A_628, %exp3A_629 : vector<16xf32>
        %exp3A_631 = math.exp %get3A_591 : vector<16xf32>
        %add3A_632 = arith.addf %add3A_630, %exp3A_631 : vector<16xf32>
        %exp3A_633 = math.exp %get3A_598 : vector<16xf32>
        %add3A_634 = arith.addf %add3A_632, %exp3A_633 : vector<16xf32>
        %gather3A = arith.constant 3 : i32
        %gather3A_635 = arith.constant 0 : i32
        %gather3A_636 = arith.constant 0 : i32
        %gather3A_637 = arith.constant 0 : i32
        %gather3A_638 = tpu.memref_slice %arg5[%gather3A, %gather3A_635, %gather3A_636, %gather3A_637] : memref<4x19x8x128xf32, #tpu.memory_space<vmem>> -> memref<1x19x8x128xf32, #tpu.memory_space<vmem>>
        %gather3A_639 = tpu.memref_squeeze %gather3A_638 : memref<1x19x8x128xf32, #tpu.memory_space<vmem>> -> memref<19x8x128xf32, #tpu.memory_space<vmem>>
        %gather3A_640 = tpu.vector_load_idx %gather3A_639[%get3A_459, %add3A_465, %add3A_461] : memref<19x8x128xf32, #tpu.memory_space<vmem>>[vector<16xi32>, vector<16xi32>, vector<16xi32>], vector<16xf32>,
        %exp3A_641 = math.exp %gather3A_640 : vector<16xf32>
        %div3A_642 = arith.divf %exp3A_641, %add3A_634 : vector<16xf32>
        %add3A_643 = arith.addf %scan3A_413, %div3A_642 : vector<16xf32>
        scf.yield %add3A_643 : vector<16xf32>
      }
      %scan3A_404 = arith.constant 64 : i32
      %add3A_405 = arith.constant 4 : i32
      %add3A_406 = arith.addi %add3A_358, %add3A_405 : i32
      %lt3A_407 = arith.constant 32 : i32
      %lt3A_408 = arith.cmpi slt, %add3A_406, %lt3A_407 : i32
      %convert_element_type3A_409 = arith.extui %lt3A_408 : i1 to i32
      %cond3A_410 = arith.constant 0 : i32
      %cond3A_411 = arith.cmpi ne, %convert_element_type3A_409, %cond3A_410 : i32
      scf.if %cond3A_411 {
        %jit3A_412 = arith.constant 4 : i32
        %div3A_413 = arith.divsi %add3A_406, %jit3A_412 : i32
        %sign3A_414 = arith.constant 0 : i32
        %sign3A_415 = arith.cmpi sgt, %add3A_406, %sign3A_414 : i32
        %sign3A_416 = arith.extui %sign3A_415 : i1 to i32
        %sign3A_417 = arith.constant 0 : i32
        %sign3A_418 = arith.cmpi slt, %add3A_406, %sign3A_417 : i32
        %sign3A_419 = arith.extui %sign3A_418 : i1 to i32
        %sign3A_420 = arith.subi %sign3A_416, %sign3A_419 : i32
        %sign3A_421 = arith.constant 0 : i32
        %sign3A_422 = arith.cmpi sgt, %jit3A_412, %sign3A_421 : i32
        %sign3A_423 = arith.extui %sign3A_422 : i1 to i32
        %sign3A_424 = arith.constant 0 : i32
        %sign3A_425 = arith.cmpi slt, %jit3A_412, %sign3A_424 : i32
        %sign3A_426 = arith.extui %sign3A_425 : i1 to i32
        %sign3A_427 = arith.subi %sign3A_423, %sign3A_426 : i32
        %ne3A_428 = arith.cmpi ne, %sign3A_420, %sign3A_427 : i32
        %rem3A_429 = arith.remsi %add3A_406, %jit3A_412 : i32
        %ne3A_430 = arith.constant 0 : i32
        %ne3A_431 = arith.cmpi ne, %rem3A_429, %ne3A_430 : i32
        %and3A_432 = arith.andi %ne3A_428, %ne3A_431 : i1
        %sub3A_433 = arith.constant 1 : i32
        %sub3A_434 = arith.subi %div3A_413, %sub3A_433 : i32
        %select_n3A_435 = arith.select %and3A_432, %sub3A_434, %div3A_413 : i32
        %mul3A_436 = arith.constant 8 : i32
        %mul3A_437 = arith.muli %select_n3A_435, %mul3A_436 : i32
        %add3A_438 = arith.addi %add3A_34, %mul3A_437 : i32
        %jit3A_439 = arith.constant 4 : i32
        %eq3A_440 = arith.constant 0 : i32
        %eq3A_441 = arith.cmpi eq, %jit3A_439, %eq3A_440 : i32
        %jit3A_442 = arith.constant 1 : i32
        %select_n3A_443 = arith.select %eq3A_441, %jit3A_442, %jit3A_439 : i32
        %rem3A_444 = arith.remsi %add3A_406, %select_n3A_443 : i32
        %ne3A_445 = arith.constant 0 : i32
        %ne3A_446 = arith.cmpi ne, %rem3A_444, %ne3A_445 : i32
        %lt3A_447 = arith.constant 0 : i32
        %lt3A_448 = arith.cmpi slt, %rem3A_444, %lt3A_447 : i32
        %lt3A_449 = arith.constant 0 : i32
        %lt3A_450 = arith.cmpi slt, %select_n3A_443, %lt3A_449 : i32
        %ne3A_451 = arith.xori %lt3A_448, %lt3A_450 : i1
        %and3A_452 = arith.andi %ne3A_451, %ne3A_446 : i1
        %add3A_453 = arith.addi %rem3A_444, %select_n3A_443 : i32
        %select_n3A_454 = arith.select %and3A_452, %add3A_453, %rem3A_444 : i32
        %mul3A_455 = arith.constant 128 : i32
        %mul3A_456 = arith.muli %select_n3A_454, %mul3A_455 : i32
        %dma_start3A_457 = arith.constant 3 : i32
        %dma_start3A_458 = arith.constant 0 : i32
        %dma_start3A_459 = arith.constant 0 : i32
        %dma_start3A_460 = arith.constant 0 : i32
        %dma_start3A_461 = tpu.memref_slice %arg5[%dma_start3A_457, %dma_start3A_458, %dma_start3A_459, %dma_start3A_460] : memref<4x19x8x128xf32, #tpu.memory_space<vmem>> -> memref<1x19x8x128xf32, #tpu.memory_space<vmem>>
        %dma_start3A_462 = tpu.memref_squeeze %dma_start3A_461 : memref<1x19x8x128xf32, #tpu.memory_space<vmem>> -> memref<19x8x128xf32, #tpu.memory_space<vmem>>
        %dma_start3A_463 = arith.constant 0 : i32
        %dma_start3A_464 = tpu.memref_slice %arg2[%select_n3A, %dma_start3A_463, %add3A_438, %mul3A_456] : memref<8x19x512x512xf32, #tpu.memory_space<hbm>> -> memref<1x19x8x128xf32, #tpu.memory_space<hbm>>
        %dma_start3A_465 = tpu.memref_squeeze %dma_start3A_464 : memref<1x19x8x128xf32, #tpu.memory_space<hbm>> -> memref<19x8x128xf32, #tpu.memory_space<hbm>>
        %dma_start3A_466 = arith.constant 0 : i32
        %dma_start3A_467 = arith.constant 0 : i32
        %dma_start3A_468 = arith.constant 0 : i32
        %dma_start3A_469 = tpu.memref_slice %arg5[%dma_start3A_457, %dma_start3A_466, %dma_start3A_467, %dma_start3A_468] : memref<4x19x8x128xf32, #tpu.memory_space<vmem>> -> memref<1x19x8x128xf32, #tpu.memory_space<vmem>>
        %dma_start3A_470 = tpu.memref_squeeze %dma_start3A_469 : memref<1x19x8x128xf32, #tpu.memory_space<vmem>> -> memref<19x8x128xf32, #tpu.memory_space<vmem>>
        %dma_start3A_471 = arith.constant 0 : i32
        %dma_start3A_472 = tpu.memref_slice %arg2[%select_n3A, %dma_start3A_471, %add3A_438, %mul3A_456] : memref<8x19x512x512xf32, #tpu.memory_space<hbm>> -> memref<1x19x8x128xf32, #tpu.memory_space<hbm>>
        %dma_start3A_473 = tpu.memref_squeeze %dma_start3A_472 : memref<1x19x8x128xf32, #tpu.memory_space<hbm>> -> memref<19x8x128xf32, #tpu.memory_space<hbm>>
        tpu.enqueue_dma source(%dma_start3A_473 : memref<19x8x128xf32, #tpu.memory_space<hbm>>) target(%dma_start3A_470 : memref<19x8x128xf32, #tpu.memory_space<vmem>>) target_semaphore(%arg11 : memref<!tpu.dma_semaphore, #tpu.memory_space<semaphore_mem>>)
        %dma_start3A_474 = arith.constant 3 : i32
        %dma_start3A_475 = arith.constant 0 : i32
        %dma_start3A_476 = arith.constant 0 : i32
        %dma_start3A_477 = tpu.memref_slice %arg6[%dma_start3A_474, %dma_start3A_475, %dma_start3A_476] : memref<4x8x128xi32, #tpu.memory_space<vmem>> -> memref<1x8x128xi32, #tpu.memory_space<vmem>>
        %dma_start3A_478 = tpu.memref_squeeze %dma_start3A_477 : memref<1x8x128xi32, #tpu.memory_space<vmem>> -> memref<8x128xi32, #tpu.memory_space<vmem>>
        %dma_start3A_479 = tpu.memref_slice %arg3[%select_n3A, %add3A_438, %mul3A_456] : memref<8x512x512xi32, #tpu.memory_space<hbm>> -> memref<1x8x128xi32, #tpu.memory_space<hbm>>
        %dma_start3A_480 = tpu.memref_squeeze %dma_start3A_479 : memref<1x8x128xi32, #tpu.memory_space<hbm>> -> memref<8x128xi32, #tpu.memory_space<hbm>>
        %dma_start3A_481 = arith.constant 0 : i32
        %dma_start3A_482 = arith.constant 0 : i32
        %dma_start3A_483 = tpu.memref_slice %arg6[%dma_start3A_474, %dma_start3A_481, %dma_start3A_482] : memref<4x8x128xi32, #tpu.memory_space<vmem>> -> memref<1x8x128xi32, #tpu.memory_space<vmem>>
        %dma_start3A_484 = tpu.memref_squeeze %dma_start3A_483 : memref<1x8x128xi32, #tpu.memory_space<vmem>> -> memref<8x128xi32, #tpu.memory_space<vmem>>
        %dma_start3A_485 = tpu.memref_slice %arg3[%select_n3A, %add3A_438, %mul3A_456] : memref<8x512x512xi32, #tpu.memory_space<hbm>> -> memref<1x8x128xi32, #tpu.memory_space<hbm>>
        %dma_start3A_486 = tpu.memref_squeeze %dma_start3A_485 : memref<1x8x128xi32, #tpu.memory_space<hbm>> -> memref<8x128xi32, #tpu.memory_space<hbm>>
        tpu.enqueue_dma source(%dma_start3A_486 : memref<8x128xi32, #tpu.memory_space<hbm>>) target(%dma_start3A_484 : memref<8x128xi32, #tpu.memory_space<vmem>>) target_semaphore(%arg11 : memref<!tpu.dma_semaphore, #tpu.memory_space<semaphore_mem>>)
      } else {
      }
      scf.yield %scan3A_403 : vector<16xf32>
    }
    %scan3A_183 = arith.constant 8 : i32
    %swap3A = arith.constant 0 : index
    %swap3A_184 = tpu.vector_load %arg7[%swap3A] {strides = array<i32>} : memref<16xf32, #tpu.memory_space<vmem>>, vector<16xf32>,
    tpu.vector_store %arg7[%swap3A], %scan3A_182 {strides = array<i32>} : memref<16xf32, #tpu.memory_space<vmem>>, vector<16xf32>,
    "tpu.region"() ({
      %run_scoped3A = tpu.sem_alloc : memref<!tpu.dma_semaphore, #tpu.memory_space<semaphore_mem>>
      %dma_start3A_185 = arith.constant 0 : i32
      %dma_start3A_186 = tpu.memref_slice %arg4[%add3A, %dma_start3A_185] : memref<32x16xf32, #tpu.memory_space<hbm>> -> memref<1x16xf32, #tpu.memory_space<hbm>>
      %dma_start3A_187 = tpu.memref_squeeze %dma_start3A_186 : memref<1x16xf32, #tpu.memory_space<hbm>> -> memref<16xf32, #tpu.memory_space<hbm>>
      %dma_start3A_188 = arith.constant 0 : i32
      %dma_start3A_189 = tpu.memref_slice %arg4[%add3A, %dma_start3A_188] : memref<32x16xf32, #tpu.memory_space<hbm>> -> memref<1x16xf32, #tpu.memory_space<hbm>>
      %dma_start3A_190 = tpu.memref_squeeze %dma_start3A_189 : memref<1x16xf32, #tpu.memory_space<hbm>> -> memref<16xf32, #tpu.memory_space<hbm>>
      tpu.enqueue_dma source(%arg7 : memref<16xf32, #tpu.memory_space<vmem>>) target(%dma_start3A_190 : memref<16xf32, #tpu.memory_space<hbm>>) target_semaphore(%run_scoped3A : memref<!tpu.dma_semaphore, #tpu.memory_space<semaphore_mem>>)
      %dma_wait3A = arith.constant 0 : i32
      %dma_wait3A_191 = tpu.memref_slice %arg4[%add3A, %dma_wait3A] : memref<32x16xf32, #tpu.memory_space<hbm>> -> memref<1x16xf32, #tpu.memory_space<hbm>>
      %dma_wait3A_192 = tpu.memref_squeeze %dma_wait3A_191 : memref<1x16xf32, #tpu.memory_space<hbm>> -> memref<16xf32, #tpu.memory_space<hbm>>
      %dma_wait3A_193 = arith.constant 0 : i32
      %dma_wait3A_194 = tpu.memref_slice %arg4[%add3A, %dma_wait3A_193] : memref<32x16xf32, #tpu.memory_space<hbm>> -> memref<1x16xf32, #tpu.memory_space<hbm>>
      %dma_wait3A_195 = tpu.memref_squeeze %dma_wait3A_194 : memref<1x16xf32, #tpu.memory_space<hbm>> -> memref<16xf32, #tpu.memory_space<hbm>>
      tpu.wait_dma2 semaphore(%run_scoped3A : memref<!tpu.dma_semaphore, #tpu.memory_space<semaphore_mem>>) src(%arg7 : memref<16xf32, #tpu.memory_space<vmem>>) dst(%dma_wait3A_195 : memref<16xf32, #tpu.memory_space<hbm>>)
      tpu.yield
    }) : () -> ()
    return
  }
}

module attributes {stable_mosaic.version = 14 : i64} {
  func.func @_tc_block(%arg0: i32, %arg1: i32, %arg2: memref<1x19x256x512xf32, #tpu.memory_space<vmem>>, %arg3: memref<1x256x512xi32, #tpu.memory_space<vmem>>, %arg4: memref<1x1xf32, #tpu.memory_space<smem>>) attributes {dimension_semantics = [#tpu.dimension_semantics<arbitrary>, #tpu.dimension_semantics<arbitrary>], iteration_bounds = array<i64: 8, 1>, scalar_prefetch = 0 : i64, scratch_operands = 0 : i64, tpu.core_type = #tpu.core_type<tc>, window_params = [{transform_indices = @transform_0, window_bounds = array<i64: 1, 19, 256, 512>}, {transform_indices = @transform_1, window_bounds = array<i64: 1, 256, 512>}, {transform_indices = @transform_2, window_bounds = array<i64: 1, 1>}]} {
    %get3A = arith.constant 0 : index
    %get3A_0 = arith.constant 0 : index
    %get3A_1 = arith.constant 0 : index
    %get3A_2 = arith.constant 0 : index
    %get3A_3 = vector.load %arg2[%get3A, %get3A_0, %get3A_1, %get3A_2] : memref<1x19x256x512xf32, #tpu.memory_space<vmem>>, vector<1x19x256x512xf32>
    %get3A_4 = vector.shape_cast %get3A_3 : vector<1x19x256x512xf32> to vector<19x256x512xf32>
    %get3A_5 = arith.constant 0 : index
    %get3A_6 = arith.constant 0 : index
    %get3A_7 = arith.constant 0 : index
    %get3A_8 = vector.load %arg3[%get3A_5, %get3A_6, %get3A_7] : memref<1x256x512xi32, #tpu.memory_space<vmem>>, vector<1x256x512xi32>
    %get3A_9 = vector.shape_cast %get3A_8 : vector<1x256x512xi32> to vector<256x512xi32>
    %reduce_max3A = arith.constant dense<0xFF800000> : vector<256x512xf32>
    %reduce_max3A_10 = vector.multi_reduction <maximumf>, %get3A_4, %reduce_max3A [0] : vector<19x256x512xf32> to vector<256x512xf32>
    %broadcast_in_dim3A = vector.shape_cast %reduce_max3A_10 : vector<256x512xf32> to vector<1x256x512xf32>
    %sub3A = vector.broadcast %broadcast_in_dim3A : vector<1x256x512xf32> to vector<19x256x512xf32>
    %sub3A_11 = arith.subf %get3A_4, %sub3A : vector<19x256x512xf32>
    %exp3A = math.exp %sub3A_11 : vector<19x256x512xf32>
    %reduce_sum3A = arith.constant dense<0.000000e+00> : vector<256x512xf32>
    %reduce_sum3A_12 = vector.multi_reduction <add>, %exp3A, %reduce_sum3A [0] : vector<19x256x512xf32> to vector<256x512xf32>
    %iota3A = tpu.iota {dimensions = array<i32: 0>} : vector<19x256x512xi32>
    %broadcast_in_dim3A_13 = vector.shape_cast %get3A_9 : vector<256x512xi32> to vector<1x256x512xi32>
    %eq3A = vector.broadcast %broadcast_in_dim3A_13 : vector<1x256x512xi32> to vector<19x256x512xi32>
    %eq3A_14 = arith.cmpi eq, %iota3A, %eq3A : vector<19x256x512xi32>
    %jit3A = arith.constant 0.000000e+00 : f32
    %broadcast_in_dim3A_15 = vector.broadcast %jit3A : f32 to vector<19x256x512xf32>
    %select_n3A = arith.select %eq3A_14, %exp3A, %broadcast_in_dim3A_15 : vector<19x256x512xi1>, vector<19x256x512xf32>
    %reduce_sum3A_16 = arith.constant dense<0.000000e+00> : vector<256x512xf32>
    %reduce_sum3A_17 = vector.multi_reduction <add>, %select_n3A, %reduce_sum3A_16 [0] : vector<19x256x512xf32> to vector<256x512xf32>
    %div3A = arith.divf %reduce_sum3A_17, %reduce_sum3A_12 : vector<256x512xf32>
    %reduce_sum3A_18 = vector.shape_cast %div3A : vector<256x512xf32> to vector<1x256x512xf32>
    %reduce_sum3A_19 = arith.constant dense<0.000000e+00> : vector<1xf32>
    %reduce_sum3A_20 = vector.multi_reduction <add>, %reduce_sum3A_18, %reduce_sum3A_19 [1, 2] : vector<1x256x512xf32> to vector<1xf32>
    %reduce_sum3A_21 = vector.shape_cast %reduce_sum3A_20 : vector<1xf32> to vector<1x1x1xf32>
    %reduce_sum3A_22 = vector.extract %reduce_sum3A_21[0, 0, 0] : f32 from vector<1x1x1xf32>
    %eq3A_23 = arith.constant 0 : i32
    %eq3A_24 = arith.cmpi eq, %arg0, %eq3A_23 : i32
    %eq3A_25 = arith.constant 0 : i32
    %eq3A_26 = arith.cmpi eq, %arg1, %eq3A_25 : i32
    %and3A = arith.andi %eq3A_24, %eq3A_26 : i1
    %convert_element_type3A = arith.extui %and3A : i1 to i32
    %cond3A = arith.constant 0 : i32
    %cond3A_27 = arith.cmpi ne, %convert_element_type3A, %cond3A : i32
    scf.if %cond3A_27 {
      %swap3A_33 = arith.constant 0.000000e+00 : f32
      %swap3A_34 = arith.constant 0 : index
      %swap3A_35 = arith.constant 0 : index
      %swap3A_36 = memref.load %arg4[%swap3A_34, %swap3A_35] : memref<1x1xf32, #tpu.memory_space<smem>>
      memref.store %swap3A_33, %arg4[%swap3A_34, %swap3A_35] : memref<1x1xf32, #tpu.memory_space<smem>>
    } else {
    }
    %get3A_28 = arith.constant 0 : index
    %get3A_29 = arith.constant 0 : index
    %get3A_30 = memref.load %arg4[%get3A_28, %get3A_29] : memref<1x1xf32, #tpu.memory_space<smem>>
    %add3A = arith.addf %get3A_30, %reduce_sum3A_22 : f32
    %swap3A = arith.constant 0 : index
    %swap3A_31 = arith.constant 0 : index
    %swap3A_32 = memref.load %arg4[%swap3A, %swap3A_31] : memref<1x1xf32, #tpu.memory_space<smem>>
    memref.store %add3A, %arg4[%swap3A, %swap3A_31] : memref<1x1xf32, #tpu.memory_space<smem>>
    return
  }
  func.func @transform_0(%arg0: i32, %arg1: i32) -> (i32, i32, i32, i32) {
    %c0_i32 = arith.constant 0 : i32
    %c0_i32_0 = arith.constant 0 : i32
    %c0_i32_1 = arith.constant 0 : i32
    return %arg0, %c0_i32, %arg1, %c0_i32_0 : i32, i32, i32, i32
  }
  func.func @transform_1(%arg0: i32, %arg1: i32) -> (i32, i32, i32) {
    %c0_i32 = arith.constant 0 : i32
    %c0_i32_0 = arith.constant 0 : i32
    return %arg0, %arg1, %c0_i32 : i32, i32, i32
  }
  func.func @transform_2(%arg0: i32, %arg1: i32) -> (i32, i32) {
    %c0_i32 = arith.constant 0 : i32
    %c0_i32_0 = arith.constant 0 : i32
    %c0_i32_1 = arith.constant 0 : i32
    return %c0_i32, %c0_i32_0 : i32, i32
  }
}

</mosaic_0001>

<sc_bundles>
// kernel: kernel.4.cloned.1.call-start
scs
__scs_entry_jumppad:
0x0: {  	(pc) =	sbr.rel $0x88, $3  }
0x1: {  	(tag) =	ssettag $0x0;
	lr =	simm.s32 $0x1  }
0x2: {  	[smem:$0x3F9F] =	sst lr;
	_ =	strace $0xD0000000  }
0x3: {  	_ = 	snop  }
0x4: {  	_ = 	snop  }
0x5: {  	_ = 	snop  }
0x6: {  	_ = 	snop  }
0x7: {  	_ = 	snop  }
__scs_overlays_trampoline_lowered:
0x8: {  	[smem:$0x3FAE] =	sst s0  }
0x9: {  	[smem:$0x3FAF] =	sst s1  }
0xa: {  	[smem:$0x3FB0] =	sst s2  }
0xb: {  	[smem:$0x3FB1] =	sst s3  }
0xc: {  	[smem:$0x3FB2] =	sst s4  }
0xd: {  	[smem:$0x3FB3] =	sst s5  }
0xe: {  	[smem:$0x3FB4] =	sst s6  }
0xf: {  	[smem:$0x3FB5] =	sst s7  }
0x10: {  	[smem:$0x3FB6] =	sst s8  }
0x11: {  	[smem:$0x3FB7] =	sst s9;
	s0 =	simm.s32 @!p0 $0x0  }
0x12: {  	s1 =	sld [smem:$0x3F9D];
	s0 =	simm.s32 @p0 $0x1  }
0x13: {  	[smem:$0x3FB8] =	sst s0;
	s0 =	simm.s32 @!p1 $0x0  }
0x14: {  	s2 =	sld [smem:$0x3F9C];
	s0 =	simm.s32 @p1 $0x1  }
0x15: {  	[smem:$0x3FB9] =	sst s0;
	s0 =	simm.s32 @!p2 $0x0  }
0x16: {  	s3 =	sld [smem:$0x3FDB];
	s0 =	simm.s32 @p2 $0x1  }
0x17: {  	s4 =	simm.s32 $0x1BF5;
	[smem:$0x3FBB] =	sst s0  }
0x18: {  	s0 =	sld [smem:$0x3F9E];
	_ =	swait.ge [sflag:s4], $0x0  }
0x19: {  	s7 =	sld [smem:$0x3F9F]  }
0x1a: {  	s8 =	sadd.s32 $0xFFFFE003, lr  }
0x1b: {  	s9 =	sadd.s32 $0xFFFFFEF7, lr;
	s5 =	simm.s32 $0xFFFFFFFF;
	p2 =	slt.u32 s8, $0xFFFFF086  }
0x1c: {  	p1 =	slt.u32 s9, $0xF7A;
	s5 =	simm.s32 @!p2 $0x0  }
0x1d: {  	s5 =	simm.s32 @p1 $0x1;
	p0 =	seq.s32 s7, s2  }
0x1e: {  	s7 =	smul.u32 @!p0 $0xF7A, s2;
	p2 =	seq.s32 @!p0 s5, $0x0  }
0x1f: {  	s9 =	smul.u32 $0xF7A, s1;
	s8 =	simm.s32 @!p0 $0x1BF5;
	p2 =	por !p2, p0  }
0x20: {  	[sflag:s8] =	ssyncset.s32 @!p0 $0xFFFFF086;
	s6 =	sadd.s32 @!p0 s3, s7;
	s7 =	simm.s32 @!p0 $0x108  }
0x21: {  	s3 =	sadd.s32 s3, s9;
	s6 =	sadd.s32 @!p0 $0x88, s6;
	s7 =	simm.s32 @p2 $0x1082  }
0x22: {  	[simem:s7], [sflag:s8] =	dma.local @!p0 [hbm:s6], $0xF7A  }
0x23: {  	s9 =	sor.u32 $0xD0000000, s2;
	s6 =	simm.s32 $0x108;
	_ =	swait.ge @!p0 [sflag:s8], $0x0  }
0x24: {  	s3 =	sadd.s32 $0x88, s3;
	s6 =	simm.s32 @!p1 $0x1082;
	[sflag:s4] =	ssyncset.s32 $0xFFFFF086  }
0x25: {  	[simem:s6], [sflag:s4] =	dma.local [hbm:s3], $0xF7A  }
0x26: {  	[smem:$0x3F9F] =	sst s1;
	(tag) =	ssettag s2;
	_ =	strace s9  }
0x27: {  	s1 =	sld [smem:$0x3FAF]  }
0x28: {  	s2 =	sld [smem:$0x3FB0]  }
0x29: {  	s4 =	sld [smem:$0x3FB2]  }
0x2a: {  	p0 =	seq.s32 s5, $0x0;
	s5 =	sld [smem:$0x3FB3]  }
0x2b: {  	s6 =	sld [smem:$0x3FB4]  }
0x2c: {  	s7 =	sld [smem:$0x3FB5]  }
0x2d: {  	s3 =	simm.s32 $0x108;
	s8 =	sld [smem:$0x3FB6]  }
0x2e: {  	s3 =	simm.s32 @!p0 $0x1082;
	s9 =	sld [smem:$0x3FB7]  }
0x2f: {  	lr =	sadd.s32 s0, s3;
	s0 =	sld [smem:$0x3FAE]  }
0x30: {  	s3 =	sld [smem:$0x3FB1]  }
0x31: {  	[smem:$0x3FBA] =	sst s10  }
0x32: {  	s10 =	sld [smem:$0x3FB8];
	_ =	sdelay $0x3  }
0x33: {  	p0 =	seq.s32 s10, $0x1;
	s10 =	sld [smem:$0x3FBA];
	_ =	sdelay $0x3  }
0x34: {  	[smem:$0x3FBA] =	sst s10  }
0x35: {  	s10 =	sld [smem:$0x3FB9];
	_ =	sdelay $0x3  }
0x36: {  	p1 =	seq.s32 s10, $0x1;
	s10 =	sld [smem:$0x3FBA];
	_ =	sdelay $0x3  }
0x37: {  	[smem:$0x3FBA] =	sst s10  }
0x38: {  	s10 =	sld [smem:$0x3FBB]  }
0x39: {  	_ = 	snop;
	(pc) =	sbr.ind lr, $3  }
0x3a: {  	_ = 	snop  }
0x3b: {  	_ = 	snop  }
0x3c: {  	p2 =	seq.s32 s10, $0x1;
	s10 =	sld [smem:$0x3FBA]  }
0x3d: {  	_ =	shalt  }
0x3e: {  	_ =	shalt  }
0x3f: {  	_ =	shalt  }
0x40: {  	_ =	shalt  }
0x41: {  	_ =	shalt  }
0x42: {  	_ =	shalt  }
0x43: {  	_ =	shalt  }
0x44: {  	_ =	shalt  }
0x45: {  	_ =	shalt  }
0x46: {  	_ =	shalt  }
0x47: {  	_ =	shalt  }
0x48: {  	_ =	shalt  }
0x49: {  	_ =	shalt  }
0x4a: {  	_ =	shalt  }
0x4b: {  	_ =	shalt  }
0x4c: {  	_ =	shalt  }
0x4d: {  	_ =	shalt  }
0x4e: {  	_ =	shalt  }
0x4f: {  	_ =	shalt  }
0x50: {  	_ =	shalt  }
0x51: {  	_ =	shalt  }
0x52: {  	_ =	shalt  }
0x53: {  	_ =	shalt  }
0x54: {  	_ =	shalt  }
0x55: {  	_ =	shalt  }
0x56: {  	_ =	shalt  }
0x57: {  	_ =	shalt  }
0x58: {  	_ =	shalt  }
0x59: {  	_ =	shalt  }
0x5a: {  	_ =	shalt  }
0x5b: {  	_ =	shalt  }
0x5c: {  	_ =	shalt  }
0x5d: {  	_ =	shalt  }
0x5e: {  	_ =	shalt  }
0x5f: {  	_ =	shalt  }
0x60: {  	_ =	shalt  }
0x61: {  	_ =	shalt  }
0x62: {  	_ =	shalt  }
0x63: {  	_ =	shalt  }
0x64: {  	_ =	shalt  }
0x65: {  	_ =	shalt  }
0x66: {  	_ =	shalt  }
0x67: {  	_ =	shalt  }
0x68: {  	_ =	shalt  }
0x69: {  	_ =	shalt  }
0x6a: {  	_ =	shalt  }
0x6b: {  	_ =	shalt  }
0x6c: {  	_ =	shalt  }
0x6d: {  	_ =	shalt  }
0x6e: {  	_ =	shalt  }
0x6f: {  	_ =	shalt  }
0x70: {  	_ =	shalt  }
0x71: {  	_ =	shalt  }
0x72: {  	_ =	shalt  }
0x73: {  	_ =	shalt  }
0x74: {  	_ =	shalt  }
0x75: {  	_ =	shalt  }
0x76: {  	_ =	shalt  }
0x77: {  	_ =	shalt  }
0x78: {  	_ =	shalt  }
0x79: {  	_ =	shalt  }
0x7a: {  	_ =	shalt  }
0x7b: {  	_ =	shalt  }
0x7c: {  	_ =	shalt  }
0x7d: {  	_ =	shalt  }
0x7e: {  	_ =	shalt  }
0x7f: {  	_ =	shalt  }
0x80: {  	_ =	shalt  }
0x81: {  	_ =	shalt  }
0x82: {  	_ =	shalt  }
0x83: {  	_ =	shalt  }
0x84: {  	_ =	shalt  }
0x85: {  	_ =	shalt  }
0x86: {  	_ =	shalt  }
0x87: {  	_ =	shalt  }
.Lfunc_end0:
.L_simem_size_0:
called_computation_lowered:
.L_overlay_start_0:
0x88: {  	s2 =	sld [smem:$0x3FD9]  }
0x89: {  	s3 =	sld [smem:$0x3FFE];
	_ =	sdelay $0x1  }
0x8a: {  	s1 =	srdreg.scid  }
0x8b: {  	s0 =	sand.u32 $0x1, s1  }
0x8c: {  	s17 =	sshll.u32 s0, $0xA;
	s2 =	sadd.s32 s3, s2  }
0x8d: {  	s2 =	sadd.s32 s2, s17  }
0x8e: {  	[smem:$0x3FC6] =	sst s2  }
0x8f: {  	_ = 	snop  }
0x90: {  	s2 =	sld [smem:$0x3FC9]  }
0x91: {  	s18 =	sld [smem:$0x3FC8];
	(tm) =	ssettm $0x1  }
0x92: {  	s4 =	sld [smem:$0x3FFB];
	_ =	sdelay $0x3  }
0x93: {  	_ =	strace s4  }
0x94: {  	s4 =	sld [smem:$0x3FFC];
	_ =	sdelay $0x3  }
0x95: {  	_ =	strace s4  }
0x96: {  	s4 =	sld [smem:$0x3FFD];
	_ =	sdelay $0x3  }
0x97: {  	_ =	strace s4  }
0x98: {  	_ =	strace $0x8FFFFFFF  }
0x99: {  	s19 =	sld [smem:$0x3FDB];
	_ =	sdelay $0x1  }
0x9a: {  	s5 =	simm.s32 $_scs_section_size  }
0x9b: {  	s6 =	simm.s32 $_size__tile_overlayer_lowered;
	s7 =	simm.s32 $_tile_overlayer_lowered  }
0x9c: {  	s22 =	simm.s32 $0x1BFF;
	s21 =	sshll.u32 s7, $0x1;
	s4 =	sadd.s32 s5, s19  }
0x9d: {  	s8 =	simm.s32 $0x0;
	s20 =	sshll.u32 s6, $0x1;
	s6 =	sadd.s32 s21, s4  }
0x9e: {  	[timem:s8], [sflag:s22] =	dma.local [hbm:s6], s20  }
0x9f: {  	_ =	swait.ge [sflag:s22], s20  }
0xa0: {  	s5 =	ssub.s32 $0x0, s20;
	[sflag:s22] =	ssyncset.done $0x0  }
0xa1: {  	[sflag:s22] =	ssyncadd.s32 s5;
	_ =	sdelay $0x1  }
0xa2: {  	s23 =	simm.s32 $0x1B8B  }
0xa3: {  	_ =	swait.ge [sflag:s23], $0x1  }
0xa4: {  	[sflag:s23] =	ssyncset.done $0x0  }
0xa5: {  	s25 =	simm.s32 $0x1B8E;
	s24 =	sld [smem:$0x3FFE];
	[sflag:s23] =	ssyncadd.s32 $0xFFFFFFFF  }
0xa6: {  	s26 =	simm.s32 $execute0_lowered;
	[smem:$0x3FD2] =	sst s25  }
0xa7: {  	s6 =	sshll.u32 s26, $0x1;
	_ =	strace $0x80000046;
	[dreg:$0x1] =	wrdreg $0xFFFFFFFF  }
0xa8: {  	s28 =	simm.s32 $_size_execute0_lowered;
	s4 =	sadd.s32 s4, s6;
	[dreg:$0x0] =	wrdreg $0x0  }
0xa9: {  	s6 =	sshll.u32 s28, $0x1;
	[dreg:$0x2] =	wrdreg s4  }
0xaa: {  	[dreg:$0x3] =	wrdreg s6  }
0xab: {  	[dreg:$0x4] =	wrdreg $0xC0  }
0xac: {  	_ =	task [dreg:s8], $0x5FFFF  }
0xad: {  	[dreg:$0x1] =	wrdreg $0xFFFFFFFF  }
0xae: {  	[dreg:$0x0] =	wrdreg $0x60  }
0xaf: {  	[dreg:$0x2] =	wrdreg s2  }
0xb0: {  	[dreg:$0x3] =	wrdreg s18  }
0xb1: {  	[dreg:$0x4] =	wrdreg s24  }
0xb2: {  	[dreg:$0x5] =	wrdreg $0x9  }
0xb3: {  	_ =	task.clear_ibuf [dreg:s8], $0x6FFFF;
	_ =	strace $0x90000046  }
0xb4: {  	s29 =	simm.s32 $0x9;
	_ =	strace $0x80000048  }
0xb5: {  	_ =	swait.ge [sflag:s29], $0x1  }
0xb6: {  	[sflag:s29] =	ssyncadd.s32 $0xFFFFFFFF  }
0xb7: {  	_ =	strace $0x90000048  }
0xb8: {  	_ =	sfence  }
0xb9: {  	s30 =	sld [smem:$0x0];
	_ =	sdelay $0x2  }
0xba: {  	s31 =	sshll.u32 s1, $0xD;
	s1 =	sshrl.u32 s1, $0x2  }
0xbb: {  	s3 =	sand.u32 $0x4000, s31;
	s1 =	sadd.s32 s1, s30  }
0xbc: {  	s0 =	sor.u32 s3, s0;
	s1 =	sshll.u32 s1, $0x11  }
0xbd: {  	s0 =	sor.u32 s1, s0  }
0xbe: {  	s0 =	sadd.s32 $0x8F2B, s0  }
0xbf: {  	[sflag:s0] =	ssyncadd.remote.s32 $0x1  }
0xc0: {  	_ =	sfence.sel $0xFFFF  }
0xc1: {  	[dreg:$0x0] =	wrdreg $0xFFFFFFFF;
	(pc) =	sbr.abs _section_cstart, $3  }
0xc2: {  	[dreg:$0x1] =	wrdreg $0xFFFFFFFF  }
0xc3: {  	_ =	task.clear_ibuf [dreg:s8], $0x2FFFF;
	_ =	strace $0x9FFFFFFF  }
0xc4: {  	(tm) =	ssettm $0x7FFFFFFF  }
0xc5: {  	_ =	shalt  }
tec
execute0_lowered:
.L_overlay_start_1:
0x0: {  	(tag) =	ssettag $0x1  }
0x1: {  	s10 =	rddreg [dreg:$0x0]  }
0x2: {  	s12 =	rddreg [dreg:$0x1]  }
0x3: {  	s0 =	srdreg.scid;
	s5 =	stileid.u32  }
0x4: {  	s1 =	rddreg [dreg:$0x2];
	s4 =	simm.s32 $0x0;
	s29 =	simm.s32 $0x4C00  }
0x5: {  	s31 =	simm.s32 $0x9800;
	s30 =	simm.s32 $0x1;
	s0 =	sand.u32 $0x1, s0  }
0x6: {  	s2 =	sshll.u32 s5, $0x1;
	[smem:$0x7FF] =	sst s4;
	s6 =	sshrl.u32 s5, $0x1  }
0x7: {  	s14 =	sadd.s32 $0x100, s12;
	s17 =	sadd.s32 $0x180, s10;
	s19 =	sadd.s32 $0x180, s12  }
0x8: {  	s2 =	sor.u32 s0, s2;
	_ =	strace $0x80000047;
	s5 =	smul.u32 $0x4C0000, s6  }
0x9: {  	s0 =	ssub.s32 $0x2, s0;
	s6 =	sshll.u32 s6, $0x12;
	s3 =	sshll.u32 s2, $0x6  }
0xa: {  	s2 =	sshll.u32 s2, $0x4;
	s7 =	sshrl.u32 s0, $0x1;
	s3 =	sand.u32 $0xC0, s3  }
0xb: {  	s1 =	sadd.s32 s2, s1;
	s0 =	ssub.s32 s0, s7;
	s3 =	sor.u32 $0x100, s3  }
0xc: {  	s2 =	simm.s32 $0x2;
	s1 =	sadd.s32 $0x200, s1;
	s21 =	sshll.u32 s3, $0x9  }
0xd: {  	s0 =	smax.u32 s0, $0x1;
	s3 =	sshrl.u32 s3, $0x3;
	s8 =	sor.u32 s5, s21  }
0xe: {  	[dreg:$0xc] =	wrdreg s1;
	s23 =	sor.u32 s6, s21;
	s22 =	sshrl.u32 s8, $0x3  }
0xf: {  	[dreg:$0xd] =	wrdreg s0;
	s24 =	sshrl.u32 s23, $0x3;
	s9 =	sadd.s32 s10, s22  }
0x10: {  	s8 =	sadd.s32 $0x80, s10;
	s11 =	sadd.s32 s12, s24;
	[dreg:$0x4] =	wrdreg s9  }
0x11: {  	s0 =	simm.s32 $0xE400;
	s25 =	sadd.s32 s22, s8;
	[dreg:$0x5] =	wrdreg s11  }
0x12: {  	s21 =	sor.u32 $0x1000, s21;
	s26 =	sadd.s32 s24, s14;
	[dreg:$0x6] =	wrdreg s25  }
0x13: {  	s7 =	sadd.s32 s22, s17;
	s28 =	sadd.s32 s24, s19;
	[dreg:$0x9] =	wrdreg s26  }
.Ltmp0:
0x14: {  	s11 =	sadd.s32 $0x80, s12;
	[dreg:$0xa] =	wrdreg s7;
	(pc) =	sbr.rel .LBB2_1-.Ltmp0, $4  }
0x15: {  	[dreg:$0xb] =	wrdreg s28;
	s25 =	simm.s32 $0x400;
	s13 =	sadd.s32 s24, s11  }
0x16: {  	s26 =	simm.s32 $0x40000;
	[dreg:$0x7] =	wrdreg s13;
	s13 =	sadd.s32 $0x100, s10  }
0x17: {  	s7 =	simm.s32 $0x3;
	s9 =	simm.s32 $0x4;
	s15 =	sadd.s32 s22, s13  }
0x18: {  	v0 =	vlaneseq.u32;
	s10 =	simm.s32 $0x0;
	s22 =	sor.u32 $0x1, s3;
	[dreg:$0x8] =	wrdreg s15  }
.LBB2_12:
0x19: {  	[tilespmem:$0x14000] =	vst v1;
	s1 =	rddreg [dreg:$0xc];
	s3 =	simm.s32 $0x14000;
	s24 =	simm.s32 $0x5  }
0x1a: {  	[hbm4b:s1+s4] =	stream.linear.scatter [tilespmem:s3], [sflag:$0x5], $0x80, $0x38;
	[tilespmem:$0x14080] =	vst v63  }
0x1b: {  	_ =	swait.ge [sflag:s24], $0x80  }
0x1c: {  	s10 =	rddreg [dreg:$0xe]  }
0x1d: {  	s28 =	rddreg [dreg:$0xd];
	s10 =	sadd.s32 $0x1, s10  }
0x1e: {  	p0 =	sne.s32 s10, s28  }
.Ltmp1:
0x1f: {  	_ = 	snop;
	(pc) =	sbr.rel @!p0 .LBB2_13-.Ltmp1, $3  }
0x20: {  	_ =	sdelay $0x1  }
0x21: {  	[sflag:s24] =	ssyncset.done $0x0  }
0x22: {  	[sflag:s24] =	ssyncadd.s32 $0xFFFFFF80  }
.LBB2_1:
0x23: {  	[dreg:$0xe] =	wrdreg s10  }
0x24: {  	s1 =	rddreg [dreg:$0x4]  }
0x25: {  	[tilespmem:s4], [sflag:$0x1] =	stream.strided.gather [hbm4b:s1+s25], $0x4C00, s26, s25, $0x38;
	[tilespmem:$0x14080] =	vst v63  }
0x26: {  	s28 =	rddreg [dreg:$0x5];
	s3 =	simm.s32 $0x13000  }
0x27: {  	[tilespmem:s3], [sflag:$0x1] =	stream.linear.gather [hbm4b:s28+s4], $0x400, $0x38;
	[tilespmem:$0x14080] =	vst v63  }
0x28: {  	s10 =	rddreg [dreg:$0x6]  }
0x29: {  	[tilespmem:s29], [sflag:$0x2] =	stream.strided.gather [hbm4b:s10+s25], $0x4C00, s26, s25, $0x38;
	[tilespmem:$0x14080] =	vst v63  }
0x2a: {  	s12 =	rddreg [dreg:$0x7];
	s15 =	simm.s32 $0x13400  }
0x2b: {  	[tilespmem:s15], [sflag:$0x2] =	stream.linear.gather [hbm4b:s12+s4], $0x400, $0x38;
	[tilespmem:$0x14080] =	vst v63  }
0x2c: {  	s16 =	rddreg [dreg:$0x8]  }
0x2d: {  	[tilespmem:s31], [sflag:$0x3] =	stream.strided.gather [hbm4b:s16+s25], $0x4C00, s26, s25, $0x38;
	[tilespmem:$0x14080] =	vst v63  }
0x2e: {  	s18 =	rddreg [dreg:$0x9];
	s20 =	simm.s32 $0x13800  }
0x2f: {  	[tilespmem:s20], [sflag:$0x3] =	stream.linear.gather [hbm4b:s18+s4], $0x400, $0x38;
	[tilespmem:$0x14080] =	vst v63  }
0x30: {  	s23 =	rddreg [dreg:$0xa]  }
0x31: {  	[tilespmem:s0], [sflag:$0x4] =	stream.strided.gather [hbm4b:s23+s25], $0x4C00, s26, s25, $0x38;
	[tilespmem:$0x14080] =	vst v63  }
0x32: {  	s24 =	rddreg [dreg:$0xb];
	s28 =	simm.s32 $0x13C00;
	s15 =	simm.s32 $0x0  }
0x33: {  	v1 =	vimm.f32 $0.0e+00;
	[tilespmem:s28], [sflag:$0x4] =	stream.linear.gather [hbm4b:s24+s4], $0x400, $0x38;
	[tilespmem:$0x14080] =	vst v63  }
.LBB2_2:
0x34: {  	_ =	swait.ge [sflag:s30], $0x4C00  }
0x35: {  	[sflag:s30] =	ssyncset.done $0x0  }
0x36: {  	[sflag:s30] =	ssyncadd.s32 $0xFFFFB400  }
0x37: {  	s1 =	simm.s32 $0x0;
	s10 =	simm.s32 $0x0;
	_ =	swait.ge [sflag:s30], $0x400  }
0x38: {  	s3 =	sand.u32 $0x70, s1;
	s23 =	sand.u32 $0xFFFFFF80, s10;
	[sflag:s30] =	ssyncset.done $0x0  }
0x39: {  	s12 =	sor.u32 s3, s23;
	[sflag:s30] =	ssyncadd.s32 $0xFFFFFC00  }
0x3a: {  	v2 =	vld [tilespmem:s12+$0x0]  }
0x3b: {  	v3 =	vld [tilespmem:s12+$0x400];
	_ =	sdelay $0x1  }
0x3c: {  	v4 =	vld [tilespmem:s12+$0x800];
	_ =	sdelay $0x1  }
0x3d: {  	v5 =	vld [tilespmem:s12+$0xC00];
	v2 =	vmul.f32 $1.442695020e+00, v2  }
0x3e: {  	v3 =	vmul.f32 $1.442695020e+00, v3  }
0x3f: {  	(erf) = vpow2.f32 v2;
	v2 =	vld [tilespmem:s12+$0x1000]  }
0x40: {  	(erf) = vpow2.f32 v3;
	v3 =	vmul.f32 $1.442695020e+00, v4;
	v4 =	vld [tilespmem:s12+$0x1400];
	_ =	sdelay $0x1  }
0x41: {  	v5 =	vmul.f32 $1.442695020e+00, v5;
	(erf) = vpow2.f32 v3;
	_ =	sdelay $0x1  }
0x42: {  	v3 =	vld [tilespmem:s12+$0x1800];
	(erf) = vpow2.f32 v5  }
0x43: {  	v7 =	vld [tilespmem:s12+$0x2400];
	v2 =	vmul.f32 $1.442695020e+00, v2;
	v4 =	vmul.f32 $1.442695020e+00, v4  }
0x44: {  	v5 =	vld [tilespmem:s12+$0x1C00]  }
0x45: {  	(erf) = vpow2.f32 v2;
	v2 =	vld [tilespmem:s12+$0x2000]  }
0x46: {  	s24 =	simm.s32 $0x10;
	s16 =	simm.s32 $0x10;
	v8 =	vld [tilespmem:s12+$0x3000];
	v6 =	vpop (erf)  }
0x47: {  	s16 =	sand.u32 $0x70, s16;
	s18 =	sand.u32 $0xFFFFFF80, s24;
	v9 =	vld [tilespmem:s12+$0x4800];
	v3 =	vmul.f32 $1.442695020e+00, v3;
	(erf) = vpow2.f32 v4;
	v4 =	vpop (erf)  }
0x48: {  	s10 =	sor.u32 s16, s18;
	v10 =	vld [tilespmem:s12+$0x4400];
	v4 =	vadd.f32 v4, v6  }
0x49: {  	v11 =	vld [tilespmem:s10+$0x400];
	v5 =	vmul.f32 $1.442695020e+00, v5;
	(erf) = vpow2.f32 v3;
	v6 =	vpop (erf)  }
0x4a: {  	v3 =	vld [tilespmem:s12+$0x2800];
	v2 =	vmul.f32 $1.442695020e+00, v2;
	v4 =	vadd.f32 v6, v4  }
0x4b: {  	(erf) = vpow2.f32 v5;
	v5 =	vld [tilespmem:s12+$0x2C00];
	v6 =	vpop (erf)  }
0x4c: {  	(erf) = vpow2.f32 v2;
	v2 =	vld [tilespmem:s10+$0x0];
	v4 =	vadd.f32 v6, v4;
	v6 =	vmul.f32 $1.442695020e+00, v7  }
0x4d: {  	v13 =	vld [tilespmem:s10+$0x1400];
	v7 =	vmul.f32 $1.442695020e+00, v8  }
0x4e: {  	v8 =	vpop (erf);
	(erf) = vpow2.f32 v6;
	v6 =	vld [tilespmem:s12+$0x3400]  }
0x4f: {  	v3 =	vmul.f32 $1.442695020e+00, v3;
	v4 =	vadd.f32 v8, v4;
	(erf) = vpow2.f32 v7;
	v7 =	vld [tilespmem:s10+$0x800]  }
0x50: {  	v14 =	vld [tilespmem:s10+$0x1800];
	v5 =	vmul.f32 $1.442695020e+00, v5;
	v8 =	vpop (erf)  }
0x51: {  	v4 =	vadd.f32 v8, v4;
	(erf) = vpow2.f32 v3;
	v3 =	vld [tilespmem:s12+$0x3800];
	v2 =	vmul.f32 $1.442695020e+00, v2  }
0x52: {  	v12 =	vmul.f32 $1.442695020e+00, v9;
	v8 =	vpop (erf);
	(erf) = vpow2.f32 v5;
	v5 =	vld [tilespmem:s10+$0xC00]  }
0x53: {  	v9 =	vmul.f32 $1.442695020e+00, v11;
	v4 =	vadd.f32 v8, v4;
	v8 =	vld [tilespmem:s12+$0x4000];
	(erf) = vpow2.f32 v2  }
0x54: {  	v11 =	vpop (erf);
	v2 =	vld [tilespmem:s12+$0x3C00];
	v6 =	vmul.f32 $1.442695020e+00, v6;
	v7 =	vmul.f32 $1.442695020e+00, v7  }
0x55: {  	v10 =	vmul.f32 $1.442695020e+00, v10;
	(erf) = vpow2.f32 v9;
	v9 =	vld [tilespmem:s10+$0x1000];
	v4 =	vadd.f32 v11, v4  }
0x56: {  	v11 =	vpop (erf);
	v3 =	vmul.f32 $1.442695020e+00, v3;
	(erf) = vpow2.f32 v6;
	v6 =	vld [tilespmem:s12+$0x13000]  }
0x57: {  	v4 =	vadd.f32 v11, v4;
	v5 =	vmul.f32 $1.442695020e+00, v5;
	(erf) = vpow2.f32 v7;
	v11 =	vld [tilespmem:s10+$0x1C00]  }
0x58: {  	v13 =	vmul.f32 $1.442695020e+00, v13;
	v7 =	vpop (erf);
	(erf) = vpow2.f32 v3  }
0x59: {  	v2 =	vmul.f32 $1.442695020e+00, v2;
	v4 =	vadd.f32 v7, v4;
	v7 =	vpop (erf);
	(erf) = vpow2.f32 v5  }
0x5a: {  	v5 =	vmul.f32 $1.442695020e+00, v8;
	v8 =	vmul.f32 $1.442695020e+00, v9;
	v3 =	vpop (erf)  }
0x5b: {  	v15 =	vld [tilespmem:s10+$0x4800];
	v14 =	vmul.f32 $1.442695020e+00, v14;
	v4 =	vadd.f32 v3, v4;
	v9 =	vpop (erf);
	(erf) = vpow2.f32 v2  }
0x5c: {  	v6 =	vshll.u32 v6, $0xA;
	v2 =	vld [tilespmem:s10+$0x2000];
	v16 =	vmul.f32 $1.442695020e+00, v11;
	(erf) = vpow2.f32 v8  }
0x5d: {  	v3 =	vld [tilespmem:s10+$0x4400];
	v6 =	vadd.s32 s23, v6;
	v11 =	vpop (erf);
	v9 =	vadd.f32 v9, v4;
	(erf) = vpow2.f32 v5  }
0x5e: {  	v8 =	vld [tilespmem:s10+$0x2400];
	v6 =	vor.u32 s3, v6;
	(erf) = vpow2.f32 v13  }
0x5f: {  	s28 =	simm.s32 $0x20;
	s1 =	simm.s32 $0x20;
	v4 =	vld [tilespmem:s10+$0x3000];
	v17 =	vpop (erf);
	v7 =	vadd.f32 v7, v9;
	(erf) = vpow2.f32 v10;
	v10 =	vor.u32 v0, v6  }
0x60: {  	s20 =	sand.u32 $0x70, s1;
	s23 =	sand.u32 $0xFFFFFF80, s28;
	v5 =	vld [tilespmem:s10+$0x2C00];
	v13 =	vadd.f32 v17, v11;
	v11 =	vpop (erf);
	(erf) = vpow2.f32 v14  }
0x61: {  	s12 =	sor.u32 s20, s23;
	v9 =	vld [tilespmem:s10+$0x2800];
	v14 =	vpop (erf);
	v63 =	vadd.f32 v11, v7;
	(erf) = vpow2.f32 v12  }
0x62: {  	v6 =	vld [tilespmem:s12+$0x0];
	v11 =	vmul.f32 $1.442695020e+00, v2;
	v13 =	vadd.f32 v14, v13;
	v12 =	vpop (erf);
	(erf) = vpow2.f32 v16  }
0x63: {  	s3 =	simm.s32 $0x3;
	v7 =	vld [tilespmem:s12+$0x400];
	v2 =	vmul.f32 $1.442695020e+00, v15;
	v14 =	vpop (erf);
	v12 =	vadd.f32 v12, v63  }
.LBB2_3:
0x64: {  	p0 =	sne.s32 s3, $0x3F;
	v13 =	vadd.f32 v14, v13;
	v18 =	vmul.f32 $1.442695020e+00, v8;
	(erf) = vpow2.f32 v11;
	v10 =	vld.idx.msk [tilespmem:v10+s4+$0x0], $0xffff;
	v11 =	vpop (erf)  }
0x65: {  	v4 =	vmul.f32 $1.442695020e+00, v4;
	v15 =	vmul.f32 $1.442695020e+00, v3;
	v14 =	vld [tilespmem:s10+$0x13000];
	v3 =	vpop (erf);
	v11 =	vadd.f32 v11, v12  }
0x66: {  	v12 =	vld [tilespmem:s10+$0x4000];
	v3 =	vadd.f32 v3, v13;
	v17 =	vmul.f32 $1.442695020e+00, v9;
	(erf) = vpow2.f32 v18;
	v8 =	vpop (erf)  }
0x67: {  	v5 =	vmul.f32 $1.442695020e+00, v5;
	v13 =	vld [tilespmem:s10+$0x3400];
	v16 =	vpop (erf);
	(erf) = vpow2.f32 v4;
	v4 =	vadd.f32 v8, v11  }
0x68: {  	v6 =	vmul.f32 $1.442695020e+00, v6;
	v8 =	vld [tilespmem:s12+$0x800];
	v3 =	vadd.f32 v16, v3;
	(erf) = vpow2.f32 v17;
	v9 =	vpop (erf)  }
0x69: {  	v7 =	vmul.f32 $1.442695020e+00, v7;
	v11 =	vld [tilespmem:s10+$0x3800];
	v16 =	vpop (erf);
	(erf) = vpow2.f32 v5;
	v4 =	vadd.f32 v9, v4  }
0x6a: {  	v5 =	vld [tilespmem:s12+$0xC00];
	(erf) = vpow2.f32 v6;
	v3 =	vadd.f32 v16, v3;
	v6 =	vmul.f32 $1.442695020e+00, v10;
	v9 =	vpop (erf)  }
0x6b: {  	(erf) = vpow2.f32 v7;
	v7 =	vld [tilespmem:s10+$0x3C00];
	v10 =	vmul.f32 $1.442695020e+00, v12;
	v12 =	vpop (erf);
	v4 =	vadd.f32 v9, v4;
	s10 =	smov.u32 s12  }
0x6c: {  	v9 =	vld [tilespmem:s10+$0x1000];
	v3 =	vadd.f32 v12, v3;
	v12 =	vmul.f32 $1.442695020e+00, v13;
	(erf) = vpow2.f32 v6  }
0x6d: {  	v6 =	vld [tilespmem:s10+$0x1C00];
	v16 =	vmul.f32 $1.442695020e+00, v8;
	v13 =	vpop (erf);
	(erf) = vrcp.f32 v4  }
0x6e: {  	v4 =	vld [tilespmem:s10+$0x1400];
	v3 =	vadd.f32 v13, v3;
	v11 =	vmul.f32 $1.442695020e+00, v11;
	(erf) = vpow2.f32 v12  }
0x6f: {  	v17 =	vmul.f32 $1.442695020e+00, v5;
	(erf) = vpow2.f32 v16;
	v8 =	vpop (erf)  }
0x70: {  	v12 =	vld [tilespmem:s10+$0x1800];
	v3 =	vadd.f32 v8, v3;
	v7 =	vmul.f32 $1.442695020e+00, v7;
	v13 =	vpop (erf);
	(erf) = vpow2.f32 v11  }
0x71: {  	v8 =	vmul.f32 $1.442695020e+00, v9;
	(erf) = vpow2.f32 v17;
	v5 =	vpop (erf)  }
0x72: {  	v16 =	vld [tilespmem:s10+$0x4800];
	v17 =	vmul.f32 $1.442695020e+00, v6;
	v5 =	vadd.f32 v5, v3;
	v6 =	vpop (erf);
	(erf) = vpow2.f32 v7  }
0x73: {  	v7 =	vld [tilespmem:s10+$0x2000];
	v20 =	vmul.f32 $1.442695020e+00, v4;
	v11 =	vpop (erf);
	(erf) = vpow2.f32 v8;
	v4 =	vshll.u32 v14, $0xA  }
0x74: {  	v3 =	vld [tilespmem:s10+$0x4400];
	v14 =	vpop (erf);
	v8 =	vadd.s32 s18, v4;
	v5 =	vadd.f32 v6, v5;
	(erf) = vpow2.f32 v10;
	s18 =	smov.u32 s23  }
0x75: {  	v4 =	vld [tilespmem:s10+$0x3000];
	v19 =	vmul.f32 $1.442695020e+00, v12;
	(erf) = vpow2.f32 v20;
	v18 =	vor.u32 s16, v8;
	v12 =	vpop (erf);
	s16 =	smov.u32 s20  }
.Ltmp2:
0x76: {  	s1 =	sadd.s32 $0x10, s1;
	s12 =	sshll.u32 s3, $0x4;
	v8 =	vld [tilespmem:s10+$0x2400];
	v13 =	vadd.f32 v13, v5;
	v10 =	vor.u32 v0, v18;
	(erf) = vpow2.f32 v15;
	v9 =	vpop (erf);
	(pc) =	sbr.rel @p0 .LBB2_3-.Ltmp2, $4  }
0x77: {  	s23 =	sand.u32 $0xFFFFFF80, s12;
	s20 =	sand.u32 $0x70, s1;
	v18 =	vadd.f32 v14, v11;
	v5 =	vld [tilespmem:s10+$0x2C00];
	(erf) = vpow2.f32 v19;
	v6 =	vpop (erf);
	v12 =	vmul.f32 v9, v12  }
0x78: {  	s12 =	sor.u32 s20, s23;
	v9 =	vld [tilespmem:s10+$0x2800];
	v11 =	vmul.f32 $1.442695020e+00, v7;
	v7 =	vpop (erf);
	v15 =	vadd.f32 v6, v13;
	(erf) = vpow2.f32 v2  }
0x79: {  	v6 =	vld [tilespmem:s12+$0x0];
	v13 =	vadd.f32 v7, v18;
	(erf) = vpow2.f32 v17;
	v17 =	vpop (erf);
	v1 =	vadd.f32 v12, v1  }
0x7a: {  	s3 =	sadd.s32 $0x1, s3;
	v2 =	vmul.f32 $1.442695020e+00, v16;
	v7 =	vld [tilespmem:s12+$0x400];
	v14 =	vpop (erf);
	v12 =	vadd.f32 v17, v15  }
0x7b: {  	_ = 	snop  }
0x7c: {  	v8 =	vmul.f32 $1.442695020e+00, v8;
	_ =	sdelay $0x1  }
0x7d: {  	v13 =	vadd.f32 v14, v13;
	(erf) = vpow2.f32 v11;
	v11 =	vpop (erf);
	v4 =	vmul.f32 $1.442695020e+00, v4  }
0x7e: {  	v10 =	vld.idx.msk [tilespmem:v10+s4+$0x0], $0xffff;
	v14 =	vmul.f32 $1.442695020e+00, v3;
	v3 =	vpop (erf);
	v11 =	vadd.f32 v11, v12;
	v9 =	vmul.f32 $1.442695020e+00, v9  }
0x7f: {  	v12 =	vld [tilespmem:s10+$0x4000];
	v5 =	vmul.f32 $1.442695020e+00, v5;
	(erf) = vpow2.f32 v8;
	v8 =	vpop (erf)  }
0x80: {  	v3 =	vadd.f32 v3, v13;
	(erf) = vpow2.f32 v4;
	v4 =	vadd.f32 v8, v11;
	v8 =	vld [tilespmem:s12+$0x800]  }
0x81: {  	v13 =	vld [tilespmem:s10+$0x3400];
	v6 =	vmul.f32 $1.442695020e+00, v6;
	(erf) = vpow2.f32 v9;
	v15 =	vpop (erf)  }
0x82: {  	(erf) = vpow2.f32 v5;
	v5 =	vld [tilespmem:s12+$0xC00];
	v3 =	vadd.f32 v15, v3;
	v9 =	vpop (erf)  }
0x83: {  	v7 =	vmul.f32 $1.442695020e+00, v7;
	v11 =	vld [tilespmem:s10+$0x3800];
	(erf) = vpow2.f32 v6;
	v15 =	vpop (erf);
	v4 =	vadd.f32 v9, v4  }
0x84: {  	v6 =	vmul.f32 $1.442695020e+00, v10;
	v10 =	vmul.f32 $1.442695020e+00, v12;
	v3 =	vadd.f32 v15, v3;
	v9 =	vpop (erf)  }
0x85: {  	(erf) = vpow2.f32 v7;
	v7 =	vld [tilespmem:s10+$0x3C00];
	v12 =	vpop (erf);
	v4 =	vadd.f32 v9, v4;
	v8 =	vmul.f32 $1.442695020e+00, v8  }
0x86: {  	(erf) = vpow2.f32 v6;
	v9 =	vld [tilespmem:s12+$0x1000];
	v3 =	vadd.f32 v12, v3;
	v12 =	vmul.f32 $1.442695020e+00, v13  }
0x87: {  	v13 =	vpop (erf);
	v5 =	vmul.f32 $1.442695020e+00, v5;
	(erf) = vrcp.f32 v4;
	v4 =	vld [tilespmem:s12+$0x1400]  }
0x88: {  	v11 =	vmul.f32 $1.442695020e+00, v11;
	v3 =	vadd.f32 v13, v3;
	(erf) = vpow2.f32 v12;
	v12 =	vld [tilespmem:s10+$0x13000]  }
0x89: {  	v13 =	vld [tilespmem:s12+$0x1800];
	(erf) = vpow2.f32 v8;
	v8 =	vpop (erf)  }
0x8a: {  	v7 =	vmul.f32 $1.442695020e+00, v7;
	(erf) = vpow2.f32 v11;
	v3 =	vadd.f32 v8, v3;
	v8 =	vpop (erf)  }
0x8b: {  	v6 =	vld [tilespmem:s12+$0x1C00];
	v9 =	vmul.f32 $1.442695020e+00, v9;
	(erf) = vpow2.f32 v5;
	v5 =	vpop (erf)  }
0x8c: {  	(erf) = vpow2.f32 v7;
	v3 =	vadd.f32 v5, v3  }
0x8d: {  	v4 =	vmul.f32 $1.442695020e+00, v4;
	v5 =	vpop (erf);
	(erf) = vpow2.f32 v9;
	v11 =	vshll.u32 v12, $0xA  }
0x8e: {  	v9 =	vld [tilespmem:s12+$0x2000];
	v7 =	vpop (erf);
	(erf) = vpow2.f32 v10;
	v10 =	vadd.s32 s18, v11;
	v11 =	vmul.f32 $1.442695020e+00, v13  }
0x8f: {  	v12 =	vpop (erf)  }
0x90: {  	v6 =	vmul.f32 $1.442695020e+00, v6;
	v5 =	vadd.f32 v5, v3;
	(erf) = vpow2.f32 v4;
	v3 =	vpop (erf)  }
0x91: {  	v13 =	vld [tilespmem:s12+$0x2400];
	(erf) = vpow2.f32 v14;
	v4 =	vpop (erf)  }
0x92: {  	v7 =	vadd.f32 v12, v7;
	v5 =	vadd.f32 v8, v5;
	(erf) = vpow2.f32 v11;
	v11 =	vpop (erf)  }
0x93: {  	v10 =	vor.u32 s16, v10;
	v14 =	vpop (erf);
	(erf) = vpow2.f32 v2;
	v2 =	vmul.f32 $1.442695020e+00, v9  }
0x94: {  	v12 =	vld [tilespmem:s12+$0x2800];
	v5 =	vadd.f32 v11, v5;
	v7 =	vadd.f32 v14, v7;
	(erf) = vpow2.f32 v6;
	v6 =	vpop (erf)  }
0x95: {  	v10 =	vor.u32 v0, v10;
	v8 =	vld [tilespmem:s12+$0x3000];
	v11 =	vpop (erf)  }
0x96: {  	v9 =	vld [tilespmem:s12+$0x2C00];
	v5 =	vadd.f32 v6, v5;
	v6 =	vadd.f32 v11, v7;
	v7 =	vmul.f32 $1.442695020e+00, v13  }
0x97: {  	(erf) = vpow2.f32 v2;
	v2 =	vpop (erf)  }
0x98: {  	v11 =	vpop (erf)  }
0x99: {  	v2 =	vadd.f32 v2, v5;
	v5 =	vadd.f32 v11, v6;
	v6 =	vmul.f32 $1.442695020e+00, v12  }
0x9a: {  	v10 =	vld.idx.msk [tilespmem:v10+s4+$0x0], $0xffff;
	v8 =	vmul.f32 $1.442695020e+00, v8;
	(erf) = vpow2.f32 v7;
	v7 =	vpop (erf)  }
0x9b: {  	v2 =	vadd.f32 v7, v2;
	v7 =	vmul.f32 $1.442695020e+00, v9  }
0x9c: {  	v11 =	vld [tilespmem:s12+$0x3400];
	(erf) = vpow2.f32 v8;
	v12 =	vpop (erf)  }
0x9d: {  	v8 =	vld [tilespmem:s12+$0x3800];
	(erf) = vpow2.f32 v6;
	v5 =	vadd.f32 v12, v5;
	v6 =	vpop (erf)  }
0x9e: {  	v9 =	vpop (erf);
	v2 =	vadd.f32 v6, v2  }
0x9f: {  	(erf) = vpow2.f32 v7;
	v6 =	vmul.f32 $1.442695020e+00, v10;
	v5 =	vadd.f32 v9, v5;
	v7 =	vpop (erf)  }
0xa0: {  	v9 =	vld [tilespmem:s12+$0x3C00];
	v10 =	vpop (erf);
	v2 =	vadd.f32 v7, v2  }
0xa1: {  	v7 =	vmul.f32 $1.442695020e+00, v11;
	(erf) = vpow2.f32 v6;
	v6 =	vld [tilespmem:s12+$0x4000];
	v5 =	vadd.f32 v10, v5  }
0xa2: {  	v8 =	vmul.f32 $1.442695020e+00, v8;
	v10 =	vpop (erf);
	(erf) = vrcp.f32 v2;
	v2 =	vld [tilespmem:s12+$0x4400]  }
0xa3: {  	v5 =	vadd.f32 v10, v5;
	(erf) = vpow2.f32 v7  }
0xa4: {  	v7 =	vld [tilespmem:s12+$0x13000];
	v10 =	vpop (erf)  }
0xa5: {  	v11 =	vld [tilespmem:s12+$0x4800];
	v9 =	vmul.f32 $1.442695020e+00, v9;
	(erf) = vpow2.f32 v8;
	v5 =	vadd.f32 v10, v5;
	v10 =	vpop (erf)  }
0xa6: {  	v6 =	vmul.f32 $1.442695020e+00, v6;
	v8 =	vpop (erf)  }
0xa7: {  	(erf) = vpow2.f32 v9;
	v5 =	vadd.f32 v8, v5;
	v2 =	vmul.f32 $1.442695020e+00, v2  }
0xa8: {  	v8 =	vpop (erf)  }
0xa9: {  	(erf) = vpow2.f32 v6;
	v7 =	vshll.u32 v7, $0xA;
	v5 =	vadd.f32 v8, v5  }
0xaa: {  	v6 =	vmul.f32 $1.442695020e+00, v11;
	v7 =	vadd.s32 s23, v7;
	v8 =	vpop (erf)  }
0xab: {  	(erf) = vpow2.f32 v2;
	v7 =	vor.u32 s20, v7;
	v5 =	vadd.f32 v10, v5;
	v2 =	vpop (erf)  }
0xac: {  	v7 =	vor.u32 v0, v7;
	v9 =	vpop (erf)  }
0xad: {  	(erf) = vpow2.f32 v6;
	v5 =	vadd.f32 v9, v5  }
0xae: {  	v6 =	vpop (erf)  }
0xaf: {  	v5 =	vadd.f32 v6, v5  }
0xb0: {  	v6 =	vpop (erf)  }
0xb1: {  	v7 =	vld.idx.msk [tilespmem:v7+s4+$0x0], $0xffff;
	v5 =	vadd.f32 v6, v5  }
0xb2: {  	v6 =	vpop (erf)  }
0xb3: {  	v5 =	vadd.f32 v6, v5  }
0xb4: {  	v6 =	vpop (erf)  }
0xb5: {  	v5 =	vadd.f32 v6, v5  }
0xb6: {  	v6 =	vmul.f32 $1.442695020e+00, v7;
	v7 =	vpop (erf)  }
0xb7: {  	v5 =	vadd.f32 v7, v5  }
0xb8: {  	p0 =	seq.s32 s15, $0x7;
	(erf) = vpow2.f32 v6  }
0xb9: {  	s1 =	sshll.u32 @!p0 s15, $0xC;
	(erf) = vrcp.f32 v5  }
0xba: {  	s1 =	sadd.s32 @!p0 s1, s21  }
0xbb: {  	s3 =	sadd.s32 @!p0 s5, s1  }
0xbc: {  	s3 =	sshrl.u32 @!p0 s3, $0x3;
	s10 =	rddreg [dreg:$0x0]  }
0xbd: {  	s1 =	sadd.s32 @!p0 s6, s1;
	s3 =	sadd.s32 @!p0 s10, s3  }
0xbe: {  	s10 =	simm.s32 @!p0 $0x400;
	s16 =	simm.s32 @!p0 $0x0;
	s12 =	simm.s32 @!p0 $0x40000  }
0xbf: {  	[tilespmem:s16], [sflag:$0x1] =	stream.strided.gather @!p0 [hbm4b:s3+s10], $0x4C00, s12, s10, $0x38;
	[tilespmem:$0x14080] =	vst v63  }
0xc0: {  	s1 =	sshrl.u32 @!p0 s1, $0x3;
	s3 =	rddreg [dreg:$0x1]  }
0xc1: {  	s1 =	sadd.s32 @!p0 s3, s1;
	s3 =	simm.s32 @!p0 $0x13000;
	v5 =	vpop (erf)  }
0xc2: {  	[tilespmem:s3], [sflag:$0x1] =	stream.linear.gather @!p0 [hbm4b:s1+s16], $0x400, $0x38;
	v6 =	vpop (erf);
	[tilespmem:$0x14080] =	vst v63  }
0xc3: {  	_ =	swait.ge [sflag:s2], $0x4C00  }
0xc4: {  	[sflag:s2] =	ssyncset.done $0x0  }
0xc5: {  	[sflag:s2] =	ssyncadd.s32 $0xFFFFB400  }
0xc6: {  	s24 =	simm.s32 $0x0;
	s23 =	simm.s32 $0x0;
	_ =	swait.ge [sflag:s2], $0x400  }
0xc7: {  	s28 =	sand.u32 $0xFFFFFF80, s24;
	s3 =	sand.u32 $0x70, s23;
	[sflag:s2] =	ssyncset.done $0x0  }
0xc8: {  	s20 =	sor.u32 s3, s28;
	[sflag:s2] =	ssyncadd.s32 $0xFFFFFC00  }
0xc9: {  	v7 =	vld [tilespmem:s20+$0x4C00]  }
0xca: {  	v9 =	vld [tilespmem:s20+$0x5000];
	_ =	sdelay $0x1  }
0xcb: {  	v10 =	vld [tilespmem:s20+$0x5400];
	_ =	sdelay $0x1  }
0xcc: {  	v11 =	vld [tilespmem:s20+$0x5800];
	v7 =	vmul.f32 $1.442695020e+00, v7  }
0xcd: {  	v9 =	vmul.f32 $1.442695020e+00, v9  }
0xce: {  	(erf) = vpow2.f32 v7;
	v7 =	vld [tilespmem:s20+$0x5C00]  }
0xcf: {  	(erf) = vpow2.f32 v9;
	v9 =	vmul.f32 $1.442695020e+00, v10;
	v10 =	vld [tilespmem:s20+$0x6000];
	_ =	sdelay $0x1  }
0xd0: {  	v11 =	vmul.f32 $1.442695020e+00, v11;
	(erf) = vpow2.f32 v9;
	_ =	sdelay $0x1  }
0xd1: {  	v9 =	vld [tilespmem:s20+$0x6400];
	(erf) = vpow2.f32 v11;
	v7 =	vmul.f32 $1.442695020e+00, v7  }
0xd2: {  	v10 =	vmul.f32 $1.442695020e+00, v10  }
0xd3: {  	v11 =	vld [tilespmem:s20+$0x6800];
	(erf) = vpow2.f32 v7;
	_ =	sdelay $0x1  }
0xd4: {  	v7 =	vld [tilespmem:s20+$0x6C00];
	v12 =	vpop (erf)  }
0xd5: {  	v13 =	vld [tilespmem:s20+$0x7000];
	v9 =	vmul.f32 $1.442695020e+00, v9;
	(erf) = vpow2.f32 v10;
	v10 =	vpop (erf)  }
0xd6: {  	v14 =	vld [tilespmem:s20+$0x7C00];
	v10 =	vadd.f32 v10, v12  }
0xd7: {  	v11 =	vmul.f32 $1.442695020e+00, v11;
	(erf) = vpow2.f32 v9;
	v12 =	vpop (erf)  }
0xd8: {  	s24 =	simm.s32 $0x10;
	s23 =	simm.s32 $0x10;
	v9 =	vld [tilespmem:s20+$0x7400];
	v10 =	vadd.f32 v12, v10  }
0xd9: {  	s16 =	sand.u32 $0x70, s24;
	s18 =	sand.u32 $0xFFFFFF80, s23;
	v15 =	vld [tilespmem:s20+$0x9400];
	(erf) = vpow2.f32 v11;
	v7 =	vmul.f32 $1.442695020e+00, v7;
	v12 =	vpop (erf)  }
0xda: {  	s10 =	sor.u32 s16, s18;
	v11 =	vld [tilespmem:s20+$0x7800];
	v10 =	vadd.f32 v12, v10;
	v12 =	vmul.f32 $1.442695020e+00, v13  }
0xdb: {  	(erf) = vpow2.f32 v7;
	v7 =	vld [tilespmem:s10+$0x4C00];
	v13 =	vmul.f32 $1.442695020e+00, v14;
	v14 =	vpop (erf)  }
0xdc: {  	v3 =	vmul.f32 v4, v3;
	v10 =	vadd.f32 v14, v10;
	v14 =	vld [tilespmem:s10+$0x5000]  }
0xdd: {  	v4 =	vld [tilespmem:s20+$0x8000];
	v9 =	vmul.f32 $1.442695020e+00, v9;
	(erf) = vpow2.f32 v12  }
0xde: {  	v1 =	vadd.f32 v3, v1;
	v2 =	vmul.f32 v2, v8;
	(erf) = vpow2.f32 v13;
	v13 =	vld [tilespmem:s10+$0x5400];
	v12 =	vpop (erf)  }
0xdf: {  	v11 =	vmul.f32 $1.442695020e+00, v11;
	(erf) = vpow2.f32 v9;
	v9 =	vld [tilespmem:s10+$0x5800];
	v10 =	vadd.f32 v12, v10  }
0xe0: {  	v1 =	vadd.f32 v2, v1;
	v5 =	vmul.f32 v6, v5;
	v6 =	vld [tilespmem:s20+$0x8400];
	v7 =	vmul.f32 $1.442695020e+00, v7;
	v8 =	vpop (erf)  }
0xe1: {  	v2 =	vld [tilespmem:s10+$0x6400];
	(erf) = vpow2.f32 v11;
	v8 =	vadd.f32 v8, v10;
	v11 =	vmul.f32 $1.442695020e+00, v14  }
0xe2: {  	v4 =	vmul.f32 $1.442695020e+00, v4;
	(erf) = vpow2.f32 v7;
	v7 =	vld [tilespmem:s20+$0x8800];
	v14 =	vpop (erf)  }
0xe3: {  	v10 =	vld [tilespmem:s20+$0x8C00];
	v13 =	vmul.f32 $1.442695020e+00, v13;
	v8 =	vadd.f32 v14, v8;
	(erf) = vpow2.f32 v11  }
0xe4: {  	v11 =	vld [tilespmem:s10+$0x5C00];
	v14 =	vpop (erf);
	(erf) = vpow2.f32 v4;
	v4 =	vmul.f32 $1.442695020e+00, v9  }
0xe5: {  	v6 =	vmul.f32 $1.442695020e+00, v6;
	v12 =	vmul.f32 $1.442695020e+00, v15;
	v15 =	vld [tilespmem:s10+$0x6000];
	v8 =	vadd.f32 v14, v8  }
0xe6: {  	v3 =	vld [tilespmem:s20+$0x13400];
	(erf) = vpow2.f32 v13;
	v9 =	vpop (erf)  }
0xe7: {  	v16 =	vld [tilespmem:s20+$0x9000];
	v2 =	vmul.f32 $1.442695020e+00, v2;
	(erf) = vpow2.f32 v6;
	v8 =	vadd.f32 v9, v8;
	v9 =	vpop (erf)  }
0xe8: {  	v6 =	vmul.f32 $1.442695020e+00, v7;
	(erf) = vpow2.f32 v4;
	v4 =	vpop (erf)  }
0xe9: {  	v14 =	vld [tilespmem:s10+$0x6800];
	v7 =	vmul.f32 $1.442695020e+00, v10;
	v10 =	vmul.f32 $1.442695020e+00, v11;
	v4 =	vadd.f32 v4, v8  }
0xea: {  	v1 =	vadd.f32 v5, v1;
	v63 =	vld [tilespmem:s10+$0x9400];
	v5 =	vpop (erf);
	(erf) = vpow2.f32 v6;
	v8 =	vmul.f32 $1.442695020e+00, v15  }
0xeb: {  	v6 =	vld [tilespmem:s10+$0x6C00];
	(erf) = vpow2.f32 v10;
	v10 =	vshll.u32 v3, $0xA;
	v5 =	vadd.f32 v5, v4  }
0xec: {  	v13 =	vmul.f32 $1.442695020e+00, v16;
	v3 =	vld [tilespmem:s10+$0x9000];
	v11 =	vpop (erf);
	v10 =	vadd.s32 s28, v10;
	(erf) = vpow2.f32 v7  }
0xed: {  	v4 =	vld [tilespmem:s10+$0x7C00];
	(erf) = vpow2.f32 v8;
	v15 =	vadd.f32 v9, v5;
	v9 =	vor.u32 s3, v10  }
0xee: {  	s1 =	simm.s32 $0x20;
	v14 =	vmul.f32 $1.442695020e+00, v14;
	s28 =	simm.s32 $0x20;
	v7 =	vpop (erf);
	v8 =	vld [tilespmem:s10+$0x7000];
	(erf) = vpow2.f32 v13;
	v10 =	vor.u32 v0, v9  }
0xef: {  	s20 =	sand.u32 $0x70, s1;
	s23 =	sand.u32 $0xFFFFFF80, s28;
	v5 =	vld [tilespmem:s10+$0x7800];
	v7 =	vadd.f32 v7, v11;
	v11 =	vpop (erf);
	(erf) = vpow2.f32 v2  }
0xf0: {  	s12 =	sor.u32 s20, s23;
	v9 =	vld [tilespmem:s10+$0x7400];
	v2 =	vpop (erf);
	v15 =	vadd.f32 v11, v15;
	(erf) = vpow2.f32 v12  }
0xf1: {  	v11 =	vmul.f32 $1.442695020e+00, v6;
	v6 =	vld [tilespmem:s12+$0x4C00];
	v13 =	vadd.f32 v2, v7;
	v12 =	vpop (erf);
	(erf) = vpow2.f32 v14  }
0xf2: {  	s3 =	simm.s32 $0x3;
	v7 =	vld [tilespmem:s12+$0x5000];
	v2 =	vmul.f32 $1.442695020e+00, v63;
	v14 =	vpop (erf);
	v12 =	vadd.f32 v12, v15  }
.LBB2_5:
0xf3: {  	p1 =	sne.s32 s3, $0x3F;
	v13 =	vadd.f32 v14, v13;
	v18 =	vmul.f32 $1.442695020e+00, v8;
	(erf) = vpow2.f32 v11;
	v10 =	vld.idx.msk [tilespmem:v10+s29+$0x0], $0xffff;
	v11 =	vpop (erf)  }
0xf4: {  	v4 =	vmul.f32 $1.442695020e+00, v4;
	v15 =	vmul.f32 $1.442695020e+00, v3;
	v14 =	vld [tilespmem:s10+$0x13400];
	v3 =	vpop (erf);
	v11 =	vadd.f32 v11, v12  }
0xf5: {  	v12 =	vld [tilespmem:s10+$0x8C00];
	v3 =	vadd.f32 v3, v13;
	v17 =	vmul.f32 $1.442695020e+00, v9;
	(erf) = vpow2.f32 v18;
	v8 =	vpop (erf)  }
0xf6: {  	v5 =	vmul.f32 $1.442695020e+00, v5;
	v13 =	vld [tilespmem:s10+$0x8000];
	v16 =	vpop (erf);
	(erf) = vpow2.f32 v4;
	v4 =	vadd.f32 v8, v11  }
0xf7: {  	v6 =	vmul.f32 $1.442695020e+00, v6;
	v8 =	vld [tilespmem:s12+$0x5400];
	v3 =	vadd.f32 v16, v3;
	(erf) = vpow2.f32 v17;
	v9 =	vpop (erf)  }
0xf8: {  	v7 =	vmul.f32 $1.442695020e+00, v7;
	v11 =	vld [tilespmem:s10+$0x8400];
	v16 =	vpop (erf);
	(erf) = vpow2.f32 v5;
	v4 =	vadd.f32 v9, v4  }
0xf9: {  	v5 =	vld [tilespmem:s12+$0x5800];
	(erf) = vpow2.f32 v6;
	v3 =	vadd.f32 v16, v3;
	v6 =	vmul.f32 $1.442695020e+00, v10;
	v9 =	vpop (erf)  }
0xfa: {  	(erf) = vpow2.f32 v7;
	v7 =	vld [tilespmem:s10+$0x8800];
	v10 =	vmul.f32 $1.442695020e+00, v12;
	v12 =	vpop (erf);
	v4 =	vadd.f32 v9, v4;
	s10 =	smov.u32 s12  }
0xfb: {  	v9 =	vld [tilespmem:s10+$0x5C00];
	v3 =	vadd.f32 v12, v3;
	v12 =	vmul.f32 $1.442695020e+00, v13;
	(erf) = vpow2.f32 v6  }
0xfc: {  	v6 =	vld [tilespmem:s10+$0x6800];
	v16 =	vmul.f32 $1.442695020e+00, v8;
	v13 =	vpop (erf);
	(erf) = vrcp.f32 v4  }
0xfd: {  	v4 =	vld [tilespmem:s10+$0x6000];
	v3 =	vadd.f32 v13, v3;
	v11 =	vmul.f32 $1.442695020e+00, v11;
	(erf) = vpow2.f32 v12  }
0xfe: {  	v17 =	vmul.f32 $1.442695020e+00, v5;
	(erf) = vpow2.f32 v16;
	v8 =	vpop (erf)  }
0xff: {  	v12 =	vld [tilespmem:s10+$0x6400];
	v3 =	vadd.f32 v8, v3;
	v7 =	vmul.f32 $1.442695020e+00, v7;
	v13 =	vpop (erf);
	(erf) = vpow2.f32 v11  }
0x100: {  	v8 =	vmul.f32 $1.442695020e+00, v9;
	(erf) = vpow2.f32 v17;
	v5 =	vpop (erf)  }
0x101: {  	v16 =	vld [tilespmem:s10+$0x9400];
	v17 =	vmul.f32 $1.442695020e+00, v6;
	v5 =	vadd.f32 v5, v3;
	v6 =	vpop (erf);
	(erf) = vpow2.f32 v7  }
0x102: {  	v7 =	vld [tilespmem:s10+$0x6C00];
	v20 =	vmul.f32 $1.442695020e+00, v4;
	v11 =	vpop (erf);
	(erf) = vpow2.f32 v8;
	v4 =	vshll.u32 v14, $0xA  }
0x103: {  	v3 =	vld [tilespmem:s10+$0x9000];
	v14 =	vpop (erf);
	v8 =	vadd.s32 s18, v4;
	v5 =	vadd.f32 v6, v5;
	(erf) = vpow2.f32 v10;
	s18 =	smov.u32 s23  }
0x104: {  	v4 =	vld [tilespmem:s10+$0x7C00];
	v19 =	vmul.f32 $1.442695020e+00, v12;
	(erf) = vpow2.f32 v20;
	v18 =	vor.u32 s16, v8;
	v12 =	vpop (erf);
	s16 =	smov.u32 s20  }
.Ltmp3:
0x105: {  	s1 =	sadd.s32 $0x10, s1;
	s12 =	sshll.u32 s3, $0x4;
	v8 =	vld [tilespmem:s10+$0x7000];
	v13 =	vadd.f32 v13, v5;
	v10 =	vor.u32 v0, v18;
	(erf) = vpow2.f32 v15;
	v9 =	vpop (erf);
	(pc) =	sbr.rel @p1 .LBB2_5-.Ltmp3, $4  }
0x106: {  	s23 =	sand.u32 $0xFFFFFF80, s12;
	s20 =	sand.u32 $0x70, s1;
	v18 =	vadd.f32 v14, v11;
	v5 =	vld [tilespmem:s10+$0x7800];
	(erf) = vpow2.f32 v19;
	v6 =	vpop (erf);
	v12 =	vmul.f32 v9, v12  }
0x107: {  	s12 =	sor.u32 s20, s23;
	v9 =	vld [tilespmem:s10+$0x7400];
	v11 =	vmul.f32 $1.442695020e+00, v7;
	v7 =	vpop (erf);
	v15 =	vadd.f32 v6, v13;
	(erf) = vpow2.f32 v2  }
0x108: {  	v6 =	vld [tilespmem:s12+$0x4C00];
	v13 =	vadd.f32 v7, v18;
	(erf) = vpow2.f32 v17;
	v17 =	vpop (erf);
	v1 =	vadd.f32 v12, v1  }
0x109: {  	s3 =	sadd.s32 $0x1, s3;
	v2 =	vmul.f32 $1.442695020e+00, v16;
	v7 =	vld [tilespmem:s12+$0x5000];
	v14 =	vpop (erf);
	v12 =	vadd.f32 v17, v15  }
0x10a: {  	_ = 	snop  }
0x10b: {  	v8 =	vmul.f32 $1.442695020e+00, v8;
	_ =	sdelay $0x1  }
0x10c: {  	v13 =	vadd.f32 v14, v13;
	(erf) = vpow2.f32 v11;
	v11 =	vpop (erf);
	v4 =	vmul.f32 $1.442695020e+00, v4  }
0x10d: {  	v10 =	vld.idx.msk [tilespmem:v10+s29+$0x0], $0xffff;
	v14 =	vmul.f32 $1.442695020e+00, v3;
	v3 =	vpop (erf);
	v11 =	vadd.f32 v11, v12;
	v9 =	vmul.f32 $1.442695020e+00, v9  }
0x10e: {  	v12 =	vld [tilespmem:s10+$0x8C00];
	v5 =	vmul.f32 $1.442695020e+00, v5;
	(erf) = vpow2.f32 v8;
	v8 =	vpop (erf)  }
0x10f: {  	v3 =	vadd.f32 v3, v13;
	(erf) = vpow2.f32 v4;
	v4 =	vadd.f32 v8, v11;
	v8 =	vld [tilespmem:s12+$0x5400]  }
0x110: {  	v13 =	vld [tilespmem:s10+$0x8000];
	v6 =	vmul.f32 $1.442695020e+00, v6;
	(erf) = vpow2.f32 v9;
	v15 =	vpop (erf)  }
0x111: {  	(erf) = vpow2.f32 v5;
	v5 =	vld [tilespmem:s12+$0x5800];
	v3 =	vadd.f32 v15, v3;
	v9 =	vpop (erf)  }
0x112: {  	v7 =	vmul.f32 $1.442695020e+00, v7;
	v11 =	vld [tilespmem:s10+$0x8400];
	(erf) = vpow2.f32 v6;
	v15 =	vpop (erf);
	v4 =	vadd.f32 v9, v4  }
0x113: {  	v6 =	vmul.f32 $1.442695020e+00, v10;
	v10 =	vmul.f32 $1.442695020e+00, v12;
	v3 =	vadd.f32 v15, v3;
	v9 =	vpop (erf)  }
0x114: {  	(erf) = vpow2.f32 v7;
	v7 =	vld [tilespmem:s10+$0x8800];
	v12 =	vpop (erf);
	v4 =	vadd.f32 v9, v4;
	v8 =	vmul.f32 $1.442695020e+00, v8  }
0x115: {  	(erf) = vpow2.f32 v6;
	v9 =	vld [tilespmem:s12+$0x5C00];
	v3 =	vadd.f32 v12, v3;
	v12 =	vmul.f32 $1.442695020e+00, v13  }
0x116: {  	v13 =	vpop (erf);
	v5 =	vmul.f32 $1.442695020e+00, v5;
	(erf) = vrcp.f32 v4;
	v4 =	vld [tilespmem:s12+$0x6000]  }
0x117: {  	v11 =	vmul.f32 $1.442695020e+00, v11;
	v3 =	vadd.f32 v13, v3;
	(erf) = vpow2.f32 v12;
	v12 =	vld [tilespmem:s10+$0x13400]  }
0x118: {  	v13 =	vld [tilespmem:s12+$0x6400];
	(erf) = vpow2.f32 v8;
	v8 =	vpop (erf)  }
0x119: {  	v7 =	vmul.f32 $1.442695020e+00, v7;
	(erf) = vpow2.f32 v11;
	v3 =	vadd.f32 v8, v3;
	v8 =	vpop (erf)  }
0x11a: {  	v6 =	vld [tilespmem:s12+$0x6800];
	v9 =	vmul.f32 $1.442695020e+00, v9;
	(erf) = vpow2.f32 v5;
	v5 =	vpop (erf)  }
0x11b: {  	(erf) = vpow2.f32 v7;
	v3 =	vadd.f32 v5, v3  }
0x11c: {  	v4 =	vmul.f32 $1.442695020e+00, v4;
	v5 =	vpop (erf);
	(erf) = vpow2.f32 v9;
	v11 =	vshll.u32 v12, $0xA  }
0x11d: {  	v9 =	vld [tilespmem:s12+$0x6C00];
	v7 =	vpop (erf);
	(erf) = vpow2.f32 v10;
	v10 =	vadd.s32 s18, v11;
	v11 =	vmul.f32 $1.442695020e+00, v13  }
0x11e: {  	v12 =	vpop (erf)  }
0x11f: {  	v6 =	vmul.f32 $1.442695020e+00, v6;
	v5 =	vadd.f32 v5, v3;
	(erf) = vpow2.f32 v4;
	v3 =	vpop (erf)  }
0x120: {  	v13 =	vld [tilespmem:s12+$0x7000];
	(erf) = vpow2.f32 v14;
	v4 =	vpop (erf)  }
0x121: {  	v7 =	vadd.f32 v12, v7;
	v5 =	vadd.f32 v8, v5;
	(erf) = vpow2.f32 v11;
	v11 =	vpop (erf)  }
0x122: {  	v10 =	vor.u32 s16, v10;
	v14 =	vpop (erf);
	(erf) = vpow2.f32 v2;
	v2 =	vmul.f32 $1.442695020e+00, v9  }
0x123: {  	v12 =	vld [tilespmem:s12+$0x7400];
	v5 =	vadd.f32 v11, v5;
	v7 =	vadd.f32 v14, v7;
	(erf) = vpow2.f32 v6;
	v6 =	vpop (erf)  }
0x124: {  	v10 =	vor.u32 v0, v10;
	v8 =	vld [tilespmem:s12+$0x7C00];
	v11 =	vpop (erf)  }
0x125: {  	v9 =	vld [tilespmem:s12+$0x7800];
	v5 =	vadd.f32 v6, v5;
	v6 =	vadd.f32 v11, v7;
	v7 =	vmul.f32 $1.442695020e+00, v13  }
0x126: {  	(erf) = vpow2.f32 v2;
	v2 =	vpop (erf)  }
0x127: {  	v11 =	vpop (erf)  }
0x128: {  	v2 =	vadd.f32 v2, v5;
	v5 =	vadd.f32 v11, v6;
	v6 =	vmul.f32 $1.442695020e+00, v12  }
0x129: {  	v10 =	vld.idx.msk [tilespmem:v10+s29+$0x0], $0xffff;
	v8 =	vmul.f32 $1.442695020e+00, v8;
	(erf) = vpow2.f32 v7;
	v7 =	vpop (erf)  }
0x12a: {  	v2 =	vadd.f32 v7, v2;
	v7 =	vmul.f32 $1.442695020e+00, v9  }
0x12b: {  	v11 =	vld [tilespmem:s12+$0x8000];
	(erf) = vpow2.f32 v8;
	v12 =	vpop (erf)  }
0x12c: {  	v8 =	vld [tilespmem:s12+$0x8400];
	(erf) = vpow2.f32 v6;
	v5 =	vadd.f32 v12, v5;
	v6 =	vpop (erf)  }
0x12d: {  	v9 =	vpop (erf);
	v2 =	vadd.f32 v6, v2  }
0x12e: {  	(erf) = vpow2.f32 v7;
	v6 =	vmul.f32 $1.442695020e+00, v10;
	v5 =	vadd.f32 v9, v5;
	v7 =	vpop (erf)  }
0x12f: {  	v9 =	vld [tilespmem:s12+$0x8800];
	v10 =	vpop (erf);
	v2 =	vadd.f32 v7, v2  }
0x130: {  	v7 =	vmul.f32 $1.442695020e+00, v11;
	(erf) = vpow2.f32 v6;
	v6 =	vld [tilespmem:s12+$0x8C00];
	v5 =	vadd.f32 v10, v5  }
0x131: {  	v8 =	vmul.f32 $1.442695020e+00, v8;
	v10 =	vpop (erf);
	(erf) = vrcp.f32 v2;
	v2 =	vld [tilespmem:s12+$0x9000]  }
0x132: {  	v5 =	vadd.f32 v10, v5;
	(erf) = vpow2.f32 v7  }
0x133: {  	v7 =	vld [tilespmem:s12+$0x13400];
	v10 =	vpop (erf)  }
0x134: {  	v11 =	vld [tilespmem:s12+$0x9400];
	v9 =	vmul.f32 $1.442695020e+00, v9;
	(erf) = vpow2.f32 v8;
	v5 =	vadd.f32 v10, v5;
	v10 =	vpop (erf)  }
0x135: {  	v6 =	vmul.f32 $1.442695020e+00, v6;
	v8 =	vpop (erf)  }
0x136: {  	(erf) = vpow2.f32 v9;
	v5 =	vadd.f32 v8, v5;
	v2 =	vmul.f32 $1.442695020e+00, v2  }
0x137: {  	v8 =	vpop (erf)  }
0x138: {  	(erf) = vpow2.f32 v6;
	v7 =	vshll.u32 v7, $0xA;
	v5 =	vadd.f32 v8, v5  }
0x139: {  	v6 =	vmul.f32 $1.442695020e+00, v11;
	v7 =	vadd.s32 s23, v7;
	v8 =	vpop (erf)  }
0x13a: {  	(erf) = vpow2.f32 v2;
	v7 =	vor.u32 s20, v7;
	v5 =	vadd.f32 v10, v5;
	v2 =	vpop (erf)  }
0x13b: {  	v7 =	vor.u32 v0, v7;
	v9 =	vpop (erf)  }
0x13c: {  	(erf) = vpow2.f32 v6;
	v5 =	vadd.f32 v9, v5  }
0x13d: {  	v6 =	vpop (erf)  }
0x13e: {  	v5 =	vadd.f32 v6, v5  }
0x13f: {  	v6 =	vpop (erf)  }
0x140: {  	v7 =	vld.idx.msk [tilespmem:v7+s29+$0x0], $0xffff;
	v5 =	vadd.f32 v6, v5  }
0x141: {  	v6 =	vpop (erf)  }
0x142: {  	v5 =	vadd.f32 v6, v5  }
0x143: {  	v6 =	vpop (erf)  }
0x144: {  	v5 =	vadd.f32 v6, v5  }
0x145: {  	v6 =	vmul.f32 $1.442695020e+00, v7;
	v7 =	vpop (erf)  }
0x146: {  	v5 =	vadd.f32 v7, v5  }
0x147: {  	(erf) = vpow2.f32 v6  }
0x148: {  	(erf) = vrcp.f32 v5  }
0x149: {  	s1 =	sadd.s32 @!p0 s15, s22  }
0x14a: {  	s1 =	sshll.u32 @!p0 s1, $0xC  }
0x14b: {  	s3 =	sadd.s32 @!p0 s5, s1  }
0x14c: {  	s1 =	sadd.s32 @!p0 s6, s1;
	s10 =	simm.s32 @!p0 $0x400;
	s16 =	sshrl.u32 @!p0 s3, $0x3  }
0x14d: {  	s18 =	simm.s32 @!p0 $0x4C00;
	s3 =	sadd.s32 @!p0 s16, s8;
	s12 =	simm.s32 @!p0 $0x40000  }
0x14e: {  	[tilespmem:s18], [sflag:$0x2] =	stream.strided.gather @!p0 [hbm4b:s3+s10], $0x4C00, s12, s10, $0x38;
	[tilespmem:$0x14080] =	vst v63  }
0x14f: {  	s18 =	sshrl.u32 @!p0 s1, $0x3  }
0x150: {  	s3 =	simm.s32 @!p0 $0x0;
	s10 =	simm.s32 @!p0 $0x13400;
	s1 =	sadd.s32 @!p0 s18, s11;
	v5 =	vpop (erf)  }
0x151: {  	[tilespmem:s10], [sflag:$0x2] =	stream.linear.gather @!p0 [hbm4b:s1+s3], $0x400, $0x38;
	v6 =	vpop (erf);
	[tilespmem:$0x14080] =	vst v63  }
0x152: {  	_ =	swait.ge [sflag:s7], $0x4C00  }
0x153: {  	[sflag:s7] =	ssyncset.done $0x0  }
0x154: {  	[sflag:s7] =	ssyncadd.s32 $0xFFFFB400  }
0x155: {  	s20 =	simm.s32 $0x0;
	s12 =	simm.s32 $0x0;
	_ =	swait.ge [sflag:s7], $0x400  }
0x156: {  	s1 =	sand.u32 $0x70, s12;
	s3 =	sand.u32 $0xFFFFFF80, s20;
	[sflag:s7] =	ssyncset.done $0x0  }
0x157: {  	s10 =	sor.u32 s1, s3;
	[sflag:s7] =	ssyncadd.s32 $0xFFFFFC00  }
0x158: {  	v7 =	vld [tilespmem:s10+$0x9800]  }
0x159: {  	v9 =	vld [tilespmem:s10+$0x9C00];
	_ =	sdelay $0x1  }
0x15a: {  	v10 =	vld [tilespmem:s10+$0xA000];
	_ =	sdelay $0x1  }
0x15b: {  	v11 =	vld [tilespmem:s10+$0xA400];
	v7 =	vmul.f32 $1.442695020e+00, v7  }
0x15c: {  	v9 =	vmul.f32 $1.442695020e+00, v9  }
0x15d: {  	(erf) = vpow2.f32 v7;
	v7 =	vld [tilespmem:s10+$0xA800]  }
0x15e: {  	(erf) = vpow2.f32 v9;
	v9 =	vmul.f32 $1.442695020e+00, v10;
	v10 =	vld [tilespmem:s10+$0xAC00];
	_ =	sdelay $0x1  }
0x15f: {  	v11 =	vmul.f32 $1.442695020e+00, v11;
	(erf) = vpow2.f32 v9;
	_ =	sdelay $0x1  }
0x160: {  	v9 =	vld [tilespmem:s10+$0xB000];
	(erf) = vpow2.f32 v11;
	v7 =	vmul.f32 $1.442695020e+00, v7  }
0x161: {  	v10 =	vmul.f32 $1.442695020e+00, v10  }
0x162: {  	v11 =	vld [tilespmem:s10+$0xB400];
	(erf) = vpow2.f32 v7;
	_ =	sdelay $0x1  }
0x163: {  	v7 =	vld [tilespmem:s10+$0xB800];
	v12 =	vpop (erf)  }
0x164: {  	v13 =	vld [tilespmem:s10+$0xBC00];
	v9 =	vmul.f32 $1.442695020e+00, v9;
	(erf) = vpow2.f32 v10;
	v10 =	vpop (erf)  }
0x165: {  	v14 =	vld [tilespmem:s10+$0xC800];
	v10 =	vadd.f32 v10, v12  }
0x166: {  	v11 =	vmul.f32 $1.442695020e+00, v11;
	(erf) = vpow2.f32 v9;
	v12 =	vpop (erf)  }
0x167: {  	s24 =	simm.s32 $0x10;
	s23 =	simm.s32 $0x10;
	v9 =	vld [tilespmem:s10+$0xC000];
	v10 =	vadd.f32 v12, v10  }
0x168: {  	s23 =	sand.u32 $0xFFFFFF80, s23;
	s20 =	sand.u32 $0x70, s24;
	v15 =	vld [tilespmem:s10+$0xE000];
	(erf) = vpow2.f32 v11;
	v7 =	vmul.f32 $1.442695020e+00, v7;
	v12 =	vpop (erf)  }
0x169: {  	s12 =	sor.u32 s20, s23;
	v11 =	vld [tilespmem:s10+$0xC400];
	v10 =	vadd.f32 v12, v10;
	v12 =	vmul.f32 $1.442695020e+00, v13  }
0x16a: {  	(erf) = vpow2.f32 v7;
	v7 =	vld [tilespmem:s12+$0x9800];
	v13 =	vmul.f32 $1.442695020e+00, v14;
	v14 =	vpop (erf)  }
0x16b: {  	v3 =	vmul.f32 v4, v3;
	v10 =	vadd.f32 v14, v10;
	v14 =	vld [tilespmem:s12+$0x9C00]  }
0x16c: {  	v4 =	vld [tilespmem:s10+$0xCC00];
	v9 =	vmul.f32 $1.442695020e+00, v9;
	(erf) = vpow2.f32 v12  }
0x16d: {  	v1 =	vadd.f32 v3, v1;
	v2 =	vmul.f32 v2, v8;
	(erf) = vpow2.f32 v13;
	v13 =	vld [tilespmem:s12+$0xA000];
	v12 =	vpop (erf)  }
0x16e: {  	v11 =	vmul.f32 $1.442695020e+00, v11;
	(erf) = vpow2.f32 v9;
	v9 =	vld [tilespmem:s12+$0xA400];
	v10 =	vadd.f32 v12, v10  }
0x16f: {  	v1 =	vadd.f32 v2, v1;
	v5 =	vmul.f32 v6, v5;
	v6 =	vld [tilespmem:s10+$0xD000];
	v7 =	vmul.f32 $1.442695020e+00, v7;
	v8 =	vpop (erf)  }
0x170: {  	v2 =	vld [tilespmem:s12+$0xB000];
	(erf) = vpow2.f32 v11;
	v8 =	vadd.f32 v8, v10;
	v11 =	vmul.f32 $1.442695020e+00, v14  }
0x171: {  	v4 =	vmul.f32 $1.442695020e+00, v4;
	(erf) = vpow2.f32 v7;
	v7 =	vld [tilespmem:s10+$0xD400];
	v14 =	vpop (erf)  }
0x172: {  	v10 =	vld [tilespmem:s10+$0xD800];
	v13 =	vmul.f32 $1.442695020e+00, v13;
	v8 =	vadd.f32 v14, v8;
	(erf) = vpow2.f32 v11  }
0x173: {  	v11 =	vld [tilespmem:s12+$0xA800];
	v14 =	vpop (erf);
	(erf) = vpow2.f32 v4;
	v4 =	vmul.f32 $1.442695020e+00, v9  }
0x174: {  	v6 =	vmul.f32 $1.442695020e+00, v6;
	v12 =	vmul.f32 $1.442695020e+00, v15;
	v15 =	vld [tilespmem:s12+$0xAC00];
	v8 =	vadd.f32 v14, v8  }
0x175: {  	v3 =	vld [tilespmem:s10+$0x13800];
	(erf) = vpow2.f32 v13;
	v9 =	vpop (erf)  }
0x176: {  	v16 =	vld [tilespmem:s10+$0xDC00];
	v2 =	vmul.f32 $1.442695020e+00, v2;
	(erf) = vpow2.f32 v6;
	v8 =	vadd.f32 v9, v8;
	v9 =	vpop (erf)  }
0x177: {  	v6 =	vmul.f32 $1.442695020e+00, v7;
	(erf) = vpow2.f32 v4;
	v4 =	vpop (erf)  }
0x178: {  	v14 =	vld [tilespmem:s12+$0xB400];
	v7 =	vmul.f32 $1.442695020e+00, v10;
	v10 =	vmul.f32 $1.442695020e+00, v11;
	v4 =	vadd.f32 v4, v8  }
0x179: {  	v1 =	vadd.f32 v5, v1;
	v63 =	vld [tilespmem:s12+$0xE000];
	v5 =	vpop (erf);
	(erf) = vpow2.f32 v6;
	v8 =	vmul.f32 $1.442695020e+00, v15  }
0x17a: {  	v6 =	vld [tilespmem:s12+$0xB800];
	(erf) = vpow2.f32 v10;
	v10 =	vshll.u32 v3, $0xA;
	v5 =	vadd.f32 v5, v4  }
0x17b: {  	v13 =	vmul.f32 $1.442695020e+00, v16;
	v3 =	vld [tilespmem:s12+$0xDC00];
	v11 =	vpop (erf);
	v10 =	vadd.s32 s3, v10;
	(erf) = vpow2.f32 v7  }
0x17c: {  	v4 =	vld [tilespmem:s12+$0xC800];
	(erf) = vpow2.f32 v8;
	v15 =	vadd.f32 v9, v5;
	v9 =	vor.u32 s1, v10  }
0x17d: {  	s10 =	simm.s32 $0x20;
	v14 =	vmul.f32 $1.442695020e+00, v14;
	s3 =	simm.s32 $0x20;
	v7 =	vpop (erf);
	v8 =	vld [tilespmem:s12+$0xBC00];
	(erf) = vpow2.f32 v13;
	v10 =	vor.u32 v0, v9  }
0x17e: {  	s10 =	sand.u32 $0xFFFFFF80, s10;
	s24 =	sand.u32 $0x70, s3;
	v5 =	vld [tilespmem:s12+$0xC400];
	v7 =	vadd.f32 v7, v11;
	v11 =	vpop (erf);
	(erf) = vpow2.f32 v2  }
0x17f: {  	s1 =	sor.u32 s24, s10;
	v9 =	vld [tilespmem:s12+$0xC000];
	v2 =	vpop (erf);
	v15 =	vadd.f32 v11, v15;
	(erf) = vpow2.f32 v12  }
0x180: {  	v11 =	vmul.f32 $1.442695020e+00, v6;
	v6 =	vld [tilespmem:s1+$0x9800];
	v13 =	vadd.f32 v2, v7;
	v12 =	vpop (erf);
	(erf) = vpow2.f32 v14  }
0x181: {  	s28 =	simm.s32 $0x3;
	v7 =	vld [tilespmem:s1+$0x9C00];
	v2 =	vmul.f32 $1.442695020e+00, v63;
	v14 =	vpop (erf);
	v12 =	vadd.f32 v12, v15  }
.LBB2_7:
0x182: {  	p1 =	sne.s32 s28, $0x3F;
	v13 =	vadd.f32 v14, v13;
	v18 =	vmul.f32 $1.442695020e+00, v8;
	(erf) = vpow2.f32 v11;
	v10 =	vld.idx.msk [tilespmem:v10+s31+$0x0], $0xffff;
	v11 =	vpop (erf)  }
0x183: {  	v4 =	vmul.f32 $1.442695020e+00, v4;
	v15 =	vmul.f32 $1.442695020e+00, v3;
	v14 =	vld [tilespmem:s12+$0x13800];
	v3 =	vpop (erf);
	v11 =	vadd.f32 v11, v12  }
0x184: {  	v12 =	vld [tilespmem:s12+$0xD800];
	v3 =	vadd.f32 v3, v13;
	v17 =	vmul.f32 $1.442695020e+00, v9;
	(erf) = vpow2.f32 v18;
	v8 =	vpop (erf)  }
0x185: {  	v5 =	vmul.f32 $1.442695020e+00, v5;
	v13 =	vld [tilespmem:s12+$0xCC00];
	v16 =	vpop (erf);
	(erf) = vpow2.f32 v4;
	v4 =	vadd.f32 v8, v11  }
0x186: {  	v6 =	vmul.f32 $1.442695020e+00, v6;
	v8 =	vld [tilespmem:s1+$0xA000];
	v3 =	vadd.f32 v16, v3;
	(erf) = vpow2.f32 v17;
	v9 =	vpop (erf)  }
0x187: {  	v7 =	vmul.f32 $1.442695020e+00, v7;
	v11 =	vld [tilespmem:s12+$0xD000];
	v16 =	vpop (erf);
	(erf) = vpow2.f32 v5;
	v4 =	vadd.f32 v9, v4  }
0x188: {  	v5 =	vld [tilespmem:s1+$0xA400];
	(erf) = vpow2.f32 v6;
	v3 =	vadd.f32 v16, v3;
	v6 =	vmul.f32 $1.442695020e+00, v10;
	v9 =	vpop (erf)  }
0x189: {  	(erf) = vpow2.f32 v7;
	v7 =	vld [tilespmem:s12+$0xD400];
	v10 =	vmul.f32 $1.442695020e+00, v12;
	v12 =	vpop (erf);
	v4 =	vadd.f32 v9, v4;
	s12 =	smov.u32 s1  }
0x18a: {  	v9 =	vld [tilespmem:s12+$0xA800];
	v3 =	vadd.f32 v12, v3;
	v12 =	vmul.f32 $1.442695020e+00, v13;
	(erf) = vpow2.f32 v6  }
0x18b: {  	v6 =	vld [tilespmem:s12+$0xB400];
	v16 =	vmul.f32 $1.442695020e+00, v8;
	v13 =	vpop (erf);
	(erf) = vrcp.f32 v4  }
0x18c: {  	v4 =	vld [tilespmem:s12+$0xAC00];
	v3 =	vadd.f32 v13, v3;
	v11 =	vmul.f32 $1.442695020e+00, v11;
	(erf) = vpow2.f32 v12  }
0x18d: {  	v17 =	vmul.f32 $1.442695020e+00, v5;
	(erf) = vpow2.f32 v16;
	v8 =	vpop (erf)  }
0x18e: {  	v12 =	vld [tilespmem:s12+$0xB000];
	v3 =	vadd.f32 v8, v3;
	v7 =	vmul.f32 $1.442695020e+00, v7;
	v13 =	vpop (erf);
	(erf) = vpow2.f32 v11  }
0x18f: {  	v8 =	vmul.f32 $1.442695020e+00, v9;
	(erf) = vpow2.f32 v17;
	v5 =	vpop (erf)  }
0x190: {  	v16 =	vld [tilespmem:s12+$0xE000];
	v17 =	vmul.f32 $1.442695020e+00, v6;
	v5 =	vadd.f32 v5, v3;
	v6 =	vpop (erf);
	(erf) = vpow2.f32 v7  }
0x191: {  	v7 =	vld [tilespmem:s12+$0xB800];
	v20 =	vmul.f32 $1.442695020e+00, v4;
	v11 =	vpop (erf);
	(erf) = vpow2.f32 v8;
	v4 =	vshll.u32 v14, $0xA  }
0x192: {  	v3 =	vld [tilespmem:s12+$0xDC00];
	v14 =	vpop (erf);
	v8 =	vadd.s32 s23, v4;
	v5 =	vadd.f32 v6, v5;
	(erf) = vpow2.f32 v10;
	s23 =	smov.u32 s10  }
0x193: {  	v4 =	vld [tilespmem:s12+$0xC800];
	v19 =	vmul.f32 $1.442695020e+00, v12;
	(erf) = vpow2.f32 v20;
	v18 =	vor.u32 s20, v8;
	v12 =	vpop (erf);
	s20 =	smov.u32 s24  }
.Ltmp4:
0x194: {  	s3 =	sadd.s32 $0x10, s3;
	s1 =	sshll.u32 s28, $0x4;
	v8 =	vld [tilespmem:s12+$0xBC00];
	v13 =	vadd.f32 v13, v5;
	v10 =	vor.u32 v0, v18;
	(erf) = vpow2.f32 v15;
	v9 =	vpop (erf);
	(pc) =	sbr.rel @p1 .LBB2_7-.Ltmp4, $4  }
0x195: {  	s10 =	sand.u32 $0xFFFFFF80, s1;
	s24 =	sand.u32 $0x70, s3;
	v18 =	vadd.f32 v14, v11;
	v5 =	vld [tilespmem:s12+$0xC400];
	(erf) = vpow2.f32 v19;
	v6 =	vpop (erf);
	v12 =	vmul.f32 v9, v12  }
0x196: {  	s1 =	sor.u32 s24, s10;
	v9 =	vld [tilespmem:s12+$0xC000];
	v11 =	vmul.f32 $1.442695020e+00, v7;
	v7 =	vpop (erf);
	v15 =	vadd.f32 v6, v13;
	(erf) = vpow2.f32 v2  }
0x197: {  	v6 =	vld [tilespmem:s1+$0x9800];
	v13 =	vadd.f32 v7, v18;
	(erf) = vpow2.f32 v17;
	v17 =	vpop (erf);
	v1 =	vadd.f32 v12, v1  }
0x198: {  	s28 =	sadd.s32 $0x1, s28;
	v2 =	vmul.f32 $1.442695020e+00, v16;
	v7 =	vld [tilespmem:s1+$0x9C00];
	v14 =	vpop (erf);
	v12 =	vadd.f32 v17, v15  }
0x199: {  	_ = 	snop  }
0x19a: {  	v8 =	vmul.f32 $1.442695020e+00, v8;
	_ =	sdelay $0x1  }
0x19b: {  	v13 =	vadd.f32 v14, v13;
	(erf) = vpow2.f32 v11;
	v11 =	vpop (erf);
	v4 =	vmul.f32 $1.442695020e+00, v4  }
0x19c: {  	v10 =	vld.idx.msk [tilespmem:v10+s31+$0x0], $0xffff;
	v14 =	vmul.f32 $1.442695020e+00, v3;
	v3 =	vpop (erf);
	v11 =	vadd.f32 v11, v12;
	v9 =	vmul.f32 $1.442695020e+00, v9  }
0x19d: {  	v12 =	vld [tilespmem:s12+$0xD800];
	v5 =	vmul.f32 $1.442695020e+00, v5;
	(erf) = vpow2.f32 v8;
	v8 =	vpop (erf)  }
0x19e: {  	v3 =	vadd.f32 v3, v13;
	(erf) = vpow2.f32 v4;
	v4 =	vadd.f32 v8, v11;
	v8 =	vld [tilespmem:s1+$0xA000]  }
0x19f: {  	v13 =	vld [tilespmem:s12+$0xCC00];
	v6 =	vmul.f32 $1.442695020e+00, v6;
	(erf) = vpow2.f32 v9;
	v15 =	vpop (erf)  }
0x1a0: {  	(erf) = vpow2.f32 v5;
	v5 =	vld [tilespmem:s1+$0xA400];
	v3 =	vadd.f32 v15, v3;
	v9 =	vpop (erf)  }
0x1a1: {  	v7 =	vmul.f32 $1.442695020e+00, v7;
	v11 =	vld [tilespmem:s12+$0xD000];
	(erf) = vpow2.f32 v6;
	v15 =	vpop (erf);
	v4 =	vadd.f32 v9, v4  }
0x1a2: {  	v6 =	vmul.f32 $1.442695020e+00, v10;
	v10 =	vmul.f32 $1.442695020e+00, v12;
	v3 =	vadd.f32 v15, v3;
	v9 =	vpop (erf)  }
0x1a3: {  	(erf) = vpow2.f32 v7;
	v7 =	vld [tilespmem:s12+$0xD400];
	v12 =	vpop (erf);
	v4 =	vadd.f32 v9, v4;
	v8 =	vmul.f32 $1.442695020e+00, v8  }
0x1a4: {  	(erf) = vpow2.f32 v6;
	v9 =	vld [tilespmem:s1+$0xA800];
	v3 =	vadd.f32 v12, v3;
	v12 =	vmul.f32 $1.442695020e+00, v13  }
0x1a5: {  	v13 =	vpop (erf);
	v5 =	vmul.f32 $1.442695020e+00, v5;
	(erf) = vrcp.f32 v4;
	v4 =	vld [tilespmem:s1+$0xAC00]  }
0x1a6: {  	v11 =	vmul.f32 $1.442695020e+00, v11;
	v3 =	vadd.f32 v13, v3;
	(erf) = vpow2.f32 v12;
	v12 =	vld [tilespmem:s12+$0x13800]  }
0x1a7: {  	v13 =	vld [tilespmem:s1+$0xB000];
	(erf) = vpow2.f32 v8;
	v8 =	vpop (erf)  }
0x1a8: {  	v7 =	vmul.f32 $1.442695020e+00, v7;
	(erf) = vpow2.f32 v11;
	v3 =	vadd.f32 v8, v3;
	v8 =	vpop (erf)  }
0x1a9: {  	v6 =	vld [tilespmem:s1+$0xB400];
	v9 =	vmul.f32 $1.442695020e+00, v9;
	(erf) = vpow2.f32 v5;
	v5 =	vpop (erf)  }
0x1aa: {  	(erf) = vpow2.f32 v7;
	v3 =	vadd.f32 v5, v3  }
0x1ab: {  	v4 =	vmul.f32 $1.442695020e+00, v4;
	v5 =	vpop (erf);
	(erf) = vpow2.f32 v9;
	v11 =	vshll.u32 v12, $0xA  }
0x1ac: {  	v9 =	vld [tilespmem:s1+$0xB800];
	v7 =	vpop (erf);
	(erf) = vpow2.f32 v10;
	v10 =	vadd.s32 s23, v11;
	v11 =	vmul.f32 $1.442695020e+00, v13  }
0x1ad: {  	v12 =	vpop (erf)  }
0x1ae: {  	v6 =	vmul.f32 $1.442695020e+00, v6;
	v5 =	vadd.f32 v5, v3;
	(erf) = vpow2.f32 v4;
	v3 =	vpop (erf)  }
0x1af: {  	v13 =	vld [tilespmem:s1+$0xBC00];
	(erf) = vpow2.f32 v14;
	v4 =	vpop (erf)  }
0x1b0: {  	v7 =	vadd.f32 v12, v7;
	v5 =	vadd.f32 v8, v5;
	(erf) = vpow2.f32 v11;
	v11 =	vpop (erf)  }
0x1b1: {  	v10 =	vor.u32 s20, v10;
	v14 =	vpop (erf);
	(erf) = vpow2.f32 v2;
	v2 =	vmul.f32 $1.442695020e+00, v9  }
0x1b2: {  	v12 =	vld [tilespmem:s1+$0xC000];
	v5 =	vadd.f32 v11, v5;
	v7 =	vadd.f32 v14, v7;
	(erf) = vpow2.f32 v6;
	v6 =	vpop (erf)  }
0x1b3: {  	v10 =	vor.u32 v0, v10;
	v8 =	vld [tilespmem:s1+$0xC800];
	v11 =	vpop (erf)  }
0x1b4: {  	v9 =	vld [tilespmem:s1+$0xC400];
	v5 =	vadd.f32 v6, v5;
	v6 =	vadd.f32 v11, v7;
	v7 =	vmul.f32 $1.442695020e+00, v13  }
0x1b5: {  	(erf) = vpow2.f32 v2;
	v2 =	vpop (erf)  }
0x1b6: {  	v11 =	vpop (erf)  }
0x1b7: {  	v2 =	vadd.f32 v2, v5;
	v5 =	vadd.f32 v11, v6;
	v6 =	vmul.f32 $1.442695020e+00, v12  }
0x1b8: {  	v10 =	vld.idx.msk [tilespmem:v10+s31+$0x0], $0xffff;
	v8 =	vmul.f32 $1.442695020e+00, v8;
	(erf) = vpow2.f32 v7;
	v7 =	vpop (erf)  }
0x1b9: {  	v2 =	vadd.f32 v7, v2;
	v7 =	vmul.f32 $1.442695020e+00, v9  }
0x1ba: {  	v11 =	vld [tilespmem:s1+$0xCC00];
	(erf) = vpow2.f32 v8;
	v12 =	vpop (erf)  }
0x1bb: {  	v8 =	vld [tilespmem:s1+$0xD000];
	(erf) = vpow2.f32 v6;
	v5 =	vadd.f32 v12, v5;
	v6 =	vpop (erf)  }
0x1bc: {  	v9 =	vpop (erf);
	v2 =	vadd.f32 v6, v2  }
0x1bd: {  	(erf) = vpow2.f32 v7;
	v6 =	vmul.f32 $1.442695020e+00, v10;
	v5 =	vadd.f32 v9, v5;
	v7 =	vpop (erf)  }
0x1be: {  	v9 =	vld [tilespmem:s1+$0xD400];
	v10 =	vpop (erf);
	v2 =	vadd.f32 v7, v2  }
0x1bf: {  	v7 =	vmul.f32 $1.442695020e+00, v11;
	(erf) = vpow2.f32 v6;
	v6 =	vld [tilespmem:s1+$0xD800];
	v5 =	vadd.f32 v10, v5  }
0x1c0: {  	v8 =	vmul.f32 $1.442695020e+00, v8;
	v10 =	vpop (erf);
	(erf) = vrcp.f32 v2;
	v2 =	vld [tilespmem:s1+$0xDC00]  }
0x1c1: {  	v5 =	vadd.f32 v10, v5;
	(erf) = vpow2.f32 v7  }
0x1c2: {  	v7 =	vld [tilespmem:s1+$0x13800];
	v10 =	vpop (erf)  }
0x1c3: {  	v11 =	vld [tilespmem:s1+$0xE000];
	v9 =	vmul.f32 $1.442695020e+00, v9;
	(erf) = vpow2.f32 v8;
	v5 =	vadd.f32 v10, v5;
	v10 =	vpop (erf)  }
0x1c4: {  	v6 =	vmul.f32 $1.442695020e+00, v6;
	v8 =	vpop (erf)  }
0x1c5: {  	(erf) = vpow2.f32 v9;
	v5 =	vadd.f32 v8, v5;
	v2 =	vmul.f32 $1.442695020e+00, v2  }
0x1c6: {  	v8 =	vpop (erf)  }
0x1c7: {  	(erf) = vpow2.f32 v6;
	v7 =	vshll.u32 v7, $0xA;
	v5 =	vadd.f32 v8, v5  }
0x1c8: {  	v6 =	vmul.f32 $1.442695020e+00, v11;
	v7 =	vadd.s32 s10, v7;
	v8 =	vpop (erf)  }
0x1c9: {  	(erf) = vpow2.f32 v2;
	v7 =	vor.u32 s24, v7;
	v5 =	vadd.f32 v10, v5;
	v2 =	vpop (erf)  }
0x1ca: {  	v7 =	vor.u32 v0, v7;
	v9 =	vpop (erf)  }
0x1cb: {  	(erf) = vpow2.f32 v6;
	v5 =	vadd.f32 v9, v5  }
0x1cc: {  	v6 =	vpop (erf)  }
0x1cd: {  	v5 =	vadd.f32 v6, v5  }
0x1ce: {  	v6 =	vpop (erf)  }
0x1cf: {  	v7 =	vld.idx.msk [tilespmem:v7+s31+$0x0], $0xffff;
	v5 =	vadd.f32 v6, v5  }
0x1d0: {  	v6 =	vpop (erf)  }
0x1d1: {  	v5 =	vadd.f32 v6, v5  }
0x1d2: {  	v6 =	vpop (erf)  }
0x1d3: {  	v5 =	vadd.f32 v6, v5  }
0x1d4: {  	v6 =	vmul.f32 $1.442695020e+00, v7;
	v7 =	vpop (erf)  }
0x1d5: {  	v5 =	vadd.f32 v7, v5  }
0x1d6: {  	(erf) = vpow2.f32 v6  }
0x1d7: {  	(erf) = vrcp.f32 v5;
	_ =	sdelay $0x4  }
0x1d8: {  	s3 =	simm.s32 @!p0 $0x400  }
0x1d9: {  	s12 =	simm.s32 @!p0 $0x9800;
	s1 =	sadd.s32 @!p0 s16, s13;
	s10 =	simm.s32 @!p0 $0x40000  }
0x1da: {  	[tilespmem:s12], [sflag:$0x3] =	stream.strided.gather @!p0 [hbm4b:s1+s3], $0x4C00, s10, s3, $0x38;
	[tilespmem:$0x14080] =	vst v63  }
0x1db: {  	s1 =	sadd.s32 @!p0 s18, s14;
	s3 =	simm.s32 @!p0 $0x0;
	s10 =	simm.s32 @!p0 $0x13800;
	v5 =	vpop (erf)  }
0x1dc: {  	[tilespmem:s10], [sflag:$0x3] =	stream.linear.gather @!p0 [hbm4b:s1+s3], $0x400, $0x38;
	v6 =	vpop (erf);
	[tilespmem:$0x14080] =	vst v63  }
0x1dd: {  	_ =	swait.ge [sflag:s9], $0x4C00  }
0x1de: {  	[sflag:s9] =	ssyncset.done $0x0  }
0x1df: {  	[sflag:s9] =	ssyncadd.s32 $0xFFFFB400  }
0x1e0: {  	s16 =	simm.s32 $0x0;
	s18 =	simm.s32 $0x0;
	_ =	swait.ge [sflag:s9], $0x400  }
0x1e1: {  	s1 =	sand.u32 $0x70, s16;
	s3 =	sand.u32 $0xFFFFFF80, s18;
	[sflag:s9] =	ssyncset.done $0x0  }
0x1e2: {  	s20 =	sor.u32 s1, s3;
	[sflag:s9] =	ssyncadd.s32 $0xFFFFFC00  }
0x1e3: {  	v7 =	vld [tilespmem:s20+$0xE400]  }
0x1e4: {  	v9 =	vld [tilespmem:s20+$0xE800];
	_ =	sdelay $0x1  }
0x1e5: {  	v10 =	vld [tilespmem:s20+$0xEC00];
	_ =	sdelay $0x1  }
0x1e6: {  	v11 =	vld [tilespmem:s20+$0xF000];
	v7 =	vmul.f32 $1.442695020e+00, v7  }
0x1e7: {  	v9 =	vmul.f32 $1.442695020e+00, v9  }
0x1e8: {  	(erf) = vpow2.f32 v7;
	v7 =	vld [tilespmem:s20+$0xF400]  }
0x1e9: {  	(erf) = vpow2.f32 v9;
	v9 =	vmul.f32 $1.442695020e+00, v10;
	v10 =	vld [tilespmem:s20+$0xF800];
	_ =	sdelay $0x1  }
0x1ea: {  	v11 =	vmul.f32 $1.442695020e+00, v11;
	(erf) = vpow2.f32 v9;
	_ =	sdelay $0x1  }
0x1eb: {  	v9 =	vld [tilespmem:s20+$0xFC00];
	(erf) = vpow2.f32 v11;
	v7 =	vmul.f32 $1.442695020e+00, v7  }
0x1ec: {  	v10 =	vmul.f32 $1.442695020e+00, v10  }
0x1ed: {  	v11 =	vld [tilespmem:s20+$0x10000];
	(erf) = vpow2.f32 v7;
	_ =	sdelay $0x1  }
0x1ee: {  	v7 =	vld [tilespmem:s20+$0x10400];
	v12 =	vpop (erf)  }
0x1ef: {  	v13 =	vld [tilespmem:s20+$0x10800];
	v9 =	vmul.f32 $1.442695020e+00, v9;
	(erf) = vpow2.f32 v10;
	v10 =	vpop (erf)  }
0x1f0: {  	v14 =	vld [tilespmem:s20+$0x11400];
	v10 =	vadd.f32 v10, v12  }
0x1f1: {  	v11 =	vmul.f32 $1.442695020e+00, v11;
	(erf) = vpow2.f32 v9;
	v12 =	vpop (erf)  }
0x1f2: {  	s23 =	simm.s32 $0x10;
	s24 =	simm.s32 $0x10;
	v9 =	vld [tilespmem:s20+$0x10C00];
	v10 =	vadd.f32 v12, v10  }
0x1f3: {  	s16 =	sand.u32 $0x70, s24;
	s18 =	sand.u32 $0xFFFFFF80, s23;
	v15 =	vld [tilespmem:s20+$0x12C00];
	(erf) = vpow2.f32 v11;
	v7 =	vmul.f32 $1.442695020e+00, v7;
	v12 =	vpop (erf)  }
0x1f4: {  	s12 =	sor.u32 s16, s18;
	v11 =	vld [tilespmem:s20+$0x11000];
	v10 =	vadd.f32 v12, v10;
	v12 =	vmul.f32 $1.442695020e+00, v13  }
0x1f5: {  	(erf) = vpow2.f32 v7;
	v7 =	vld [tilespmem:s12+$0xE400];
	v13 =	vmul.f32 $1.442695020e+00, v14;
	v14 =	vpop (erf)  }
0x1f6: {  	v3 =	vmul.f32 v4, v3;
	v10 =	vadd.f32 v14, v10;
	v14 =	vld [tilespmem:s12+$0xE800]  }
0x1f7: {  	v4 =	vld [tilespmem:s20+$0x11800];
	v9 =	vmul.f32 $1.442695020e+00, v9;
	(erf) = vpow2.f32 v12  }
0x1f8: {  	v1 =	vadd.f32 v3, v1;
	v2 =	vmul.f32 v2, v8;
	(erf) = vpow2.f32 v13;
	v13 =	vld [tilespmem:s12+$0xEC00];
	v12 =	vpop (erf)  }
0x1f9: {  	v11 =	vmul.f32 $1.442695020e+00, v11;
	(erf) = vpow2.f32 v9;
	v9 =	vld [tilespmem:s12+$0xF000];
	v10 =	vadd.f32 v12, v10  }
0x1fa: {  	v1 =	vadd.f32 v2, v1;
	v5 =	vmul.f32 v6, v5;
	v6 =	vld [tilespmem:s20+$0x11C00];
	v7 =	vmul.f32 $1.442695020e+00, v7;
	v8 =	vpop (erf)  }
0x1fb: {  	v2 =	vld [tilespmem:s12+$0xFC00];
	(erf) = vpow2.f32 v11;
	v8 =	vadd.f32 v8, v10;
	v11 =	vmul.f32 $1.442695020e+00, v14  }
0x1fc: {  	v4 =	vmul.f32 $1.442695020e+00, v4;
	(erf) = vpow2.f32 v7;
	v7 =	vld [tilespmem:s20+$0x12000];
	v14 =	vpop (erf)  }
0x1fd: {  	v10 =	vld [tilespmem:s20+$0x12400];
	v13 =	vmul.f32 $1.442695020e+00, v13;
	v8 =	vadd.f32 v14, v8;
	(erf) = vpow2.f32 v11  }
0x1fe: {  	v11 =	vld [tilespmem:s12+$0xF400];
	v14 =	vpop (erf);
	(erf) = vpow2.f32 v4;
	v4 =	vmul.f32 $1.442695020e+00, v9  }
0x1ff: {  	v6 =	vmul.f32 $1.442695020e+00, v6;
	v12 =	vmul.f32 $1.442695020e+00, v15;
	v15 =	vld [tilespmem:s12+$0xF800];
	v8 =	vadd.f32 v14, v8  }
0x200: {  	v3 =	vld [tilespmem:s20+$0x13C00];
	(erf) = vpow2.f32 v13;
	v9 =	vpop (erf)  }
0x201: {  	v16 =	vld [tilespmem:s20+$0x12800];
	v2 =	vmul.f32 $1.442695020e+00, v2;
	(erf) = vpow2.f32 v6;
	v8 =	vadd.f32 v9, v8;
	v9 =	vpop (erf)  }
0x202: {  	v6 =	vmul.f32 $1.442695020e+00, v7;
	(erf) = vpow2.f32 v4;
	v4 =	vpop (erf)  }
0x203: {  	v14 =	vld [tilespmem:s12+$0x10000];
	v7 =	vmul.f32 $1.442695020e+00, v10;
	v10 =	vmul.f32 $1.442695020e+00, v11;
	v4 =	vadd.f32 v4, v8  }
0x204: {  	v1 =	vadd.f32 v5, v1;
	v63 =	vld [tilespmem:s12+$0x12C00];
	v5 =	vpop (erf);
	(erf) = vpow2.f32 v6;
	v8 =	vmul.f32 $1.442695020e+00, v15  }
0x205: {  	v6 =	vld [tilespmem:s12+$0x10400];
	(erf) = vpow2.f32 v10;
	v10 =	vshll.u32 v3, $0xA;
	v5 =	vadd.f32 v5, v4  }
0x206: {  	v13 =	vmul.f32 $1.442695020e+00, v16;
	v3 =	vld [tilespmem:s12+$0x12800];
	v11 =	vpop (erf);
	v10 =	vadd.s32 s3, v10;
	(erf) = vpow2.f32 v7  }
0x207: {  	v4 =	vld [tilespmem:s12+$0x11400];
	(erf) = vpow2.f32 v8;
	v15 =	vadd.f32 v9, v5;
	v9 =	vor.u32 s1, v10  }
0x208: {  	s28 =	simm.s32 $0x20;
	v14 =	vmul.f32 $1.442695020e+00, v14;
	s3 =	simm.s32 $0x20;
	v7 =	vpop (erf);
	v8 =	vld [tilespmem:s12+$0x10800];
	(erf) = vpow2.f32 v13;
	v10 =	vor.u32 v0, v9  }
0x209: {  	s10 =	sand.u32 $0xFFFFFF80, s28;
	s20 =	sand.u32 $0x70, s3;
	v5 =	vld [tilespmem:s12+$0x11000];
	v7 =	vadd.f32 v7, v11;
	v11 =	vpop (erf);
	(erf) = vpow2.f32 v2  }
0x20a: {  	s1 =	sor.u32 s20, s10;
	v9 =	vld [tilespmem:s12+$0x10C00];
	v2 =	vpop (erf);
	v15 =	vadd.f32 v11, v15;
	(erf) = vpow2.f32 v12  }
0x20b: {  	v11 =	vmul.f32 $1.442695020e+00, v6;
	v6 =	vld [tilespmem:s1+$0xE400];
	v13 =	vadd.f32 v2, v7;
	v12 =	vpop (erf);
	(erf) = vpow2.f32 v14  }
0x20c: {  	s23 =	simm.s32 $0x3;
	v7 =	vld [tilespmem:s1+$0xE800];
	v2 =	vmul.f32 $1.442695020e+00, v63;
	v14 =	vpop (erf);
	v12 =	vadd.f32 v12, v15  }
.LBB2_9:
0x20d: {  	p1 =	sne.s32 s23, $0x3F;
	v13 =	vadd.f32 v14, v13;
	v18 =	vmul.f32 $1.442695020e+00, v8;
	(erf) = vpow2.f32 v11;
	v10 =	vld.idx.msk [tilespmem:v10+s0+$0x0], $0xffff;
	v11 =	vpop (erf)  }
0x20e: {  	v4 =	vmul.f32 $1.442695020e+00, v4;
	v15 =	vmul.f32 $1.442695020e+00, v3;
	v14 =	vld [tilespmem:s12+$0x13C00];
	v3 =	vpop (erf);
	v11 =	vadd.f32 v11, v12  }
0x20f: {  	v12 =	vld [tilespmem:s12+$0x12400];
	v3 =	vadd.f32 v3, v13;
	v17 =	vmul.f32 $1.442695020e+00, v9;
	(erf) = vpow2.f32 v18;
	v8 =	vpop (erf)  }
0x210: {  	v5 =	vmul.f32 $1.442695020e+00, v5;
	v13 =	vld [tilespmem:s12+$0x11800];
	v16 =	vpop (erf);
	(erf) = vpow2.f32 v4;
	v4 =	vadd.f32 v8, v11  }
0x211: {  	v6 =	vmul.f32 $1.442695020e+00, v6;
	v8 =	vld [tilespmem:s1+$0xEC00];
	v3 =	vadd.f32 v16, v3;
	(erf) = vpow2.f32 v17;
	v9 =	vpop (erf)  }
0x212: {  	v7 =	vmul.f32 $1.442695020e+00, v7;
	v11 =	vld [tilespmem:s12+$0x11C00];
	v16 =	vpop (erf);
	(erf) = vpow2.f32 v5;
	v4 =	vadd.f32 v9, v4  }
0x213: {  	v5 =	vld [tilespmem:s1+$0xF000];
	(erf) = vpow2.f32 v6;
	v3 =	vadd.f32 v16, v3;
	v6 =	vmul.f32 $1.442695020e+00, v10;
	v9 =	vpop (erf)  }
0x214: {  	(erf) = vpow2.f32 v7;
	v7 =	vld [tilespmem:s12+$0x12000];
	v10 =	vmul.f32 $1.442695020e+00, v12;
	v12 =	vpop (erf);
	v4 =	vadd.f32 v9, v4;
	s12 =	smov.u32 s1  }
0x215: {  	v9 =	vld [tilespmem:s12+$0xF400];
	v3 =	vadd.f32 v12, v3;
	v12 =	vmul.f32 $1.442695020e+00, v13;
	(erf) = vpow2.f32 v6  }
0x216: {  	v6 =	vld [tilespmem:s12+$0x10000];
	v16 =	vmul.f32 $1.442695020e+00, v8;
	v13 =	vpop (erf);
	(erf) = vrcp.f32 v4  }
0x217: {  	v4 =	vld [tilespmem:s12+$0xF800];
	v3 =	vadd.f32 v13, v3;
	v11 =	vmul.f32 $1.442695020e+00, v11;
	(erf) = vpow2.f32 v12  }
0x218: {  	v17 =	vmul.f32 $1.442695020e+00, v5;
	(erf) = vpow2.f32 v16;
	v8 =	vpop (erf)  }
0x219: {  	v12 =	vld [tilespmem:s12+$0xFC00];
	v3 =	vadd.f32 v8, v3;
	v7 =	vmul.f32 $1.442695020e+00, v7;
	v13 =	vpop (erf);
	(erf) = vpow2.f32 v11  }
0x21a: {  	v8 =	vmul.f32 $1.442695020e+00, v9;
	(erf) = vpow2.f32 v17;
	v5 =	vpop (erf)  }
0x21b: {  	v16 =	vld [tilespmem:s12+$0x12C00];
	v17 =	vmul.f32 $1.442695020e+00, v6;
	v5 =	vadd.f32 v5, v3;
	v6 =	vpop (erf);
	(erf) = vpow2.f32 v7  }
0x21c: {  	v7 =	vld [tilespmem:s12+$0x10400];
	v20 =	vmul.f32 $1.442695020e+00, v4;
	v11 =	vpop (erf);
	(erf) = vpow2.f32 v8;
	v4 =	vshll.u32 v14, $0xA  }
0x21d: {  	v3 =	vld [tilespmem:s12+$0x12800];
	v14 =	vpop (erf);
	v8 =	vadd.s32 s18, v4;
	v5 =	vadd.f32 v6, v5;
	(erf) = vpow2.f32 v10;
	s18 =	smov.u32 s10  }
0x21e: {  	v4 =	vld [tilespmem:s12+$0x11400];
	v19 =	vmul.f32 $1.442695020e+00, v12;
	(erf) = vpow2.f32 v20;
	v18 =	vor.u32 s16, v8;
	v12 =	vpop (erf);
	s16 =	smov.u32 s20  }
.Ltmp5:
0x21f: {  	s3 =	sadd.s32 $0x10, s3;
	s1 =	sshll.u32 s23, $0x4;
	v8 =	vld [tilespmem:s12+$0x10800];
	v13 =	vadd.f32 v13, v5;
	v10 =	vor.u32 v0, v18;
	(erf) = vpow2.f32 v15;
	v9 =	vpop (erf);
	(pc) =	sbr.rel @p1 .LBB2_9-.Ltmp5, $4  }
0x220: {  	s10 =	sand.u32 $0xFFFFFF80, s1;
	s20 =	sand.u32 $0x70, s3;
	v18 =	vadd.f32 v14, v11;
	v5 =	vld [tilespmem:s12+$0x11000];
	(erf) = vpow2.f32 v19;
	v6 =	vpop (erf);
	v12 =	vmul.f32 v9, v12  }
0x221: {  	s1 =	sor.u32 s20, s10;
	v9 =	vld [tilespmem:s12+$0x10C00];
	v11 =	vmul.f32 $1.442695020e+00, v7;
	v7 =	vpop (erf);
	v15 =	vadd.f32 v6, v13;
	(erf) = vpow2.f32 v2  }
0x222: {  	v6 =	vld [tilespmem:s1+$0xE400];
	v13 =	vadd.f32 v7, v18;
	(erf) = vpow2.f32 v17;
	v17 =	vpop (erf);
	v1 =	vadd.f32 v12, v1  }
0x223: {  	s23 =	sadd.s32 $0x1, s23;
	v2 =	vmul.f32 $1.442695020e+00, v16;
	v7 =	vld [tilespmem:s1+$0xE800];
	v14 =	vpop (erf);
	v12 =	vadd.f32 v17, v15  }
0x224: {  	_ =	sdelay $0x2  }
0x225: {  	v13 =	vadd.f32 v14, v13;
	v8 =	vmul.f32 $1.442695020e+00, v8;
	(erf) = vpow2.f32 v11;
	v37 =	vpop (erf)  }
0x226: {  	v10 =	vld.idx.msk [tilespmem:v10+s0+$0x0], $0xffff;
	v4 =	vmul.f32 $1.442695020e+00, v4;
	v3 =	vmul.f32 $1.442695020e+00, v3;
	v38 =	vpop (erf);
	v11 =	vadd.f32 v37, v12  }
0x227: {  	v39 =	vld [tilespmem:s12+$0x12400];
	v13 =	vadd.f32 v38, v13;
	v9 =	vmul.f32 $1.442695020e+00, v9;
	(erf) = vpow2.f32 v8;
	v40 =	vpop (erf)  }
0x228: {  	v41 =	vld [tilespmem:s12+$0x11800];
	v5 =	vmul.f32 $1.442695020e+00, v5;
	v15 =	vpop (erf);
	(erf) = vpow2.f32 v4;
	v42 =	vadd.f32 v40, v11  }
0x229: {  	v43 =	vld [tilespmem:s1+$0xEC00];
	v6 =	vmul.f32 $1.442695020e+00, v6;
	v44 =	vadd.f32 v15, v13;
	(erf) = vpow2.f32 v9;
	v45 =	vpop (erf)  }
0x22a: {  	v46 =	vld [tilespmem:s12+$0x11C00];
	v7 =	vmul.f32 $1.442695020e+00, v7;
	v47 =	vpop (erf);
	(erf) = vpow2.f32 v5;
	v4 =	vadd.f32 v45, v42  }
0x22b: {  	v48 =	vld [tilespmem:s1+$0xF000];
	v50 =	vmul.f32 $1.442695020e+00, v10;
	(erf) = vpow2.f32 v6;
	v51 =	vpop (erf)  }
0x22c: {  	v52 =	vld [tilespmem:s12+$0x12000];
	v49 =	vadd.f32 v47, v44;
	(erf) = vpow2.f32 v7;
	v4 =	vadd.f32 v51, v4  }
0x22d: {  	v55 =	vld [tilespmem:s1+$0xF400];
	v56 =	vmul.f32 $1.442695020e+00, v41;
	v54 =	vpop (erf);
	(erf) = vpow2.f32 v50  }
0x22e: {  	v59 =	vld [tilespmem:s1+$0xF800];
	v8 =	vmul.f32 $1.442695020e+00, v43;
	v6 =	vadd.f32 v54, v49;
	(erf) = vrcp.f32 v4  }
0x22f: {  	v60 =	vld [tilespmem:s12+$0x13C00];
	v13 =	vmul.f32 $1.442695020e+00, v46;
	v58 =	vpop (erf);
	(erf) = vpow2.f32 v56  }
0x230: {  	v62 =	vld [tilespmem:s1+$0xFC00];
	v5 =	vmul.f32 $1.442695020e+00, v48;
	v6 =	vadd.f32 v58, v6;
	(erf) = vpow2.f32 v8  }
0x231: {  	v7 =	vmul.f32 $1.442695020e+00, v52;
	v61 =	vpop (erf);
	(erf) = vpow2.f32 v13  }
0x232: {  	v57 =	vld [tilespmem:s1+$0x10000];
	v10 =	vmul.f32 $1.442695020e+00, v55;
	v6 =	vadd.f32 v61, v6;
	v63 =	vpop (erf);
	(erf) = vpow2.f32 v5  }
0x233: {  	v53 =	vmul.f32 $1.442695020e+00, v39;
	v15 =	vpop (erf);
	(erf) = vpow2.f32 v7  }
0x234: {  	v18 =	vld [tilespmem:s1+$0x10400];
	v4 =	vmul.f32 $1.442695020e+00, v59;
	v5 =	vadd.f32 v15, v6;
	v16 =	vpop (erf);
	(erf) = vpow2.f32 v10  }
0x235: {  	v12 =	vshll.u32 v60, $0xA;
	v21 =	vmul.f32 $1.442695020e+00, v62;
	v17 =	vpop (erf);
	(erf) = vpow2.f32 v53  }
0x236: {  	v20 =	vadd.s32 s18, v12;
	v19 =	vpop (erf);
	v5 =	vadd.f32 v16, v5;
	(erf) = vpow2.f32 v4  }
0x237: {  	v9 =	vmul.f32 $1.442695020e+00, v57;
	v6 =	vor.u32 s16, v20;
	v22 =	vpop (erf);
	(erf) = vpow2.f32 v3  }
0x238: {  	v23 =	vld [tilespmem:s1+$0x10800];
	v6 =	vor.u32 v0, v6;
	v5 =	vadd.f32 v63, v5;
	v3 =	vpop (erf);
	(erf) = vpow2.f32 v21  }
0x239: {  	v24 =	vld [tilespmem:s1+$0x11400];
	v7 =	vadd.f32 v19, v17;
	v25 =	vpop (erf);
	(erf) = vpow2.f32 v2;
	v2 =	vmul.f32 $1.442695020e+00, v18  }
0x23a: {  	v26 =	vld [tilespmem:s1+$0x10C00];
	v27 =	vpop (erf);
	v5 =	vadd.f32 v25, v5  }
0x23b: {  	v7 =	vadd.f32 v27, v7;
	(erf) = vpow2.f32 v9;
	v28 =	vpop (erf)  }
0x23c: {  	v29 =	vld [tilespmem:s1+$0x11000];
	v30 =	vpop (erf);
	v5 =	vadd.f32 v28, v5  }
0x23d: {  	v31 =	vmul.f32 $1.442695020e+00, v23;
	(erf) = vpow2.f32 v2;
	v7 =	vadd.f32 v30, v7;
	v2 =	vpop (erf)  }
0x23e: {  	v8 =	vmul.f32 $1.442695020e+00, v24;
	v6 =	vld.idx.msk [tilespmem:v6+s0+$0x0], $0xffff;
	v32 =	vpop (erf);
	v2 =	vadd.f32 v2, v5  }
0x23f: {  	v34 =	vmul.f32 $1.442695020e+00, v26;
	(erf) = vpow2.f32 v31;
	v33 =	vadd.f32 v32, v7;
	v35 =	vpop (erf)  }
0x240: {  	v36 =	vld [tilespmem:s1+$0x11800];
	(erf) = vpow2.f32 v8;
	v37 =	vpop (erf);
	v2 =	vadd.f32 v35, v2  }
0x241: {  	v38 =	vmul.f32 $1.442695020e+00, v29;
	(erf) = vpow2.f32 v34;
	v5 =	vadd.f32 v37, v33;
	v39 =	vpop (erf)  }
0x242: {  	v40 =	vld [tilespmem:s1+$0x11C00];
	v41 =	vpop (erf);
	v2 =	vadd.f32 v39, v2  }
0x243: {  	v6 =	vmul.f32 $1.442695020e+00, v6;
	(erf) = vpow2.f32 v38;
	v5 =	vadd.f32 v41, v5;
	v42 =	vpop (erf)  }
0x244: {  	v43 =	vld [tilespmem:s1+$0x12000];
	v44 =	vpop (erf);
	v2 =	vadd.f32 v42, v2  }
0x245: {  	v45 =	vmul.f32 $1.442695020e+00, v36;
	v46 =	vld [tilespmem:s1+$0x12400];
	(erf) = vpow2.f32 v6;
	v5 =	vadd.f32 v44, v5  }
0x246: {  	v47 =	vpop (erf);
	(erf) = vrcp.f32 v2;
	v2 =	vld [tilespmem:s1+$0x12800]  }
0x247: {  	v9 =	vmul.f32 $1.442695020e+00, v40;
	v5 =	vadd.f32 v47, v5;
	(erf) = vpow2.f32 v45  }
0x248: {  	v48 =	vld [tilespmem:s1+$0x13C00];
	v49 =	vpop (erf)  }
0x249: {  	v50 =	vld [tilespmem:s1+$0x12C00];
	v8 =	vmul.f32 $1.442695020e+00, v43;
	v51 =	vpop (erf);
	(erf) = vpow2.f32 v9;
	v5 =	vadd.f32 v49, v5  }
0x24a: {  	v6 =	vmul.f32 $1.442695020e+00, v46;
	v52 =	vpop (erf)  }
0x24b: {  	(erf) = vpow2.f32 v8;
	v5 =	vadd.f32 v52, v5;
	v2 =	vmul.f32 $1.442695020e+00, v2  }
0x24c: {  	v53 =	vpop (erf)  }
0x24d: {  	v7 =	vshll.u32 v48, $0xA;
	(erf) = vpow2.f32 v6;
	v5 =	vadd.f32 v53, v5  }
0x24e: {  	v54 =	vmul.f32 $1.442695020e+00, v50;
	v7 =	vadd.s32 s10, v7;
	v55 =	vpop (erf)  }
0x24f: {  	v7 =	vor.u32 s20, v7;
	(erf) = vpow2.f32 v2;
	v5 =	vadd.f32 v51, v5;
	v2 =	vpop (erf)  }
0x250: {  	v7 =	vor.u32 v0, v7;
	v56 =	vpop (erf)  }
0x251: {  	(erf) = vpow2.f32 v54;
	v5 =	vadd.f32 v56, v5  }
0x252: {  	v57 =	vpop (erf)  }
0x253: {  	v5 =	vadd.f32 v57, v5  }
0x254: {  	v58 =	vpop (erf)  }
0x255: {  	v7 =	vld.idx.msk [tilespmem:v7+s0+$0x0], $0xffff;
	v5 =	vadd.f32 v58, v5  }
0x256: {  	v59 =	vpop (erf)  }
0x257: {  	v5 =	vadd.f32 v59, v5  }
0x258: {  	v60 =	vpop (erf)  }
0x259: {  	v5 =	vadd.f32 v60, v5  }
0x25a: {  	v61 =	vmul.f32 $1.442695020e+00, v7;
	v62 =	vpop (erf)  }
0x25b: {  	v5 =	vadd.f32 v62, v5  }
0x25c: {  	(erf) = vpow2.f32 v61  }
0x25d: {  	(erf) = vrcp.f32 v5;
	_ =	sdelay $0x3  }
0x25e: {  	v3 =	vmul.f32 v3, v22;
	_ =	sdelay $0x3  }
0x25f: {  	v1 =	vadd.f32 v3, v1;
	v2 =	vmul.f32 v2, v55;
	v3 =	vpop (erf)  }
.Ltmp6:
0x260: {  	v63 =	vpop (erf);
	(pc) =	sbr.rel @p0 .LBB2_12-.Ltmp6, $2  }
0x261: {  	v1 =	vadd.f32 v2, v1;
	v2 =	vmul.f32 v63, v3;
	_ =	sdelay $0x1  }
0x262: {  	v1 =	vadd.f32 v2, v1;
	_ =	sdelay $0x1  }
0x263: {  	s1 =	sadd.s32 s15, s22  }
0x264: {  	s1 =	sshll.u32 s1, $0xC  }
0x265: {  	s3 =	sadd.s32 s5, s1  }
.Ltmp7:
0x266: {  	s1 =	sadd.s32 s6, s1;
	s3 =	sshrl.u32 s3, $0x3;
	(pc) =	sbr.rel .LBB2_2-.Ltmp7, $4  }
0x267: {  	s1 =	sshrl.u32 s1, $0x3;
	s3 =	sadd.s32 s3, s17  }
0x268: {  	[tilespmem:s0], [sflag:$0x4] =	stream.strided.gather [hbm4b:s3+s25], $0x4C00, s26, s25, $0x38;
	[tilespmem:$0x14080] =	vst v63  }
0x269: {  	s28 =	simm.s32 $0x13C00;
	s15 =	sadd.s32 $0x1, s15;
	s1 =	sadd.s32 s1, s19  }
0x26a: {  	[tilespmem:s28], [sflag:$0x4] =	stream.linear.gather [hbm4b:s1+s4], $0x400, $0x38;
	[tilespmem:$0x14080] =	vst v63  }
.LBB2_13:
0x26b: {  	_ =	sfence.sel $0x180000  }
0x26c: {  	[bflag:$0x0] =	sbarrier.arrive $0xFFFF  }
0x26d: {  	_ =	strace $0x90000047  }
0x26e: {  	s0 =	stileid.u32;
	[bflag:$0x2] =	sbarrier.arrive $0xFFFF  }
0x26f: {  	p0 =	sne.s32 s0, $0x0;
	s0 =	rddreg [dreg:$0x3]  }
0x270: {  	s0 =	sadd.s32 @!p0 $0x100000, s0  }
0x271: {  	[sflag:s0] =	ssyncadd.tile.s32 @!p0 $0x1;
	_ =	shalt  }
.Lfunc_end2:
_tile_overlayer_lowered:
.L_overlay_start_2:
0x272: {  	(tag) =	ssettag $0x2  }
0x273: {  	s0 =	rddreg [dreg:$0x0];
	s2 =	stileid.u32  }
0x274: {  	s1 =	rddreg [dreg:$0x1];
	p0 =	sne.s32 s2, $0x0  }
0x275: {  	s3 =	rddreg [dreg:$0x2];
	[bflag:$0x3] =	sbarrier.arrive $0xFFFF;
	s2 =	simm.s32 @!p0 $0x1C05  }
0x276: {  	[timem:s3], [sflag:s2] =	dma.local @!p0 [hbm:s0], s1  }
0x277: {  	s0 =	simm.s32 @!p0 $0x5  }
0x278: {  	_ =	swait.ge @!p0 [sflag:s0], s1  }
0x279: {  	s1 =	ssub.s32 @!p0 $0x0, s1;
	[sflag:s0] =	ssyncset.done @!p0 $0x0  }
0x27a: {  	[sflag:s0] =	ssyncadd.s32 @!p0 s1  }
0x27b: {  	[bflag:$0x3] =	sbarrier.arrive $0xFFFF  }
0x27c: {  	_ =	shalt  }

</sc_bundles>
